<compile_context>
chip_gen: v7x
topology: tpu7x:2x2x1
jax: 0.10.2.dev20260603
libtpu: 0.0.44.dev20260713+nightly
codegen_flags: <defaults>
</compile_context>

<pallas_src>
import functools

import jax
import jax.numpy as jnp
from jax import lax
from jax.experimental import pallas as pl
from jax.experimental.pallas import tpu as pltpu
from jax.experimental.pallas import tpu_sc as plsc

NH = 32
N = 4096
E = 256
B = 2
NKEEP = 2048
ROWS = B * N
DUMP = B * NKEEP


def _gm_body(x_ref, gm_ref):
    s = jnp.sum(x_ref[...], axis=1, keepdims=True)
    gm_ref[...] = jnp.abs(s / jnp.float32(N))


def _gm(x):
    return pl.pallas_call(
        _gm_body,
        grid=(B,),
        in_specs=[pl.BlockSpec((1, N, E), lambda b: (b, 0, 0))],
        out_specs=pl.BlockSpec((1, 1, E), lambda b: (b, 0, 0)),
        out_shape=jax.ShapeDtypeStruct((B, 1, E), jnp.float32),
    )(x)


_KR = 256


def _knn_body(cq_ref, cqT_ref, idx_ref):
    b = pl.program_id(0)
    ck = cq_ref[0]
    qT = cqT_ref[0]
    dots = lax.dot_general(qT, ck, (((1,), (0,)), ((), ())),
                           precision=lax.Precision.DEFAULT,
                           preferred_element_type=jnp.float32)
    sqk = ck * ck
    k2 = (sqk[0:1] + sqk[1:2]) + sqk[2:3]
    sqq = qT * qT
    q2t = (sqq[:, 0:1] + sqq[:, 1:2]) + sqq[:, 2:3]
    d = (q2t + k2) - 2.0 * dots
    iota = lax.broadcasted_iota(jnp.int32, (_KR, N), 1)
    base = b * N
    for m in range(NH):
        mn = jnp.min(d, axis=1, keepdims=True)
        am = jnp.min(jnp.where(d == mn, iota, N), axis=1, keepdims=True)
        idx_ref[:, m:m + 1] = am + base
        d = jnp.where(iota == am, jnp.float32(jnp.inf), d)


def _knn(cq, cqT):
    return pl.pallas_call(
        _knn_body,
        grid=(B, N // _KR),
        in_specs=[pl.BlockSpec((1, 3, N), lambda b, t: (b, 0, 0)),
                  pl.BlockSpec((1, _KR, 3), lambda b, t: (b, t, 0))],
        out_specs=pl.BlockSpec((_KR, NH), lambda b, t: (b * (N // _KR) + t, 0)),
        out_shape=jax.ShapeDtypeStruct((ROWS, NH), jnp.int32),
    )(cq, cqT)


try:
    _info = plsc.get_sparse_core_info()
    _NC, _NS = _info.num_cores, _info.num_subcores
except Exception:
    _NC, _NS = 2, 16
_NW = _NC * _NS
_GROWS = ROWS * NH
_CH = 128
_NCHUNK = _GROWS // (_NW * _CH)


def _gather_sc(xf, idxf):
    mesh = plsc.VectorSubcoreMesh(core_axis_name="c", subcore_axis_name="s")
    niter = _NCHUNK // 2

    @functools.partial(
        pl.kernel, mesh=mesh,
        out_type=jax.ShapeDtypeStruct((_GROWS, E), jnp.float32),
        scratch_types=[
            pltpu.VMEM((2, _CH), jnp.int32),
            pltpu.VMEM((_CH, E), jnp.float32),
            pltpu.VMEM((_CH, E), jnp.float32),
            pltpu.SemaphoreType.DMA,
            pltpu.SemaphoreType.DMA,
            pltpu.SemaphoreType.DMA,
        ],
    )
    def k(x_hbm, idx_hbm, out_hbm, idx_v, rows0_v, rows1_v, sem0, sem1, semo):
        wid = lax.axis_index("s") * _NC + lax.axis_index("c")
        r0 = wid * _NCHUNK
        pltpu.sync_copy(idx_hbm.at[r0], idx_v.at[0])
        pltpu.async_copy(x_hbm.at[idx_v.at[0]], rows0_v, sem0)

        def body(i, carry):
            r = r0 + 2 * i
            pltpu.sync_copy(idx_hbm.at[r + 1], idx_v.at[1])
            pltpu.async_copy(x_hbm.at[idx_v.at[1]], rows1_v, sem1)
            pltpu.make_async_copy(x_hbm.at[idx_v.at[0]], rows0_v, sem0).wait()
            pltpu.async_copy(rows0_v, out_hbm.at[pl.ds(r * _CH, _CH)],
                             semo).wait()

            @pl.when(i + 1 < niter)
            def _():
                pltpu.sync_copy(idx_hbm.at[r + 2], idx_v.at[0])
                pltpu.async_copy(x_hbm.at[idx_v.at[0]], rows0_v, sem0)

            pltpu.make_async_copy(x_hbm.at[idx_v.at[1]], rows1_v, sem1).wait()
            pltpu.async_copy(rows1_v, out_hbm.at[pl.ds((r + 1) * _CH, _CH)],
                             semo).wait()
            return carry

        lax.fori_loop(0, niter, body, 0)

    return k(xf, idxf)


def _stats_body(v_ref, gm_ref, ld_ref):
    v = v_ref[...]
    s = jnp.sum(v, axis=1)
    m = s / jnp.float32(NH)
    c = v - m[:, None, :]
    ss = jnp.sum(c * c, axis=1)
    st = jnp.sqrt(ss / jnp.float32(NH - 1))
    q = st / gm_ref[0]
    w = q[:, :128] + q[:, 128:]
    acc = w[:, 0:8]
    for mm in range(1, 16):
        acc = acc + w[:, 8 * mm:8 * mm + 8]
    b2 = acc[:, 0:4] + acc[:, 4:8]
    c2 = b2[:, 0:2] + b2[:, 2:4]
    r = c2[:, 0:1] + c2[:, 1:2]
    ld_ref[...] = jnp.broadcast_to(r, (64, 128))


def _stats(xnh, gm):
    return pl.pallas_call(
        _stats_body,
        grid=(ROWS // 64,),
        in_specs=[pl.BlockSpec((64, NH, E), lambda i: (i, 0, 0)),
                  pl.BlockSpec((1, 1, E), lambda i: (i // (N // 64), 0, 0))],
        out_specs=pl.BlockSpec((64, 128), lambda i: (i, 0)),
        out_shape=jax.ShapeDtypeStruct((ROWS, 128), jnp.float32),
    )(xnh, gm)


_RT = 512


def _rank_body(lda_ref, ldb_ref, rank_ref):
    t = pl.program_id(1)
    a = lda_ref[0][:, 0:1]
    bl = ldb_ref[0]
    il = lax.broadcasted_iota(jnp.int32, (_RT, N), 1)
    ir = lax.broadcasted_iota(jnp.int32, (_RT, N), 0) + t * _RT
    gt = (bl > a).astype(jnp.int32)
    eq = ((bl == a) & (il < ir)).astype(jnp.int32)
    cnt = jnp.sum(gt + eq, axis=1, keepdims=True)
    rank_ref[...] = jnp.broadcast_to(cnt, (1, _RT, 128))


def _rank(ldb128, ldrow):
    return pl.pallas_call(
        _rank_body,
        grid=(B, N // _RT),
        in_specs=[pl.BlockSpec((1, _RT, 128), lambda b, t: (b, t, 0)),
                  pl.BlockSpec((1, 1, N), lambda b, t: (b, 0, 0))],
        out_specs=pl.BlockSpec((1, _RT, 128), lambda b, t: (b, t, 0)),
        out_shape=jax.ShapeDtypeStruct((B, N, 128), jnp.int32),
    )(ldb128, ldrow)


_SROW = ROWS // 128
_SPW = _SROW // _NW


def _select_sc(ranks2d, xf, cpad):
    mesh = plsc.VectorSubcoreMesh(core_axis_name="c", subcore_axis_name="s")

    @functools.partial(
        pl.kernel, mesh=mesh,
        out_type=[jax.ShapeDtypeStruct((DUMP + 8, E), jnp.float32),
                  jax.ShapeDtypeStruct((DUMP + 8, 128), jnp.float32)],
        scratch_types=[
            pltpu.VMEM((_SPW, 128), jnp.int32),
            pltpu.VMEM((128,), jnp.int32),
            pltpu.VMEM((128, E), jnp.float32),
            pltpu.VMEM((128, 128), jnp.float32),
            pltpu.SemaphoreType.DMA,
        ],
    )
    def k(rk_hbm, x_hbm, c_hbm, xo_hbm, co_hbm, pos_v, rk_v, xrow_v, crow_v, sem):
        wid = lax.axis_index("s") * _NC + lax.axis_index("c")
        for rl in range(_SPW):
            r = wid * _SPW + rl
            b = r // (N // 128)
            pltpu.sync_copy(rk_hbm.at[r], rk_v)
            for j in range(8):
                rv = rk_v[pl.ds(j * 16, 16)]
                pos = jnp.where(rv < NKEEP, rv + b * NKEEP,
                                jnp.int32(DUMP + j))
                pos_v[rl, pl.ds(j * 16, 16)] = pos
            pltpu.sync_copy(x_hbm.at[pl.ds(r * 128, 128)], xrow_v)
            pltpu.async_copy(xrow_v, xo_hbm.at[pos_v.at[rl]], sem).wait()
            pltpu.sync_copy(c_hbm.at[pl.ds(r * 128, 128)], crow_v)
            pltpu.async_copy(crow_v, co_hbm.at[pos_v.at[rl]], sem).wait()

    return k(ranks2d, xf, cpad)


def kernel(x, coords):
    cq = coords[..., 0]
    cqT = jnp.swapaxes(cq, 1, 2)
    xf = x.reshape(ROWS, E)

    gm = _gm(x)
    idx = _knn(cq, cqT)
    idxf = idx.reshape(_GROWS // 128, 128)
    xnh = _gather_sc(xf, idxf).reshape(ROWS, NH, E)
    ldb = _stats(xnh, gm)
    ld = ldb[:, 0].reshape(B, N)

    ldb128 = ldb.reshape(B, N, 128)
    ldrow = ld.reshape(B, 1, N)
    ranks = _rank(ldb128, ldrow)[:, :, 0]
    ranks2d = ranks.reshape(_SROW, 128)

    cflat = jnp.swapaxes(cq, 1, 2).reshape(ROWS, 3)
    cpad = jnp.concatenate(
        [cflat, jnp.zeros((ROWS, 125), jnp.float32)], axis=1)
    xo_full, co_full = _select_sc(ranks2d, xf, cpad)

    x_out = xo_full[:DUMP].reshape(B, NKEEP, E)
    coords_out = jnp.swapaxes(co_full[:DUMP, :3].reshape(B, NKEEP, 3),
                              1, 2)[..., None]
    return (x_out, coords_out, ld)

# --- scband reference (transcript-rebuilt; emitter-appended) ---
"""Pipeline reference for scband-reduction-layer-8813272891666 (READ-ONLY COPY).

The authoritative reference and input builder live on the scoring server;
editing this copy changes nothing except your own understanding.
"""

import jax, jax.numpy as jnp
import numpy as np

P_REDUCTION = 0.5
NH = 32  # init nh=16, doubled in __init__


def _nn_layer(x, coords_q, coords_k, nh):
    # x: [b, n, e]; coords_*: [b, d, n, 1]
    cq = coords_q[..., 0]  # [b, d, n]
    ck = coords_k[..., 0]  # [b, d, n]
    q2 = jnp.sum(cq * cq, axis=1)  # [b, n]
    k2 = jnp.sum(ck * ck, axis=1)  # [b, n]
    dots = jnp.einsum('bdn,bdm->bnm', cq, ck)  # [b, n, n]
    dist2 = q2[:, :, None] + k2[:, None, :] - 2.0 * dots  # [b, n, n]
    _, idx = jax.lax.top_k(-dist2, nh)  # nearest nh neighbors, [b, n, nh]
    # gather neighbor features: x_nh[b,i,j,:] = x[b, idx[b,i,j], :]
    x_nh = jnp.take_along_axis(x[:, None, :, :], idx[..., None], axis=2)  # [b, n, nh, e]
    # relative coords of neighbors: [b, d, n, nh]
    ck_nh = jnp.take_along_axis(ck[:, :, None, :], idx[:, None, :, :], axis=3)
    rel_coords = cq[:, :, :, None] - ck_nh
    return x_nh, idx, rel_coords


def setup_inputs(seed: int = 0) -> dict:
    key = jax.random.key(seed)
    k1, k2 = jax.random.split(key)
    x = jax.random.normal(k1, (2, 4096, 256), dtype=jnp.float32)
    coords = jax.random.normal(k2, (2, 3, 4096, 1), dtype=jnp.float32)
    return {"x": x, "coords": coords}


def reference(x, coords):
    x_nh, _, rel_coords = _nn_layer(x, coords, coords, NH)
    b, n, nh, e = x_nh.shape
    global_m = jnp.abs(jnp.mean(x, axis=1))  # [b, e]
    local_s = jnp.std(x_nh, axis=-2, ddof=1)  # unbiased like torch.std, [b, n, e]
    local_dist = jnp.sum(local_s / global_m[:, None, :], axis=-1)  # [b, n]
    n_keep = int((1.0 - P_REDUCTION) * local_dist.shape[1])  # trunc like .long()
    _, indices = jax.lax.top_k(local_dist, n_keep)  # [b, n_keep], sorted desc
    x_out = jnp.take_along_axis(x, indices[:, :, None], axis=1)  # [b, n_keep, e]
    d = coords.shape[1]
    idxc = jnp.broadcast_to(indices[:, None, :, None], (b, d, n_keep, 1))
    coords_out = jnp.take_along_axis(coords, idxc, axis=2)  # [b, d, n_keep, 1]
    return (x_out, coords_out, local_dist)

if __name__ == "__main__":
    import jax
    _d = setup_inputs()
    print(jax.jit(kernel)(*tuple(_d.values())))

</pallas_src>

<mosaic_0001>
#map = affine_map<(d0, d1) -> (0, 0)>
module attributes {stable_mosaic.version = 14 : i64} {
  func.func @k(%arg0: i32, %arg1: i32, %arg2: memref<8192x256xf32, #tpu.memory_space<hbm>>, %arg3: memref<2048x128xi32, #tpu.memory_space<hbm>>, %arg4: memref<262144x256xf32, #tpu.memory_space<hbm>>, %arg5: memref<2x128xi32, #tpu.memory_space<vmem>>, %arg6: memref<128x256xf32, #tpu.memory_space<vmem>>, %arg7: memref<128x256xf32, #tpu.memory_space<vmem>>, %arg8: memref<!tpu.dma_semaphore, #tpu.memory_space<semaphore_mem>>, %arg9: memref<!tpu.dma_semaphore, #tpu.memory_space<semaphore_mem>>, %arg10: memref<!tpu.dma_semaphore, #tpu.memory_space<semaphore_mem>>) attributes {dimension_semantics = [#tpu.dimension_semantics<core_parallel>, #tpu.dimension_semantics<subcore_parallel>], iteration_bounds = array<i64: 2, 16>, scalar_prefetch = 0 : i64, scratch_operands = 6 : i64, tpu.core_type = #tpu.core_type<sc_vector_subcore>, window_params = [{transform_indices = #map}, {transform_indices = #map}, {transform_indices = #map}]} {
    %mul3A = arith.constant 2 : i32
    %mul3A_0 = arith.muli %arg1, %mul3A : i32
    %add3A = arith.addi %mul3A_0, %arg0 : i32
    %mul3A_1 = arith.constant 64 : i32
    %mul3A_2 = arith.muli %add3A, %mul3A_1 : i32
    %run_scoped3A = arith.constant 0 : i32
    "tpu.region"() ({
      %run_scoped3A_14 = tpu.sem_alloc : memref<!tpu.dma_semaphore, #tpu.memory_space<semaphore_mem>>
      %dma_start3A_15 = arith.constant 0 : i32
      %dma_start3A_16 = tpu.memref_slice %arg5[%run_scoped3A, %dma_start3A_15] : memref<2x128xi32, #tpu.memory_space<vmem>> -> memref<1x128xi32, #tpu.memory_space<vmem>>
      %dma_start3A_17 = tpu.memref_squeeze %dma_start3A_16 : memref<1x128xi32, #tpu.memory_space<vmem>> -> memref<128xi32, #tpu.memory_space<vmem>>
      %dma_start3A_18 = arith.constant 0 : i32
      %dma_start3A_19 = tpu.memref_slice %arg3[%mul3A_2, %dma_start3A_18] : memref<2048x128xi32, #tpu.memory_space<hbm>> -> memref<1x128xi32, #tpu.memory_space<hbm>>
      %dma_start3A_20 = tpu.memref_squeeze %dma_start3A_19 : memref<1x128xi32, #tpu.memory_space<hbm>> -> memref<128xi32, #tpu.memory_space<hbm>>
      %dma_start3A_21 = arith.constant 0 : i32
      %dma_start3A_22 = tpu.memref_slice %arg5[%run_scoped3A, %dma_start3A_21] : memref<2x128xi32, #tpu.memory_space<vmem>> -> memref<1x128xi32, #tpu.memory_space<vmem>>
      %dma_start3A_23 = tpu.memref_squeeze %dma_start3A_22 : memref<1x128xi32, #tpu.memory_space<vmem>> -> memref<128xi32, #tpu.memory_space<vmem>>
      %dma_start3A_24 = arith.constant 0 : i32
      %dma_start3A_25 = tpu.memref_slice %arg3[%mul3A_2, %dma_start3A_24] : memref<2048x128xi32, #tpu.memory_space<hbm>> -> memref<1x128xi32, #tpu.memory_space<hbm>>
      %dma_start3A_26 = tpu.memref_squeeze %dma_start3A_25 : memref<1x128xi32, #tpu.memory_space<hbm>> -> memref<128xi32, #tpu.memory_space<hbm>>
      tpu.enqueue_dma source(%dma_start3A_26 : memref<128xi32, #tpu.memory_space<hbm>>) target(%dma_start3A_23 : memref<128xi32, #tpu.memory_space<vmem>>) target_semaphore(%run_scoped3A_14 : memref<!tpu.dma_semaphore, #tpu.memory_space<semaphore_mem>>)
      %dma_wait3A = arith.constant 0 : i32
      %dma_wait3A_27 = tpu.memref_slice %arg5[%run_scoped3A, %dma_wait3A] : memref<2x128xi32, #tpu.memory_space<vmem>> -> memref<1x128xi32, #tpu.memory_space<vmem>>
      %dma_wait3A_28 = tpu.memref_squeeze %dma_wait3A_27 : memref<1x128xi32, #tpu.memory_space<vmem>> -> memref<128xi32, #tpu.memory_space<vmem>>
      %dma_wait3A_29 = arith.constant 0 : i32
      %dma_wait3A_30 = tpu.memref_slice %arg3[%mul3A_2, %dma_wait3A_29] : memref<2048x128xi32, #tpu.memory_space<hbm>> -> memref<1x128xi32, #tpu.memory_space<hbm>>
      %dma_wait3A_31 = tpu.memref_squeeze %dma_wait3A_30 : memref<1x128xi32, #tpu.memory_space<hbm>> -> memref<128xi32, #tpu.memory_space<hbm>>
      %dma_wait3A_32 = arith.constant 0 : i32
      %dma_wait3A_33 = tpu.memref_slice %arg5[%run_scoped3A, %dma_wait3A_32] : memref<2x128xi32, #tpu.memory_space<vmem>> -> memref<1x128xi32, #tpu.memory_space<vmem>>
      %dma_wait3A_34 = tpu.memref_squeeze %dma_wait3A_33 : memref<1x128xi32, #tpu.memory_space<vmem>> -> memref<128xi32, #tpu.memory_space<vmem>>
      %dma_wait3A_35 = arith.constant 0 : i32
      %dma_wait3A_36 = tpu.memref_slice %arg3[%mul3A_2, %dma_wait3A_35] : memref<2048x128xi32, #tpu.memory_space<hbm>> -> memref<1x128xi32, #tpu.memory_space<hbm>>
      %dma_wait3A_37 = tpu.memref_squeeze %dma_wait3A_36 : memref<1x128xi32, #tpu.memory_space<hbm>> -> memref<128xi32, #tpu.memory_space<hbm>>
      tpu.wait_dma2 semaphore(%run_scoped3A_14 : memref<!tpu.dma_semaphore, #tpu.memory_space<semaphore_mem>>) src(%dma_wait3A_37 : memref<128xi32, #tpu.memory_space<hbm>>) dst(%dma_wait3A_34 : memref<128xi32, #tpu.memory_space<vmem>>)
      tpu.yield
    }) : () -> ()
    %dma_start3A = arith.constant 0 : i32
    %dma_start3A_3 = arith.constant 0 : i32
    %dma_start3A_4 = tpu.memref_slice %arg5[%dma_start3A, %dma_start3A_3] : memref<2x128xi32, #tpu.memory_space<vmem>> -> memref<1x128xi32, #tpu.memory_space<vmem>>
    %dma_start3A_5 = tpu.memref_squeeze %dma_start3A_4 : memref<1x128xi32, #tpu.memory_space<vmem>> -> memref<128xi32, #tpu.memory_space<vmem>>
    %dma_start3A_6 = arith.constant 0 : i32
    %dma_start3A_7 = arith.constant 0 : i32
    %dma_start3A_8 = tpu.memref_slice %arg2[%dma_start3A_6, %dma_start3A_7] : memref<8192x256xf32, #tpu.memory_space<hbm>> -> memref<8192x256xf32, #tpu.memory_space<hbm>>
    tpu.enqueue_indirect_dma source(%dma_start3A_8 : memref<8192x256xf32, #tpu.memory_space<hbm>>) target(%arg6 : memref<128x256xf32, #tpu.memory_space<vmem>>) offsets(%dma_start3A_5 : memref<128xi32, #tpu.memory_space<vmem>>) semaphore(%arg8 : memref<!tpu.dma_semaphore, #tpu.memory_space<semaphore_mem>>)
    %scan3A = arith.constant 0 : i32
    %scan3A_9 = arith.constant 0 : i32
    %scan3A_10 = arith.constant 32 : i32
    %scan3A_11 = arith.addi %scan3A_9, %scan3A_10 : i32
    %scan3A_12 = arith.constant 1 : i32
    scf.for %scan3A_14 = %scan3A_9 to %scan3A_11 step %scan3A_12  : i32 {
      %mul3A_15 = arith.constant 2 : i32
      %mul3A_16 = arith.muli %mul3A_15, %scan3A_14 : i32
      %add3A_17 = arith.addi %mul3A_2, %mul3A_16 : i32
      %add3A_18 = arith.constant 1 : i32
      %add3A_19 = arith.addi %add3A_17, %add3A_18 : i32
      %run_scoped3A_20 = arith.constant 1 : i32
      "tpu.region"() ({
        %run_scoped3A_67 = tpu.sem_alloc : memref<!tpu.dma_semaphore, #tpu.memory_space<semaphore_mem>>
        %dma_start3A_68 = arith.constant 0 : i32
        %dma_start3A_69 = tpu.memref_slice %arg5[%run_scoped3A_20, %dma_start3A_68] : memref<2x128xi32, #tpu.memory_space<vmem>> -> memref<1x128xi32, #tpu.memory_space<vmem>>
        %dma_start3A_70 = tpu.memref_squeeze %dma_start3A_69 : memref<1x128xi32, #tpu.memory_space<vmem>> -> memref<128xi32, #tpu.memory_space<vmem>>
        %dma_start3A_71 = arith.constant 0 : i32
        %dma_start3A_72 = tpu.memref_slice %arg3[%add3A_19, %dma_start3A_71] : memref<2048x128xi32, #tpu.memory_space<hbm>> -> memref<1x128xi32, #tpu.memory_space<hbm>>
        %dma_start3A_73 = tpu.memref_squeeze %dma_start3A_72 : memref<1x128xi32, #tpu.memory_space<hbm>> -> memref<128xi32, #tpu.memory_space<hbm>>
        %dma_start3A_74 = arith.constant 0 : i32
        %dma_start3A_75 = tpu.memref_slice %arg5[%run_scoped3A_20, %dma_start3A_74] : memref<2x128xi32, #tpu.memory_space<vmem>> -> memref<1x128xi32, #tpu.memory_space<vmem>>
        %dma_start3A_76 = tpu.memref_squeeze %dma_start3A_75 : memref<1x128xi32, #tpu.memory_space<vmem>> -> memref<128xi32, #tpu.memory_space<vmem>>
        %dma_start3A_77 = arith.constant 0 : i32
        %dma_start3A_78 = tpu.memref_slice %arg3[%add3A_19, %dma_start3A_77] : memref<2048x128xi32, #tpu.memory_space<hbm>> -> memref<1x128xi32, #tpu.memory_space<hbm>>
        %dma_start3A_79 = tpu.memref_squeeze %dma_start3A_78 : memref<1x128xi32, #tpu.memory_space<hbm>> -> memref<128xi32, #tpu.memory_space<hbm>>
        tpu.enqueue_dma source(%dma_start3A_79 : memref<128xi32, #tpu.memory_space<hbm>>) target(%dma_start3A_76 : memref<128xi32, #tpu.memory_space<vmem>>) target_semaphore(%run_scoped3A_67 : memref<!tpu.dma_semaphore, #tpu.memory_space<semaphore_mem>>)
        %dma_wait3A_80 = arith.constant 0 : i32
        %dma_wait3A_81 = tpu.memref_slice %arg5[%run_scoped3A_20, %dma_wait3A_80] : memref<2x128xi32, #tpu.memory_space<vmem>> -> memref<1x128xi32, #tpu.memory_space<vmem>>
        %dma_wait3A_82 = tpu.memref_squeeze %dma_wait3A_81 : memref<1x128xi32, #tpu.memory_space<vmem>> -> memref<128xi32, #tpu.memory_space<vmem>>
        %dma_wait3A_83 = arith.constant 0 : i32
        %dma_wait3A_84 = tpu.memref_slice %arg3[%add3A_19, %dma_wait3A_83] : memref<2048x128xi32, #tpu.memory_space<hbm>> -> memref<1x128xi32, #tpu.memory_space<hbm>>
        %dma_wait3A_85 = tpu.memref_squeeze %dma_wait3A_84 : memref<1x128xi32, #tpu.memory_space<hbm>> -> memref<128xi32, #tpu.memory_space<hbm>>
        %dma_wait3A_86 = arith.constant 0 : i32
        %dma_wait3A_87 = tpu.memref_slice %arg5[%run_scoped3A_20, %dma_wait3A_86] : memref<2x128xi32, #tpu.memory_space<vmem>> -> memref<1x128xi32, #tpu.memory_space<vmem>>
        %dma_wait3A_88 = tpu.memref_squeeze %dma_wait3A_87 : memref<1x128xi32, #tpu.memory_space<vmem>> -> memref<128xi32, #tpu.memory_space<vmem>>
        %dma_wait3A_89 = arith.constant 0 : i32
        %dma_wait3A_90 = tpu.memref_slice %arg3[%add3A_19, %dma_wait3A_89] : memref<2048x128xi32, #tpu.memory_space<hbm>> -> memref<1x128xi32, #tpu.memory_space<hbm>>
        %dma_wait3A_91 = tpu.memref_squeeze %dma_wait3A_90 : memref<1x128xi32, #tpu.memory_space<hbm>> -> memref<128xi32, #tpu.memory_space<hbm>>
        tpu.wait_dma2 semaphore(%run_scoped3A_67 : memref<!tpu.dma_semaphore, #tpu.memory_space<semaphore_mem>>) src(%dma_wait3A_91 : memref<128xi32, #tpu.memory_space<hbm>>) dst(%dma_wait3A_88 : memref<128xi32, #tpu.memory_space<vmem>>)
        tpu.yield
      }) : () -> ()
      %dma_start3A_21 = arith.constant 1 : i32
      %dma_start3A_22 = arith.constant 0 : i32
      %dma_start3A_23 = tpu.memref_slice %arg5[%dma_start3A_21, %dma_start3A_22] : memref<2x128xi32, #tpu.memory_space<vmem>> -> memref<1x128xi32, #tpu.memory_space<vmem>>
      %dma_start3A_24 = tpu.memref_squeeze %dma_start3A_23 : memref<1x128xi32, #tpu.memory_space<vmem>> -> memref<128xi32, #tpu.memory_space<vmem>>
      %dma_start3A_25 = arith.constant 0 : i32
      %dma_start3A_26 = arith.constant 0 : i32
      %dma_start3A_27 = tpu.memref_slice %arg2[%dma_start3A_25, %dma_start3A_26] : memref<8192x256xf32, #tpu.memory_space<hbm>> -> memref<8192x256xf32, #tpu.memory_space<hbm>>
      tpu.enqueue_indirect_dma source(%dma_start3A_27 : memref<8192x256xf32, #tpu.memory_space<hbm>>) target(%arg7 : memref<128x256xf32, #tpu.memory_space<vmem>>) offsets(%dma_start3A_24 : memref<128xi32, #tpu.memory_space<vmem>>) semaphore(%arg9 : memref<!tpu.dma_semaphore, #tpu.memory_space<semaphore_mem>>)
      %dma_wait3A = arith.constant 0 : i32
      %dma_wait3A_28 = arith.constant 0 : i32
      %dma_wait3A_29 = tpu.memref_slice %arg5[%dma_wait3A, %dma_wait3A_28] : memref<2x128xi32, #tpu.memory_space<vmem>> -> memref<1x128xi32, #tpu.memory_space<vmem>>
      %dma_wait3A_30 = tpu.memref_squeeze %dma_wait3A_29 : memref<1x128xi32, #tpu.memory_space<vmem>> -> memref<128xi32, #tpu.memory_space<vmem>>
      %dma_wait3A_31 = arith.constant 0 : i32
      %dma_wait3A_32 = arith.constant 0 : i32
      %dma_wait3A_33 = tpu.memref_slice %arg2[%dma_wait3A_31, %dma_wait3A_32] : memref<8192x256xf32, #tpu.memory_space<hbm>> -> memref<8192x256xf32, #tpu.memory_space<hbm>>
      tpu.wait_indirect_dma semaphore(%arg8 : memref<!tpu.dma_semaphore, #tpu.memory_space<semaphore_mem>>) src(%dma_wait3A_33 : memref<8192x256xf32, #tpu.memory_space<hbm>>) dst(%arg6 : memref<128x256xf32, #tpu.memory_space<vmem>>)
      %mul3A_34 = arith.constant 128 : i32
      %mul3A_35 = arith.muli %add3A_17, %mul3A_34 : i32
      %dma_start3A_36 = arith.constant 0 : i32
      %dma_start3A_37 = tpu.memref_slice %arg4[%mul3A_35, %dma_start3A_36] : memref<262144x256xf32, #tpu.memory_space<hbm>> -> memref<128x256xf32, #tpu.memory_space<hbm>>
      %dma_start3A_38 = arith.constant 0 : i32
      %dma_start3A_39 = tpu.memref_slice %arg4[%mul3A_35, %dma_start3A_38] : memref<262144x256xf32, #tpu.memory_space<hbm>> -> memref<128x256xf32, #tpu.memory_space<hbm>>
      tpu.enqueue_dma source(%arg6 : memref<128x256xf32, #tpu.memory_space<vmem>>) target(%dma_start3A_39 : memref<128x256xf32, #tpu.memory_space<hbm>>) target_semaphore(%arg10 : memref<!tpu.dma_semaphore, #tpu.memory_space<semaphore_mem>>)
      %dma_wait3A_40 = arith.constant 0 : i32
      %dma_wait3A_41 = tpu.memref_slice %arg4[%mul3A_35, %dma_wait3A_40] : memref<262144x256xf32, #tpu.memory_space<hbm>> -> memref<128x256xf32, #tpu.memory_space<hbm>>
      %dma_wait3A_42 = arith.constant 0 : i32
      %dma_wait3A_43 = tpu.memref_slice %arg4[%mul3A_35, %dma_wait3A_42] : memref<262144x256xf32, #tpu.memory_space<hbm>> -> memref<128x256xf32, #tpu.memory_space<hbm>>
      tpu.wait_dma2 semaphore(%arg10 : memref<!tpu.dma_semaphore, #tpu.memory_space<semaphore_mem>>) src(%arg6 : memref<128x256xf32, #tpu.memory_space<vmem>>) dst(%dma_wait3A_43 : memref<128x256xf32, #tpu.memory_space<hbm>>)
      %add3A_44 = arith.constant 1 : i32
      %add3A_45 = arith.addi %scan3A_14, %add3A_44 : i32
      %lt3A = arith.constant 32 : i32
      %lt3A_46 = arith.cmpi slt, %add3A_45, %lt3A : i32
      %convert_element_type3A = arith.extui %lt3A_46 : i1 to i32
      %cond3A = arith.constant 0 : i32
      %cond3A_47 = arith.cmpi ne, %convert_element_type3A, %cond3A : i32
      scf.if %cond3A_47 {
        %add3A_67 = arith.constant 2 : i32
        %add3A_68 = arith.addi %add3A_17, %add3A_67 : i32
        %run_scoped3A_69 = arith.constant 0 : i32
        "tpu.region"() ({
          %run_scoped3A_77 = tpu.sem_alloc : memref<!tpu.dma_semaphore, #tpu.memory_space<semaphore_mem>>
          %dma_start3A_78 = arith.constant 0 : i32
          %dma_start3A_79 = tpu.memref_slice %arg5[%run_scoped3A_69, %dma_start3A_78] : memref<2x128xi32, #tpu.memory_space<vmem>> -> memref<1x128xi32, #tpu.memory_space<vmem>>
          %dma_start3A_80 = tpu.memref_squeeze %dma_start3A_79 : memref<1x128xi32, #tpu.memory_space<vmem>> -> memref<128xi32, #tpu.memory_space<vmem>>
          %dma_start3A_81 = arith.constant 0 : i32
          %dma_start3A_82 = tpu.memref_slice %arg3[%add3A_68, %dma_start3A_81] : memref<2048x128xi32, #tpu.memory_space<hbm>> -> memref<1x128xi32, #tpu.memory_space<hbm>>
          %dma_start3A_83 = tpu.memref_squeeze %dma_start3A_82 : memref<1x128xi32, #tpu.memory_space<hbm>> -> memref<128xi32, #tpu.memory_space<hbm>>
          %dma_start3A_84 = arith.constant 0 : i32
          %dma_start3A_85 = tpu.memref_slice %arg5[%run_scoped3A_69, %dma_start3A_84] : memref<2x128xi32, #tpu.memory_space<vmem>> -> memref<1x128xi32, #tpu.memory_space<vmem>>
          %dma_start3A_86 = tpu.memref_squeeze %dma_start3A_85 : memref<1x128xi32, #tpu.memory_space<vmem>> -> memref<128xi32, #tpu.memory_space<vmem>>
          %dma_start3A_87 = arith.constant 0 : i32
          %dma_start3A_88 = tpu.memref_slice %arg3[%add3A_68, %dma_start3A_87] : memref<2048x128xi32, #tpu.memory_space<hbm>> -> memref<1x128xi32, #tpu.memory_space<hbm>>
          %dma_start3A_89 = tpu.memref_squeeze %dma_start3A_88 : memref<1x128xi32, #tpu.memory_space<hbm>> -> memref<128xi32, #tpu.memory_space<hbm>>
          tpu.enqueue_dma source(%dma_start3A_89 : memref<128xi32, #tpu.memory_space<hbm>>) target(%dma_start3A_86 : memref<128xi32, #tpu.memory_space<vmem>>) target_semaphore(%run_scoped3A_77 : memref<!tpu.dma_semaphore, #tpu.memory_space<semaphore_mem>>)
          %dma_wait3A_90 = arith.constant 0 : i32
          %dma_wait3A_91 = tpu.memref_slice %arg5[%run_scoped3A_69, %dma_wait3A_90] : memref<2x128xi32, #tpu.memory_space<vmem>> -> memref<1x128xi32, #tpu.memory_space<vmem>>
          %dma_wait3A_92 = tpu.memref_squeeze %dma_wait3A_91 : memref<1x128xi32, #tpu.memory_space<vmem>> -> memref<128xi32, #tpu.memory_space<vmem>>
          %dma_wait3A_93 = arith.constant 0 : i32
          %dma_wait3A_94 = tpu.memref_slice %arg3[%add3A_68, %dma_wait3A_93] : memref<2048x128xi32, #tpu.memory_space<hbm>> -> memref<1x128xi32, #tpu.memory_space<hbm>>
          %dma_wait3A_95 = tpu.memref_squeeze %dma_wait3A_94 : memref<1x128xi32, #tpu.memory_space<hbm>> -> memref<128xi32, #tpu.memory_space<hbm>>
          %dma_wait3A_96 = arith.constant 0 : i32
          %dma_wait3A_97 = tpu.memref_slice %arg5[%run_scoped3A_69, %dma_wait3A_96] : memref<2x128xi32, #tpu.memory_space<vmem>> -> memref<1x128xi32, #tpu.memory_space<vmem>>
          %dma_wait3A_98 = tpu.memref_squeeze %dma_wait3A_97 : memref<1x128xi32, #tpu.memory_space<vmem>> -> memref<128xi32, #tpu.memory_space<vmem>>
          %dma_wait3A_99 = arith.constant 0 : i32
          %dma_wait3A_100 = tpu.memref_slice %arg3[%add3A_68, %dma_wait3A_99] : memref<2048x128xi32, #tpu.memory_space<hbm>> -> memref<1x128xi32, #tpu.memory_space<hbm>>
          %dma_wait3A_101 = tpu.memref_squeeze %dma_wait3A_100 : memref<1x128xi32, #tpu.memory_space<hbm>> -> memref<128xi32, #tpu.memory_space<hbm>>
          tpu.wait_dma2 semaphore(%run_scoped3A_77 : memref<!tpu.dma_semaphore, #tpu.memory_space<semaphore_mem>>) src(%dma_wait3A_101 : memref<128xi32, #tpu.memory_space<hbm>>) dst(%dma_wait3A_98 : memref<128xi32, #tpu.memory_space<vmem>>)
          tpu.yield
        }) : () -> ()
        %dma_start3A_70 = arith.constant 0 : i32
        %dma_start3A_71 = arith.constant 0 : i32
        %dma_start3A_72 = tpu.memref_slice %arg5[%dma_start3A_70, %dma_start3A_71] : memref<2x128xi32, #tpu.memory_space<vmem>> -> memref<1x128xi32, #tpu.memory_space<vmem>>
        %dma_start3A_73 = tpu.memref_squeeze %dma_start3A_72 : memref<1x128xi32, #tpu.memory_space<vmem>> -> memref<128xi32, #tpu.memory_space<vmem>>
        %dma_start3A_74 = arith.constant 0 : i32
        %dma_start3A_75 = arith.constant 0 : i32
        %dma_start3A_76 = tpu.memref_slice %arg2[%dma_start3A_74, %dma_start3A_75] : memref<8192x256xf32, #tpu.memory_space<hbm>> -> memref<8192x256xf32, #tpu.memory_space<hbm>>
        tpu.enqueue_indirect_dma source(%dma_start3A_76 : memref<8192x256xf32, #tpu.memory_space<hbm>>) target(%arg6 : memref<128x256xf32, #tpu.memory_space<vmem>>) offsets(%dma_start3A_73 : memref<128xi32, #tpu.memory_space<vmem>>) semaphore(%arg8 : memref<!tpu.dma_semaphore, #tpu.memory_space<semaphore_mem>>)
      } else {
      }
      %dma_wait3A_48 = arith.constant 1 : i32
      %dma_wait3A_49 = arith.constant 0 : i32
      %dma_wait3A_50 = tpu.memref_slice %arg5[%dma_wait3A_48, %dma_wait3A_49] : memref<2x128xi32, #tpu.memory_space<vmem>> -> memref<1x128xi32, #tpu.memory_space<vmem>>
      %dma_wait3A_51 = tpu.memref_squeeze %dma_wait3A_50 : memref<1x128xi32, #tpu.memory_space<vmem>> -> memref<128xi32, #tpu.memory_space<vmem>>
      %dma_wait3A_52 = arith.constant 0 : i32
      %dma_wait3A_53 = arith.constant 0 : i32
      %dma_wait3A_54 = tpu.memref_slice %arg2[%dma_wait3A_52, %dma_wait3A_53] : memref<8192x256xf32, #tpu.memory_space<hbm>> -> memref<8192x256xf32, #tpu.memory_space<hbm>>
      tpu.wait_indirect_dma semaphore(%arg9 : memref<!tpu.dma_semaphore, #tpu.memory_space<semaphore_mem>>) src(%dma_wait3A_54 : memref<8192x256xf32, #tpu.memory_space<hbm>>) dst(%arg7 : memref<128x256xf32, #tpu.memory_space<vmem>>)
      %add3A_55 = arith.constant 1 : i32
      %add3A_56 = arith.addi %add3A_17, %add3A_55 : i32
      %mul3A_57 = arith.constant 128 : i32
      %mul3A_58 = arith.muli %add3A_56, %mul3A_57 : i32
      %dma_start3A_59 = arith.constant 0 : i32
      %dma_start3A_60 = tpu.memref_slice %arg4[%mul3A_58, %dma_start3A_59] : memref<262144x256xf32, #tpu.memory_space<hbm>> -> memref<128x256xf32, #tpu.memory_space<hbm>>
      %dma_start3A_61 = arith.constant 0 : i32
      %dma_start3A_62 = tpu.memref_slice %arg4[%mul3A_58, %dma_start3A_61] : memref<262144x256xf32, #tpu.memory_space<hbm>> -> memref<128x256xf32, #tpu.memory_space<hbm>>
      tpu.enqueue_dma source(%arg7 : memref<128x256xf32, #tpu.memory_space<vmem>>) target(%dma_start3A_62 : memref<128x256xf32, #tpu.memory_space<hbm>>) target_semaphore(%arg10 : memref<!tpu.dma_semaphore, #tpu.memory_space<semaphore_mem>>)
      %dma_wait3A_63 = arith.constant 0 : i32
      %dma_wait3A_64 = tpu.memref_slice %arg4[%mul3A_58, %dma_wait3A_63] : memref<262144x256xf32, #tpu.memory_space<hbm>> -> memref<128x256xf32, #tpu.memory_space<hbm>>
      %dma_wait3A_65 = arith.constant 0 : i32
      %dma_wait3A_66 = tpu.memref_slice %arg4[%mul3A_58, %dma_wait3A_65] : memref<262144x256xf32, #tpu.memory_space<hbm>> -> memref<128x256xf32, #tpu.memory_space<hbm>>
      tpu.wait_dma2 semaphore(%arg10 : memref<!tpu.dma_semaphore, #tpu.memory_space<semaphore_mem>>) src(%arg7 : memref<128x256xf32, #tpu.memory_space<vmem>>) dst(%dma_wait3A_66 : memref<128x256xf32, #tpu.memory_space<hbm>>)
    }
    %scan3A_13 = arith.constant 32 : i32
    return
  }
}

#map = affine_map<(d0, d1) -> (0, 0)>
module attributes {stable_mosaic.version = 14 : i64} {
  func.func @k(%arg0: i32, %arg1: i32, %arg2: memref<64x128xi32, #tpu.memory_space<hbm>>, %arg3: memref<8192x256xf32, #tpu.memory_space<hbm>>, %arg4: memref<8192x128xf32, #tpu.memory_space<hbm>>, %arg5: memref<4104x256xf32, #tpu.memory_space<hbm>>, %arg6: memref<4104x128xf32, #tpu.memory_space<hbm>>, %arg7: memref<2x128xi32, #tpu.memory_space<vmem>>, %arg8: memref<128xi32, #tpu.memory_space<vmem>>, %arg9: memref<128x256xf32, #tpu.memory_space<vmem>>, %arg10: memref<128x128xf32, #tpu.memory_space<vmem>>, %arg11: memref<!tpu.dma_semaphore, #tpu.memory_space<semaphore_mem>>) attributes {dimension_semantics = [#tpu.dimension_semantics<core_parallel>, #tpu.dimension_semantics<subcore_parallel>], iteration_bounds = array<i64: 2, 16>, scalar_prefetch = 0 : i64, scratch_operands = 5 : i64, tpu.core_type = #tpu.core_type<sc_vector_subcore>, window_params = [{transform_indices = #map}, {transform_indices = #map}, {transform_indices = #map}, {transform_indices = #map}, {transform_indices = #map}]} {
    %mul3A = arith.constant 2 : i32
    %mul3A_0 = arith.muli %arg1, %mul3A : i32
    %add3A = arith.addi %mul3A_0, %arg0 : i32
    %mul3A_1 = arith.constant 2 : i32
    %mul3A_2 = arith.muli %add3A, %mul3A_1 : i32
    %add3A_3 = arith.constant 0 : i32
    %add3A_4 = arith.addi %mul3A_2, %add3A_3 : i32
    %jit3A = arith.constant 32 : i32
    %div3A = arith.divsi %add3A_4, %jit3A : i32
    %sign3A = arith.constant 0 : i32
    %sign3A_5 = arith.cmpi sgt, %add3A_4, %sign3A : i32
    %sign3A_6 = arith.extui %sign3A_5 : i1 to i32
    %sign3A_7 = arith.constant 0 : i32
    %sign3A_8 = arith.cmpi slt, %add3A_4, %sign3A_7 : i32
    %sign3A_9 = arith.extui %sign3A_8 : i1 to i32
    %sign3A_10 = arith.subi %sign3A_6, %sign3A_9 : i32
    %sign3A_11 = arith.constant 0 : i32
    %sign3A_12 = arith.cmpi sgt, %jit3A, %sign3A_11 : i32
    %sign3A_13 = arith.extui %sign3A_12 : i1 to i32
    %sign3A_14 = arith.constant 0 : i32
    %sign3A_15 = arith.cmpi slt, %jit3A, %sign3A_14 : i32
    %sign3A_16 = arith.extui %sign3A_15 : i1 to i32
    %sign3A_17 = arith.subi %sign3A_13, %sign3A_16 : i32
    %ne3A = arith.cmpi ne, %sign3A_10, %sign3A_17 : i32
    %rem3A = arith.remsi %add3A_4, %jit3A : i32
    %ne3A_18 = arith.constant 0 : i32
    %ne3A_19 = arith.cmpi ne, %rem3A, %ne3A_18 : i32
    %and3A = arith.andi %ne3A, %ne3A_19 : i1
    %sub3A = arith.constant 1 : i32
    %sub3A_20 = arith.subi %div3A, %sub3A : i32
    %select_n3A = arith.select %and3A, %sub3A_20, %div3A : i32
    "tpu.region"() ({
      %run_scoped3A = tpu.sem_alloc : memref<!tpu.dma_semaphore, #tpu.memory_space<semaphore_mem>>
      %dma_start3A_411 = arith.constant 0 : i32
      %dma_start3A_412 = tpu.memref_slice %arg2[%add3A_4, %dma_start3A_411] : memref<64x128xi32, #tpu.memory_space<hbm>> -> memref<1x128xi32, #tpu.memory_space<hbm>>
      %dma_start3A_413 = tpu.memref_squeeze %dma_start3A_412 : memref<1x128xi32, #tpu.memory_space<hbm>> -> memref<128xi32, #tpu.memory_space<hbm>>
      %dma_start3A_414 = arith.constant 0 : i32
      %dma_start3A_415 = tpu.memref_slice %arg2[%add3A_4, %dma_start3A_414] : memref<64x128xi32, #tpu.memory_space<hbm>> -> memref<1x128xi32, #tpu.memory_space<hbm>>
      %dma_start3A_416 = tpu.memref_squeeze %dma_start3A_415 : memref<1x128xi32, #tpu.memory_space<hbm>> -> memref<128xi32, #tpu.memory_space<hbm>>
      tpu.enqueue_dma source(%dma_start3A_416 : memref<128xi32, #tpu.memory_space<hbm>>) target(%arg8 : memref<128xi32, #tpu.memory_space<vmem>>) target_semaphore(%run_scoped3A : memref<!tpu.dma_semaphore, #tpu.memory_space<semaphore_mem>>)
      %dma_wait3A_417 = arith.constant 0 : i32
      %dma_wait3A_418 = tpu.memref_slice %arg2[%add3A_4, %dma_wait3A_417] : memref<64x128xi32, #tpu.memory_space<hbm>> -> memref<1x128xi32, #tpu.memory_space<hbm>>
      %dma_wait3A_419 = tpu.memref_squeeze %dma_wait3A_418 : memref<1x128xi32, #tpu.memory_space<hbm>> -> memref<128xi32, #tpu.memory_space<hbm>>
      %dma_wait3A_420 = arith.constant 0 : i32
      %dma_wait3A_421 = tpu.memref_slice %arg2[%add3A_4, %dma_wait3A_420] : memref<64x128xi32, #tpu.memory_space<hbm>> -> memref<1x128xi32, #tpu.memory_space<hbm>>
      %dma_wait3A_422 = tpu.memref_squeeze %dma_wait3A_421 : memref<1x128xi32, #tpu.memory_space<hbm>> -> memref<128xi32, #tpu.memory_space<hbm>>
      tpu.wait_dma2 semaphore(%run_scoped3A : memref<!tpu.dma_semaphore, #tpu.memory_space<semaphore_mem>>) src(%dma_wait3A_422 : memref<128xi32, #tpu.memory_space<hbm>>) dst(%arg8 : memref<128xi32, #tpu.memory_space<vmem>>)
      tpu.yield
    }) : () -> ()
    %get3A = arith.constant 0 : index
    %get3A_21 = tpu.vector_load %arg8[%get3A] {strides = array<i32>} : memref<128xi32, #tpu.memory_space<vmem>>, vector<16xi32>,
    %get3A_22 = vector.shape_cast %get3A_21 : vector<16xi32> to vector<16xi32>
    %lt3A = arith.constant 2048 : i32
    %lt3A_23 = vector.broadcast %lt3A : i32 to vector<16xi32>
    %lt3A_24 = arith.cmpi slt, %get3A_22, %lt3A_23 : vector<16xi32>
    %mul3A_25 = arith.constant 2048 : i32
    %mul3A_26 = arith.muli %select_n3A, %mul3A_25 : i32
    %add3A_27 = vector.broadcast %mul3A_26 : i32 to vector<16xi32>
    %add3A_28 = arith.addi %get3A_22, %add3A_27 : vector<16xi32>
    %jit3A_29 = arith.constant 4096 : i32
    %broadcast_in_dim3A = vector.broadcast %jit3A_29 : i32 to vector<16xi32>
    %select_n3A_30 = arith.select %lt3A_24, %add3A_28, %broadcast_in_dim3A : vector<16xi1>, vector<16xi32>
    %swap3A = arith.constant 0 : i32
    %swap3A_31 = arith.index_cast %swap3A : i32 to index
    %swap3A_32 = arith.constant 0 : index
    %swap3A_33 = tpu.vector_load %arg7[%swap3A_31, %swap3A_32] {strides = array<i32>} : memref<2x128xi32, #tpu.memory_space<vmem>>, vector<1x16xi32>,
    %swap3A_34 = vector.shape_cast %swap3A_33 : vector<1x16xi32> to vector<16xi32>
    %swap3A_35 = vector.shape_cast %select_n3A_30 : vector<16xi32> to vector<1x16xi32>
    tpu.vector_store %arg7[%swap3A_31, %swap3A_32], %swap3A_35 {strides = array<i32>} : memref<2x128xi32, #tpu.memory_space<vmem>>, vector<1x16xi32>,
    %get3A_36 = arith.constant 16 : index
    %get3A_37 = tpu.vector_load %arg8[%get3A_36] {strides = array<i32>} : memref<128xi32, #tpu.memory_space<vmem>>, vector<16xi32>,
    %get3A_38 = vector.shape_cast %get3A_37 : vector<16xi32> to vector<16xi32>
    %lt3A_39 = arith.constant 2048 : i32
    %lt3A_40 = vector.broadcast %lt3A_39 : i32 to vector<16xi32>
    %lt3A_41 = arith.cmpi slt, %get3A_38, %lt3A_40 : vector<16xi32>
    %mul3A_42 = arith.constant 2048 : i32
    %mul3A_43 = arith.muli %select_n3A, %mul3A_42 : i32
    %add3A_44 = vector.broadcast %mul3A_43 : i32 to vector<16xi32>
    %add3A_45 = arith.addi %get3A_38, %add3A_44 : vector<16xi32>
    %jit3A_46 = arith.constant 4097 : i32
    %broadcast_in_dim3A_47 = vector.broadcast %jit3A_46 : i32 to vector<16xi32>
    %select_n3A_48 = arith.select %lt3A_41, %add3A_45, %broadcast_in_dim3A_47 : vector<16xi1>, vector<16xi32>
    %swap3A_49 = arith.constant 0 : i32
    %swap3A_50 = arith.index_cast %swap3A_49 : i32 to index
    %swap3A_51 = arith.constant 16 : index
    %swap3A_52 = tpu.vector_load %arg7[%swap3A_50, %swap3A_51] {strides = array<i32>} : memref<2x128xi32, #tpu.memory_space<vmem>>, vector<1x16xi32>,
    %swap3A_53 = vector.shape_cast %swap3A_52 : vector<1x16xi32> to vector<16xi32>
    %swap3A_54 = vector.shape_cast %select_n3A_48 : vector<16xi32> to vector<1x16xi32>
    tpu.vector_store %arg7[%swap3A_50, %swap3A_51], %swap3A_54 {strides = array<i32>} : memref<2x128xi32, #tpu.memory_space<vmem>>, vector<1x16xi32>,
    %get3A_55 = arith.constant 32 : index
    %get3A_56 = tpu.vector_load %arg8[%get3A_55] {strides = array<i32>} : memref<128xi32, #tpu.memory_space<vmem>>, vector<16xi32>,
    %get3A_57 = vector.shape_cast %get3A_56 : vector<16xi32> to vector<16xi32>
    %lt3A_58 = arith.constant 2048 : i32
    %lt3A_59 = vector.broadcast %lt3A_58 : i32 to vector<16xi32>
    %lt3A_60 = arith.cmpi slt, %get3A_57, %lt3A_59 : vector<16xi32>
    %mul3A_61 = arith.constant 2048 : i32
    %mul3A_62 = arith.muli %select_n3A, %mul3A_61 : i32
    %add3A_63 = vector.broadcast %mul3A_62 : i32 to vector<16xi32>
    %add3A_64 = arith.addi %get3A_57, %add3A_63 : vector<16xi32>
    %jit3A_65 = arith.constant 4098 : i32
    %broadcast_in_dim3A_66 = vector.broadcast %jit3A_65 : i32 to vector<16xi32>
    %select_n3A_67 = arith.select %lt3A_60, %add3A_64, %broadcast_in_dim3A_66 : vector<16xi1>, vector<16xi32>
    %swap3A_68 = arith.constant 0 : i32
    %swap3A_69 = arith.index_cast %swap3A_68 : i32 to index
    %swap3A_70 = arith.constant 32 : index
    %swap3A_71 = tpu.vector_load %arg7[%swap3A_69, %swap3A_70] {strides = array<i32>} : memref<2x128xi32, #tpu.memory_space<vmem>>, vector<1x16xi32>,
    %swap3A_72 = vector.shape_cast %swap3A_71 : vector<1x16xi32> to vector<16xi32>
    %swap3A_73 = vector.shape_cast %select_n3A_67 : vector<16xi32> to vector<1x16xi32>
    tpu.vector_store %arg7[%swap3A_69, %swap3A_70], %swap3A_73 {strides = array<i32>} : memref<2x128xi32, #tpu.memory_space<vmem>>, vector<1x16xi32>,
    %get3A_74 = arith.constant 48 : index
    %get3A_75 = tpu.vector_load %arg8[%get3A_74] {strides = array<i32>} : memref<128xi32, #tpu.memory_space<vmem>>, vector<16xi32>,
    %get3A_76 = vector.shape_cast %get3A_75 : vector<16xi32> to vector<16xi32>
    %lt3A_77 = arith.constant 2048 : i32
    %lt3A_78 = vector.broadcast %lt3A_77 : i32 to vector<16xi32>
    %lt3A_79 = arith.cmpi slt, %get3A_76, %lt3A_78 : vector<16xi32>
    %mul3A_80 = arith.constant 2048 : i32
    %mul3A_81 = arith.muli %select_n3A, %mul3A_80 : i32
    %add3A_82 = vector.broadcast %mul3A_81 : i32 to vector<16xi32>
    %add3A_83 = arith.addi %get3A_76, %add3A_82 : vector<16xi32>
    %jit3A_84 = arith.constant 4099 : i32
    %broadcast_in_dim3A_85 = vector.broadcast %jit3A_84 : i32 to vector<16xi32>
    %select_n3A_86 = arith.select %lt3A_79, %add3A_83, %broadcast_in_dim3A_85 : vector<16xi1>, vector<16xi32>
    %swap3A_87 = arith.constant 0 : i32
    %swap3A_88 = arith.index_cast %swap3A_87 : i32 to index
    %swap3A_89 = arith.constant 48 : index
    %swap3A_90 = tpu.vector_load %arg7[%swap3A_88, %swap3A_89] {strides = array<i32>} : memref<2x128xi32, #tpu.memory_space<vmem>>, vector<1x16xi32>,
    %swap3A_91 = vector.shape_cast %swap3A_90 : vector<1x16xi32> to vector<16xi32>
    %swap3A_92 = vector.shape_cast %select_n3A_86 : vector<16xi32> to vector<1x16xi32>
    tpu.vector_store %arg7[%swap3A_88, %swap3A_89], %swap3A_92 {strides = array<i32>} : memref<2x128xi32, #tpu.memory_space<vmem>>, vector<1x16xi32>,
    %get3A_93 = arith.constant 64 : index
    %get3A_94 = tpu.vector_load %arg8[%get3A_93] {strides = array<i32>} : memref<128xi32, #tpu.memory_space<vmem>>, vector<16xi32>,
    %get3A_95 = vector.shape_cast %get3A_94 : vector<16xi32> to vector<16xi32>
    %lt3A_96 = arith.constant 2048 : i32
    %lt3A_97 = vector.broadcast %lt3A_96 : i32 to vector<16xi32>
    %lt3A_98 = arith.cmpi slt, %get3A_95, %lt3A_97 : vector<16xi32>
    %mul3A_99 = arith.constant 2048 : i32
    %mul3A_100 = arith.muli %select_n3A, %mul3A_99 : i32
    %add3A_101 = vector.broadcast %mul3A_100 : i32 to vector<16xi32>
    %add3A_102 = arith.addi %get3A_95, %add3A_101 : vector<16xi32>
    %jit3A_103 = arith.constant 4100 : i32
    %broadcast_in_dim3A_104 = vector.broadcast %jit3A_103 : i32 to vector<16xi32>
    %select_n3A_105 = arith.select %lt3A_98, %add3A_102, %broadcast_in_dim3A_104 : vector<16xi1>, vector<16xi32>
    %swap3A_106 = arith.constant 0 : i32
    %swap3A_107 = arith.index_cast %swap3A_106 : i32 to index
    %swap3A_108 = arith.constant 64 : index
    %swap3A_109 = tpu.vector_load %arg7[%swap3A_107, %swap3A_108] {strides = array<i32>} : memref<2x128xi32, #tpu.memory_space<vmem>>, vector<1x16xi32>,
    %swap3A_110 = vector.shape_cast %swap3A_109 : vector<1x16xi32> to vector<16xi32>
    %swap3A_111 = vector.shape_cast %select_n3A_105 : vector<16xi32> to vector<1x16xi32>
    tpu.vector_store %arg7[%swap3A_107, %swap3A_108], %swap3A_111 {strides = array<i32>} : memref<2x128xi32, #tpu.memory_space<vmem>>, vector<1x16xi32>,
    %get3A_112 = arith.constant 80 : index
    %get3A_113 = tpu.vector_load %arg8[%get3A_112] {strides = array<i32>} : memref<128xi32, #tpu.memory_space<vmem>>, vector<16xi32>,
    %get3A_114 = vector.shape_cast %get3A_113 : vector<16xi32> to vector<16xi32>
    %lt3A_115 = arith.constant 2048 : i32
    %lt3A_116 = vector.broadcast %lt3A_115 : i32 to vector<16xi32>
    %lt3A_117 = arith.cmpi slt, %get3A_114, %lt3A_116 : vector<16xi32>
    %mul3A_118 = arith.constant 2048 : i32
    %mul3A_119 = arith.muli %select_n3A, %mul3A_118 : i32
    %add3A_120 = vector.broadcast %mul3A_119 : i32 to vector<16xi32>
    %add3A_121 = arith.addi %get3A_114, %add3A_120 : vector<16xi32>
    %jit3A_122 = arith.constant 4101 : i32
    %broadcast_in_dim3A_123 = vector.broadcast %jit3A_122 : i32 to vector<16xi32>
    %select_n3A_124 = arith.select %lt3A_117, %add3A_121, %broadcast_in_dim3A_123 : vector<16xi1>, vector<16xi32>
    %swap3A_125 = arith.constant 0 : i32
    %swap3A_126 = arith.index_cast %swap3A_125 : i32 to index
    %swap3A_127 = arith.constant 80 : index
    %swap3A_128 = tpu.vector_load %arg7[%swap3A_126, %swap3A_127] {strides = array<i32>} : memref<2x128xi32, #tpu.memory_space<vmem>>, vector<1x16xi32>,
    %swap3A_129 = vector.shape_cast %swap3A_128 : vector<1x16xi32> to vector<16xi32>
    %swap3A_130 = vector.shape_cast %select_n3A_124 : vector<16xi32> to vector<1x16xi32>
    tpu.vector_store %arg7[%swap3A_126, %swap3A_127], %swap3A_130 {strides = array<i32>} : memref<2x128xi32, #tpu.memory_space<vmem>>, vector<1x16xi32>,
    %get3A_131 = arith.constant 96 : index
    %get3A_132 = tpu.vector_load %arg8[%get3A_131] {strides = array<i32>} : memref<128xi32, #tpu.memory_space<vmem>>, vector<16xi32>,
    %get3A_133 = vector.shape_cast %get3A_132 : vector<16xi32> to vector<16xi32>
    %lt3A_134 = arith.constant 2048 : i32
    %lt3A_135 = vector.broadcast %lt3A_134 : i32 to vector<16xi32>
    %lt3A_136 = arith.cmpi slt, %get3A_133, %lt3A_135 : vector<16xi32>
    %mul3A_137 = arith.constant 2048 : i32
    %mul3A_138 = arith.muli %select_n3A, %mul3A_137 : i32
    %add3A_139 = vector.broadcast %mul3A_138 : i32 to vector<16xi32>
    %add3A_140 = arith.addi %get3A_133, %add3A_139 : vector<16xi32>
    %jit3A_141 = arith.constant 4102 : i32
    %broadcast_in_dim3A_142 = vector.broadcast %jit3A_141 : i32 to vector<16xi32>
    %select_n3A_143 = arith.select %lt3A_136, %add3A_140, %broadcast_in_dim3A_142 : vector<16xi1>, vector<16xi32>
    %swap3A_144 = arith.constant 0 : i32
    %swap3A_145 = arith.index_cast %swap3A_144 : i32 to index
    %swap3A_146 = arith.constant 96 : index
    %swap3A_147 = tpu.vector_load %arg7[%swap3A_145, %swap3A_146] {strides = array<i32>} : memref<2x128xi32, #tpu.memory_space<vmem>>, vector<1x16xi32>,
    %swap3A_148 = vector.shape_cast %swap3A_147 : vector<1x16xi32> to vector<16xi32>
    %swap3A_149 = vector.shape_cast %select_n3A_143 : vector<16xi32> to vector<1x16xi32>
    tpu.vector_store %arg7[%swap3A_145, %swap3A_146], %swap3A_149 {strides = array<i32>} : memref<2x128xi32, #tpu.memory_space<vmem>>, vector<1x16xi32>,
    %get3A_150 = arith.constant 112 : index
    %get3A_151 = tpu.vector_load %arg8[%get3A_150] {strides = array<i32>} : memref<128xi32, #tpu.memory_space<vmem>>, vector<16xi32>,
    %get3A_152 = vector.shape_cast %get3A_151 : vector<16xi32> to vector<16xi32>
    %lt3A_153 = arith.constant 2048 : i32
    %lt3A_154 = vector.broadcast %lt3A_153 : i32 to vector<16xi32>
    %lt3A_155 = arith.cmpi slt, %get3A_152, %lt3A_154 : vector<16xi32>
    %mul3A_156 = arith.constant 2048 : i32
    %mul3A_157 = arith.muli %select_n3A, %mul3A_156 : i32
    %add3A_158 = vector.broadcast %mul3A_157 : i32 to vector<16xi32>
    %add3A_159 = arith.addi %get3A_152, %add3A_158 : vector<16xi32>
    %jit3A_160 = arith.constant 4103 : i32
    %broadcast_in_dim3A_161 = vector.broadcast %jit3A_160 : i32 to vector<16xi32>
    %select_n3A_162 = arith.select %lt3A_155, %add3A_159, %broadcast_in_dim3A_161 : vector<16xi1>, vector<16xi32>
    %swap3A_163 = arith.constant 0 : i32
    %swap3A_164 = arith.index_cast %swap3A_163 : i32 to index
    %swap3A_165 = arith.constant 112 : index
    %swap3A_166 = tpu.vector_load %arg7[%swap3A_164, %swap3A_165] {strides = array<i32>} : memref<2x128xi32, #tpu.memory_space<vmem>>, vector<1x16xi32>,
    %swap3A_167 = vector.shape_cast %swap3A_166 : vector<1x16xi32> to vector<16xi32>
    %swap3A_168 = vector.shape_cast %select_n3A_162 : vector<16xi32> to vector<1x16xi32>
    tpu.vector_store %arg7[%swap3A_164, %swap3A_165], %swap3A_168 {strides = array<i32>} : memref<2x128xi32, #tpu.memory_space<vmem>>, vector<1x16xi32>,
    %mul3A_169 = arith.constant 128 : i32
    %mul3A_170 = arith.muli %add3A_4, %mul3A_169 : i32
    "tpu.region"() ({
      %run_scoped3A = tpu.sem_alloc : memref<!tpu.dma_semaphore, #tpu.memory_space<semaphore_mem>>
      %dma_start3A_411 = arith.constant 0 : i32
      %dma_start3A_412 = tpu.memref_slice %arg3[%mul3A_170, %dma_start3A_411] : memref<8192x256xf32, #tpu.memory_space<hbm>> -> memref<128x256xf32, #tpu.memory_space<hbm>>
      %dma_start3A_413 = arith.constant 0 : i32
      %dma_start3A_414 = tpu.memref_slice %arg3[%mul3A_170, %dma_start3A_413] : memref<8192x256xf32, #tpu.memory_space<hbm>> -> memref<128x256xf32, #tpu.memory_space<hbm>>
      tpu.enqueue_dma source(%dma_start3A_414 : memref<128x256xf32, #tpu.memory_space<hbm>>) target(%arg9 : memref<128x256xf32, #tpu.memory_space<vmem>>) target_semaphore(%run_scoped3A : memref<!tpu.dma_semaphore, #tpu.memory_space<semaphore_mem>>)
      %dma_wait3A_415 = arith.constant 0 : i32
      %dma_wait3A_416 = tpu.memref_slice %arg3[%mul3A_170, %dma_wait3A_415] : memref<8192x256xf32, #tpu.memory_space<hbm>> -> memref<128x256xf32, #tpu.memory_space<hbm>>
      %dma_wait3A_417 = arith.constant 0 : i32
      %dma_wait3A_418 = tpu.memref_slice %arg3[%mul3A_170, %dma_wait3A_417] : memref<8192x256xf32, #tpu.memory_space<hbm>> -> memref<128x256xf32, #tpu.memory_space<hbm>>
      tpu.wait_dma2 semaphore(%run_scoped3A : memref<!tpu.dma_semaphore, #tpu.memory_space<semaphore_mem>>) src(%dma_wait3A_418 : memref<128x256xf32, #tpu.memory_space<hbm>>) dst(%arg9 : memref<128x256xf32, #tpu.memory_space<vmem>>)
      tpu.yield
    }) : () -> ()
    %dma_start3A = arith.constant 0 : i32
    %dma_start3A_171 = arith.constant 0 : i32
    %dma_start3A_172 = tpu.memref_slice %arg7[%dma_start3A, %dma_start3A_171] : memref<2x128xi32, #tpu.memory_space<vmem>> -> memref<1x128xi32, #tpu.memory_space<vmem>>
    %dma_start3A_173 = tpu.memref_squeeze %dma_start3A_172 : memref<1x128xi32, #tpu.memory_space<vmem>> -> memref<128xi32, #tpu.memory_space<vmem>>
    %dma_start3A_174 = arith.constant 0 : i32
    %dma_start3A_175 = arith.constant 0 : i32
    %dma_start3A_176 = tpu.memref_slice %arg5[%dma_start3A_174, %dma_start3A_175] : memref<4104x256xf32, #tpu.memory_space<hbm>> -> memref<4104x256xf32, #tpu.memory_space<hbm>>
    tpu.enqueue_indirect_dma source(%arg9 : memref<128x256xf32, #tpu.memory_space<vmem>>) target(%dma_start3A_176 : memref<4104x256xf32, #tpu.memory_space<hbm>>) offsets(%dma_start3A_173 : memref<128xi32, #tpu.memory_space<vmem>>) semaphore(%arg11 : memref<!tpu.dma_semaphore, #tpu.memory_space<semaphore_mem>>)
    %dma_wait3A = arith.constant 0 : i32
    %dma_wait3A_177 = arith.constant 0 : i32
    %dma_wait3A_178 = tpu.memref_slice %arg7[%dma_wait3A, %dma_wait3A_177] : memref<2x128xi32, #tpu.memory_space<vmem>> -> memref<1x128xi32, #tpu.memory_space<vmem>>
    %dma_wait3A_179 = tpu.memref_squeeze %dma_wait3A_178 : memref<1x128xi32, #tpu.memory_space<vmem>> -> memref<128xi32, #tpu.memory_space<vmem>>
    %dma_wait3A_180 = arith.constant 0 : i32
    %dma_wait3A_181 = arith.constant 0 : i32
    %dma_wait3A_182 = tpu.memref_slice %arg5[%dma_wait3A_180, %dma_wait3A_181] : memref<4104x256xf32, #tpu.memory_space<hbm>> -> memref<4104x256xf32, #tpu.memory_space<hbm>>
    tpu.wait_indirect_dma semaphore(%arg11 : memref<!tpu.dma_semaphore, #tpu.memory_space<semaphore_mem>>) src(%arg9 : memref<128x256xf32, #tpu.memory_space<vmem>>) dst(%dma_wait3A_182 : memref<4104x256xf32, #tpu.memory_space<hbm>>)
    %mul3A_183 = arith.constant 128 : i32
    %mul3A_184 = arith.muli %add3A_4, %mul3A_183 : i32
    "tpu.region"() ({
      %run_scoped3A = tpu.sem_alloc : memref<!tpu.dma_semaphore, #tpu.memory_space<semaphore_mem>>
      %dma_start3A_411 = arith.constant 0 : i32
      %dma_start3A_412 = tpu.memref_slice %arg4[%mul3A_184, %dma_start3A_411] : memref<8192x128xf32, #tpu.memory_space<hbm>> -> memref<128x128xf32, #tpu.memory_space<hbm>>
      %dma_start3A_413 = arith.constant 0 : i32
      %dma_start3A_414 = tpu.memref_slice %arg4[%mul3A_184, %dma_start3A_413] : memref<8192x128xf32, #tpu.memory_space<hbm>> -> memref<128x128xf32, #tpu.memory_space<hbm>>
      tpu.enqueue_dma source(%dma_start3A_414 : memref<128x128xf32, #tpu.memory_space<hbm>>) target(%arg10 : memref<128x128xf32, #tpu.memory_space<vmem>>) target_semaphore(%run_scoped3A : memref<!tpu.dma_semaphore, #tpu.memory_space<semaphore_mem>>)
      %dma_wait3A_415 = arith.constant 0 : i32
      %dma_wait3A_416 = tpu.memref_slice %arg4[%mul3A_184, %dma_wait3A_415] : memref<8192x128xf32, #tpu.memory_space<hbm>> -> memref<128x128xf32, #tpu.memory_space<hbm>>
      %dma_wait3A_417 = arith.constant 0 : i32
      %dma_wait3A_418 = tpu.memref_slice %arg4[%mul3A_184, %dma_wait3A_417] : memref<8192x128xf32, #tpu.memory_space<hbm>> -> memref<128x128xf32, #tpu.memory_space<hbm>>
      tpu.wait_dma2 semaphore(%run_scoped3A : memref<!tpu.dma_semaphore, #tpu.memory_space<semaphore_mem>>) src(%dma_wait3A_418 : memref<128x128xf32, #tpu.memory_space<hbm>>) dst(%arg10 : memref<128x128xf32, #tpu.memory_space<vmem>>)
      tpu.yield
    }) : () -> ()
    %dma_start3A_185 = arith.constant 0 : i32
    %dma_start3A_186 = arith.constant 0 : i32
    %dma_start3A_187 = tpu.memref_slice %arg7[%dma_start3A_185, %dma_start3A_186] : memref<2x128xi32, #tpu.memory_space<vmem>> -> memref<1x128xi32, #tpu.memory_space<vmem>>
    %dma_start3A_188 = tpu.memref_squeeze %dma_start3A_187 : memref<1x128xi32, #tpu.memory_space<vmem>> -> memref<128xi32, #tpu.memory_space<vmem>>
    %dma_start3A_189 = arith.constant 0 : i32
    %dma_start3A_190 = arith.constant 0 : i32
    %dma_start3A_191 = tpu.memref_slice %arg6[%dma_start3A_189, %dma_start3A_190] : memref<4104x128xf32, #tpu.memory_space<hbm>> -> memref<4104x128xf32, #tpu.memory_space<hbm>>
    tpu.enqueue_indirect_dma source(%arg10 : memref<128x128xf32, #tpu.memory_space<vmem>>) target(%dma_start3A_191 : memref<4104x128xf32, #tpu.memory_space<hbm>>) offsets(%dma_start3A_188 : memref<128xi32, #tpu.memory_space<vmem>>) semaphore(%arg11 : memref<!tpu.dma_semaphore, #tpu.memory_space<semaphore_mem>>)
    %dma_wait3A_192 = arith.constant 0 : i32
    %dma_wait3A_193 = arith.constant 0 : i32
    %dma_wait3A_194 = tpu.memref_slice %arg7[%dma_wait3A_192, %dma_wait3A_193] : memref<2x128xi32, #tpu.memory_space<vmem>> -> memref<1x128xi32, #tpu.memory_space<vmem>>
    %dma_wait3A_195 = tpu.memref_squeeze %dma_wait3A_194 : memref<1x128xi32, #tpu.memory_space<vmem>> -> memref<128xi32, #tpu.memory_space<vmem>>
    %dma_wait3A_196 = arith.constant 0 : i32
    %dma_wait3A_197 = arith.constant 0 : i32
    %dma_wait3A_198 = tpu.memref_slice %arg6[%dma_wait3A_196, %dma_wait3A_197] : memref<4104x128xf32, #tpu.memory_space<hbm>> -> memref<4104x128xf32, #tpu.memory_space<hbm>>
    tpu.wait_indirect_dma semaphore(%arg11 : memref<!tpu.dma_semaphore, #tpu.memory_space<semaphore_mem>>) src(%arg10 : memref<128x128xf32, #tpu.memory_space<vmem>>) dst(%dma_wait3A_198 : memref<4104x128xf32, #tpu.memory_space<hbm>>)
    %mul3A_199 = arith.constant 2 : i32
    %mul3A_200 = arith.muli %add3A, %mul3A_199 : i32
    %add3A_201 = arith.constant 1 : i32
    %add3A_202 = arith.addi %mul3A_200, %add3A_201 : i32
    %jit3A_203 = arith.constant 32 : i32
    %div3A_204 = arith.divsi %add3A_202, %jit3A_203 : i32
    %sign3A_205 = arith.constant 0 : i32
    %sign3A_206 = arith.cmpi sgt, %add3A_202, %sign3A_205 : i32
    %sign3A_207 = arith.extui %sign3A_206 : i1 to i32
    %sign3A_208 = arith.constant 0 : i32
    %sign3A_209 = arith.cmpi slt, %add3A_202, %sign3A_208 : i32
    %sign3A_210 = arith.extui %sign3A_209 : i1 to i32
    %sign3A_211 = arith.subi %sign3A_207, %sign3A_210 : i32
    %sign3A_212 = arith.constant 0 : i32
    %sign3A_213 = arith.cmpi sgt, %jit3A_203, %sign3A_212 : i32
    %sign3A_214 = arith.extui %sign3A_213 : i1 to i32
    %sign3A_215 = arith.constant 0 : i32
    %sign3A_216 = arith.cmpi slt, %jit3A_203, %sign3A_215 : i32
    %sign3A_217 = arith.extui %sign3A_216 : i1 to i32
    %sign3A_218 = arith.subi %sign3A_214, %sign3A_217 : i32
    %ne3A_219 = arith.cmpi ne, %sign3A_211, %sign3A_218 : i32
    %rem3A_220 = arith.remsi %add3A_202, %jit3A_203 : i32
    %ne3A_221 = arith.constant 0 : i32
    %ne3A_222 = arith.cmpi ne, %rem3A_220, %ne3A_221 : i32
    %and3A_223 = arith.andi %ne3A_219, %ne3A_222 : i1
    %sub3A_224 = arith.constant 1 : i32
    %sub3A_225 = arith.subi %div3A_204, %sub3A_224 : i32
    %select_n3A_226 = arith.select %and3A_223, %sub3A_225, %div3A_204 : i32
    "tpu.region"() ({
      %run_scoped3A = tpu.sem_alloc : memref<!tpu.dma_semaphore, #tpu.memory_space<semaphore_mem>>
      %dma_start3A_411 = arith.constant 0 : i32
      %dma_start3A_412 = tpu.memref_slice %arg2[%add3A_202, %dma_start3A_411] : memref<64x128xi32, #tpu.memory_space<hbm>> -> memref<1x128xi32, #tpu.memory_space<hbm>>
      %dma_start3A_413 = tpu.memref_squeeze %dma_start3A_412 : memref<1x128xi32, #tpu.memory_space<hbm>> -> memref<128xi32, #tpu.memory_space<hbm>>
      %dma_start3A_414 = arith.constant 0 : i32
      %dma_start3A_415 = tpu.memref_slice %arg2[%add3A_202, %dma_start3A_414] : memref<64x128xi32, #tpu.memory_space<hbm>> -> memref<1x128xi32, #tpu.memory_space<hbm>>
      %dma_start3A_416 = tpu.memref_squeeze %dma_start3A_415 : memref<1x128xi32, #tpu.memory_space<hbm>> -> memref<128xi32, #tpu.memory_space<hbm>>
      tpu.enqueue_dma source(%dma_start3A_416 : memref<128xi32, #tpu.memory_space<hbm>>) target(%arg8 : memref<128xi32, #tpu.memory_space<vmem>>) target_semaphore(%run_scoped3A : memref<!tpu.dma_semaphore, #tpu.memory_space<semaphore_mem>>)
      %dma_wait3A_417 = arith.constant 0 : i32
      %dma_wait3A_418 = tpu.memref_slice %arg2[%add3A_202, %dma_wait3A_417] : memref<64x128xi32, #tpu.memory_space<hbm>> -> memref<1x128xi32, #tpu.memory_space<hbm>>
      %dma_wait3A_419 = tpu.memref_squeeze %dma_wait3A_418 : memref<1x128xi32, #tpu.memory_space<hbm>> -> memref<128xi32, #tpu.memory_space<hbm>>
      %dma_wait3A_420 = arith.constant 0 : i32
      %dma_wait3A_421 = tpu.memref_slice %arg2[%add3A_202, %dma_wait3A_420] : memref<64x128xi32, #tpu.memory_space<hbm>> -> memref<1x128xi32, #tpu.memory_space<hbm>>
      %dma_wait3A_422 = tpu.memref_squeeze %dma_wait3A_421 : memref<1x128xi32, #tpu.memory_space<hbm>> -> memref<128xi32, #tpu.memory_space<hbm>>
      tpu.wait_dma2 semaphore(%run_scoped3A : memref<!tpu.dma_semaphore, #tpu.memory_space<semaphore_mem>>) src(%dma_wait3A_422 : memref<128xi32, #tpu.memory_space<hbm>>) dst(%arg8 : memref<128xi32, #tpu.memory_space<vmem>>)
      tpu.yield
    }) : () -> ()
    %get3A_227 = arith.constant 0 : index
    %get3A_228 = tpu.vector_load %arg8[%get3A_227] {strides = array<i32>} : memref<128xi32, #tpu.memory_space<vmem>>, vector<16xi32>,
    %get3A_229 = vector.shape_cast %get3A_228 : vector<16xi32> to vector<16xi32>
    %lt3A_230 = arith.constant 2048 : i32
    %lt3A_231 = vector.broadcast %lt3A_230 : i32 to vector<16xi32>
    %lt3A_232 = arith.cmpi slt, %get3A_229, %lt3A_231 : vector<16xi32>
    %mul3A_233 = arith.constant 2048 : i32
    %mul3A_234 = arith.muli %select_n3A_226, %mul3A_233 : i32
    %add3A_235 = vector.broadcast %mul3A_234 : i32 to vector<16xi32>
    %add3A_236 = arith.addi %get3A_229, %add3A_235 : vector<16xi32>
    %jit3A_237 = arith.constant 4096 : i32
    %broadcast_in_dim3A_238 = vector.broadcast %jit3A_237 : i32 to vector<16xi32>
    %select_n3A_239 = arith.select %lt3A_232, %add3A_236, %broadcast_in_dim3A_238 : vector<16xi1>, vector<16xi32>
    %swap3A_240 = arith.constant 1 : i32
    %swap3A_241 = arith.index_cast %swap3A_240 : i32 to index
    %swap3A_242 = arith.constant 0 : index
    %swap3A_243 = tpu.vector_load %arg7[%swap3A_241, %swap3A_242] {strides = array<i32>} : memref<2x128xi32, #tpu.memory_space<vmem>>, vector<1x16xi32>,
    %swap3A_244 = vector.shape_cast %swap3A_243 : vector<1x16xi32> to vector<16xi32>
    %swap3A_245 = vector.shape_cast %select_n3A_239 : vector<16xi32> to vector<1x16xi32>
    tpu.vector_store %arg7[%swap3A_241, %swap3A_242], %swap3A_245 {strides = array<i32>} : memref<2x128xi32, #tpu.memory_space<vmem>>, vector<1x16xi32>,
    %get3A_246 = arith.constant 16 : index
    %get3A_247 = tpu.vector_load %arg8[%get3A_246] {strides = array<i32>} : memref<128xi32, #tpu.memory_space<vmem>>, vector<16xi32>,
    %get3A_248 = vector.shape_cast %get3A_247 : vector<16xi32> to vector<16xi32>
    %lt3A_249 = arith.constant 2048 : i32
    %lt3A_250 = vector.broadcast %lt3A_249 : i32 to vector<16xi32>
    %lt3A_251 = arith.cmpi slt, %get3A_248, %lt3A_250 : vector<16xi32>
    %mul3A_252 = arith.constant 2048 : i32
    %mul3A_253 = arith.muli %select_n3A_226, %mul3A_252 : i32
    %add3A_254 = vector.broadcast %mul3A_253 : i32 to vector<16xi32>
    %add3A_255 = arith.addi %get3A_248, %add3A_254 : vector<16xi32>
    %jit3A_256 = arith.constant 4097 : i32
    %broadcast_in_dim3A_257 = vector.broadcast %jit3A_256 : i32 to vector<16xi32>
    %select_n3A_258 = arith.select %lt3A_251, %add3A_255, %broadcast_in_dim3A_257 : vector<16xi1>, vector<16xi32>
    %swap3A_259 = arith.constant 1 : i32
    %swap3A_260 = arith.index_cast %swap3A_259 : i32 to index
    %swap3A_261 = arith.constant 16 : index
    %swap3A_262 = tpu.vector_load %arg7[%swap3A_260, %swap3A_261] {strides = array<i32>} : memref<2x128xi32, #tpu.memory_space<vmem>>, vector<1x16xi32>,
    %swap3A_263 = vector.shape_cast %swap3A_262 : vector<1x16xi32> to vector<16xi32>
    %swap3A_264 = vector.shape_cast %select_n3A_258 : vector<16xi32> to vector<1x16xi32>
    tpu.vector_store %arg7[%swap3A_260, %swap3A_261], %swap3A_264 {strides = array<i32>} : memref<2x128xi32, #tpu.memory_space<vmem>>, vector<1x16xi32>,
    %get3A_265 = arith.constant 32 : index
    %get3A_266 = tpu.vector_load %arg8[%get3A_265] {strides = array<i32>} : memref<128xi32, #tpu.memory_space<vmem>>, vector<16xi32>,
    %get3A_267 = vector.shape_cast %get3A_266 : vector<16xi32> to vector<16xi32>
    %lt3A_268 = arith.constant 2048 : i32
    %lt3A_269 = vector.broadcast %lt3A_268 : i32 to vector<16xi32>
    %lt3A_270 = arith.cmpi slt, %get3A_267, %lt3A_269 : vector<16xi32>
    %mul3A_271 = arith.constant 2048 : i32
    %mul3A_272 = arith.muli %select_n3A_226, %mul3A_271 : i32
    %add3A_273 = vector.broadcast %mul3A_272 : i32 to vector<16xi32>
    %add3A_274 = arith.addi %get3A_267, %add3A_273 : vector<16xi32>
    %jit3A_275 = arith.constant 4098 : i32
    %broadcast_in_dim3A_276 = vector.broadcast %jit3A_275 : i32 to vector<16xi32>
    %select_n3A_277 = arith.select %lt3A_270, %add3A_274, %broadcast_in_dim3A_276 : vector<16xi1>, vector<16xi32>
    %swap3A_278 = arith.constant 1 : i32
    %swap3A_279 = arith.index_cast %swap3A_278 : i32 to index
    %swap3A_280 = arith.constant 32 : index
    %swap3A_281 = tpu.vector_load %arg7[%swap3A_279, %swap3A_280] {strides = array<i32>} : memref<2x128xi32, #tpu.memory_space<vmem>>, vector<1x16xi32>,
    %swap3A_282 = vector.shape_cast %swap3A_281 : vector<1x16xi32> to vector<16xi32>
    %swap3A_283 = vector.shape_cast %select_n3A_277 : vector<16xi32> to vector<1x16xi32>
    tpu.vector_store %arg7[%swap3A_279, %swap3A_280], %swap3A_283 {strides = array<i32>} : memref<2x128xi32, #tpu.memory_space<vmem>>, vector<1x16xi32>,
    %get3A_284 = arith.constant 48 : index
    %get3A_285 = tpu.vector_load %arg8[%get3A_284] {strides = array<i32>} : memref<128xi32, #tpu.memory_space<vmem>>, vector<16xi32>,
    %get3A_286 = vector.shape_cast %get3A_285 : vector<16xi32> to vector<16xi32>
    %lt3A_287 = arith.constant 2048 : i32
    %lt3A_288 = vector.broadcast %lt3A_287 : i32 to vector<16xi32>
    %lt3A_289 = arith.cmpi slt, %get3A_286, %lt3A_288 : vector<16xi32>
    %mul3A_290 = arith.constant 2048 : i32
    %mul3A_291 = arith.muli %select_n3A_226, %mul3A_290 : i32
    %add3A_292 = vector.broadcast %mul3A_291 : i32 to vector<16xi32>
    %add3A_293 = arith.addi %get3A_286, %add3A_292 : vector<16xi32>
    %jit3A_294 = arith.constant 4099 : i32
    %broadcast_in_dim3A_295 = vector.broadcast %jit3A_294 : i32 to vector<16xi32>
    %select_n3A_296 = arith.select %lt3A_289, %add3A_293, %broadcast_in_dim3A_295 : vector<16xi1>, vector<16xi32>
    %swap3A_297 = arith.constant 1 : i32
    %swap3A_298 = arith.index_cast %swap3A_297 : i32 to index
    %swap3A_299 = arith.constant 48 : index
    %swap3A_300 = tpu.vector_load %arg7[%swap3A_298, %swap3A_299] {strides = array<i32>} : memref<2x128xi32, #tpu.memory_space<vmem>>, vector<1x16xi32>,
    %swap3A_301 = vector.shape_cast %swap3A_300 : vector<1x16xi32> to vector<16xi32>
    %swap3A_302 = vector.shape_cast %select_n3A_296 : vector<16xi32> to vector<1x16xi32>
    tpu.vector_store %arg7[%swap3A_298, %swap3A_299], %swap3A_302 {strides = array<i32>} : memref<2x128xi32, #tpu.memory_space<vmem>>, vector<1x16xi32>,
    %get3A_303 = arith.constant 64 : index
    %get3A_304 = tpu.vector_load %arg8[%get3A_303] {strides = array<i32>} : memref<128xi32, #tpu.memory_space<vmem>>, vector<16xi32>,
    %get3A_305 = vector.shape_cast %get3A_304 : vector<16xi32> to vector<16xi32>
    %lt3A_306 = arith.constant 2048 : i32
    %lt3A_307 = vector.broadcast %lt3A_306 : i32 to vector<16xi32>
    %lt3A_308 = arith.cmpi slt, %get3A_305, %lt3A_307 : vector<16xi32>
    %mul3A_309 = arith.constant 2048 : i32
    %mul3A_310 = arith.muli %select_n3A_226, %mul3A_309 : i32
    %add3A_311 = vector.broadcast %mul3A_310 : i32 to vector<16xi32>
    %add3A_312 = arith.addi %get3A_305, %add3A_311 : vector<16xi32>
    %jit3A_313 = arith.constant 4100 : i32
    %broadcast_in_dim3A_314 = vector.broadcast %jit3A_313 : i32 to vector<16xi32>
    %select_n3A_315 = arith.select %lt3A_308, %add3A_312, %broadcast_in_dim3A_314 : vector<16xi1>, vector<16xi32>
    %swap3A_316 = arith.constant 1 : i32
    %swap3A_317 = arith.index_cast %swap3A_316 : i32 to index
    %swap3A_318 = arith.constant 64 : index
    %swap3A_319 = tpu.vector_load %arg7[%swap3A_317, %swap3A_318] {strides = array<i32>} : memref<2x128xi32, #tpu.memory_space<vmem>>, vector<1x16xi32>,
    %swap3A_320 = vector.shape_cast %swap3A_319 : vector<1x16xi32> to vector<16xi32>
    %swap3A_321 = vector.shape_cast %select_n3A_315 : vector<16xi32> to vector<1x16xi32>
    tpu.vector_store %arg7[%swap3A_317, %swap3A_318], %swap3A_321 {strides = array<i32>} : memref<2x128xi32, #tpu.memory_space<vmem>>, vector<1x16xi32>,
    %get3A_322 = arith.constant 80 : index
    %get3A_323 = tpu.vector_load %arg8[%get3A_322] {strides = array<i32>} : memref<128xi32, #tpu.memory_space<vmem>>, vector<16xi32>,
    %get3A_324 = vector.shape_cast %get3A_323 : vector<16xi32> to vector<16xi32>
    %lt3A_325 = arith.constant 2048 : i32
    %lt3A_326 = vector.broadcast %lt3A_325 : i32 to vector<16xi32>
    %lt3A_327 = arith.cmpi slt, %get3A_324, %lt3A_326 : vector<16xi32>
    %mul3A_328 = arith.constant 2048 : i32
    %mul3A_329 = arith.muli %select_n3A_226, %mul3A_328 : i32
    %add3A_330 = vector.broadcast %mul3A_329 : i32 to vector<16xi32>
    %add3A_331 = arith.addi %get3A_324, %add3A_330 : vector<16xi32>
    %jit3A_332 = arith.constant 4101 : i32
    %broadcast_in_dim3A_333 = vector.broadcast %jit3A_332 : i32 to vector<16xi32>
    %select_n3A_334 = arith.select %lt3A_327, %add3A_331, %broadcast_in_dim3A_333 : vector<16xi1>, vector<16xi32>
    %swap3A_335 = arith.constant 1 : i32
    %swap3A_336 = arith.index_cast %swap3A_335 : i32 to index
    %swap3A_337 = arith.constant 80 : index
    %swap3A_338 = tpu.vector_load %arg7[%swap3A_336, %swap3A_337] {strides = array<i32>} : memref<2x128xi32, #tpu.memory_space<vmem>>, vector<1x16xi32>,
    %swap3A_339 = vector.shape_cast %swap3A_338 : vector<1x16xi32> to vector<16xi32>
    %swap3A_340 = vector.shape_cast %select_n3A_334 : vector<16xi32> to vector<1x16xi32>
    tpu.vector_store %arg7[%swap3A_336, %swap3A_337], %swap3A_340 {strides = array<i32>} : memref<2x128xi32, #tpu.memory_space<vmem>>, vector<1x16xi32>,
    %get3A_341 = arith.constant 96 : index
    %get3A_342 = tpu.vector_load %arg8[%get3A_341] {strides = array<i32>} : memref<128xi32, #tpu.memory_space<vmem>>, vector<16xi32>,
    %get3A_343 = vector.shape_cast %get3A_342 : vector<16xi32> to vector<16xi32>
    %lt3A_344 = arith.constant 2048 : i32
    %lt3A_345 = vector.broadcast %lt3A_344 : i32 to vector<16xi32>
    %lt3A_346 = arith.cmpi slt, %get3A_343, %lt3A_345 : vector<16xi32>
    %mul3A_347 = arith.constant 2048 : i32
    %mul3A_348 = arith.muli %select_n3A_226, %mul3A_347 : i32
    %add3A_349 = vector.broadcast %mul3A_348 : i32 to vector<16xi32>
    %add3A_350 = arith.addi %get3A_343, %add3A_349 : vector<16xi32>
    %jit3A_351 = arith.constant 4102 : i32
    %broadcast_in_dim3A_352 = vector.broadcast %jit3A_351 : i32 to vector<16xi32>
    %select_n3A_353 = arith.select %lt3A_346, %add3A_350, %broadcast_in_dim3A_352 : vector<16xi1>, vector<16xi32>
    %swap3A_354 = arith.constant 1 : i32
    %swap3A_355 = arith.index_cast %swap3A_354 : i32 to index
    %swap3A_356 = arith.constant 96 : index
    %swap3A_357 = tpu.vector_load %arg7[%swap3A_355, %swap3A_356] {strides = array<i32>} : memref<2x128xi32, #tpu.memory_space<vmem>>, vector<1x16xi32>,
    %swap3A_358 = vector.shape_cast %swap3A_357 : vector<1x16xi32> to vector<16xi32>
    %swap3A_359 = vector.shape_cast %select_n3A_353 : vector<16xi32> to vector<1x16xi32>
    tpu.vector_store %arg7[%swap3A_355, %swap3A_356], %swap3A_359 {strides = array<i32>} : memref<2x128xi32, #tpu.memory_space<vmem>>, vector<1x16xi32>,
    %get3A_360 = arith.constant 112 : index
    %get3A_361 = tpu.vector_load %arg8[%get3A_360] {strides = array<i32>} : memref<128xi32, #tpu.memory_space<vmem>>, vector<16xi32>,
    %get3A_362 = vector.shape_cast %get3A_361 : vector<16xi32> to vector<16xi32>
    %lt3A_363 = arith.constant 2048 : i32
    %lt3A_364 = vector.broadcast %lt3A_363 : i32 to vector<16xi32>
    %lt3A_365 = arith.cmpi slt, %get3A_362, %lt3A_364 : vector<16xi32>
    %mul3A_366 = arith.constant 2048 : i32
    %mul3A_367 = arith.muli %select_n3A_226, %mul3A_366 : i32
    %add3A_368 = vector.broadcast %mul3A_367 : i32 to vector<16xi32>
    %add3A_369 = arith.addi %get3A_362, %add3A_368 : vector<16xi32>
    %jit3A_370 = arith.constant 4103 : i32
    %broadcast_in_dim3A_371 = vector.broadcast %jit3A_370 : i32 to vector<16xi32>
    %select_n3A_372 = arith.select %lt3A_365, %add3A_369, %broadcast_in_dim3A_371 : vector<16xi1>, vector<16xi32>
    %swap3A_373 = arith.constant 1 : i32
    %swap3A_374 = arith.index_cast %swap3A_373 : i32 to index
    %swap3A_375 = arith.constant 112 : index
    %swap3A_376 = tpu.vector_load %arg7[%swap3A_374, %swap3A_375] {strides = array<i32>} : memref<2x128xi32, #tpu.memory_space<vmem>>, vector<1x16xi32>,
    %swap3A_377 = vector.shape_cast %swap3A_376 : vector<1x16xi32> to vector<16xi32>
    %swap3A_378 = vector.shape_cast %select_n3A_372 : vector<16xi32> to vector<1x16xi32>
    tpu.vector_store %arg7[%swap3A_374, %swap3A_375], %swap3A_378 {strides = array<i32>} : memref<2x128xi32, #tpu.memory_space<vmem>>, vector<1x16xi32>,
    %mul3A_379 = arith.constant 128 : i32
    %mul3A_380 = arith.muli %add3A_202, %mul3A_379 : i32
    "tpu.region"() ({
      %run_scoped3A = tpu.sem_alloc : memref<!tpu.dma_semaphore, #tpu.memory_space<semaphore_mem>>
      %dma_start3A_411 = arith.constant 0 : i32
      %dma_start3A_412 = tpu.memref_slice %arg3[%mul3A_380, %dma_start3A_411] : memref<8192x256xf32, #tpu.memory_space<hbm>> -> memref<128x256xf32, #tpu.memory_space<hbm>>
      %dma_start3A_413 = arith.constant 0 : i32
      %dma_start3A_414 = tpu.memref_slice %arg3[%mul3A_380, %dma_start3A_413] : memref<8192x256xf32, #tpu.memory_space<hbm>> -> memref<128x256xf32, #tpu.memory_space<hbm>>
      tpu.enqueue_dma source(%dma_start3A_414 : memref<128x256xf32, #tpu.memory_space<hbm>>) target(%arg9 : memref<128x256xf32, #tpu.memory_space<vmem>>) target_semaphore(%run_scoped3A : memref<!tpu.dma_semaphore, #tpu.memory_space<semaphore_mem>>)
      %dma_wait3A_415 = arith.constant 0 : i32
      %dma_wait3A_416 = tpu.memref_slice %arg3[%mul3A_380, %dma_wait3A_415] : memref<8192x256xf32, #tpu.memory_space<hbm>> -> memref<128x256xf32, #tpu.memory_space<hbm>>
      %dma_wait3A_417 = arith.constant 0 : i32
      %dma_wait3A_418 = tpu.memref_slice %arg3[%mul3A_380, %dma_wait3A_417] : memref<8192x256xf32, #tpu.memory_space<hbm>> -> memref<128x256xf32, #tpu.memory_space<hbm>>
      tpu.wait_dma2 semaphore(%run_scoped3A : memref<!tpu.dma_semaphore, #tpu.memory_space<semaphore_mem>>) src(%dma_wait3A_418 : memref<128x256xf32, #tpu.memory_space<hbm>>) dst(%arg9 : memref<128x256xf32, #tpu.memory_space<vmem>>)
      tpu.yield
    }) : () -> ()
    %dma_start3A_381 = arith.constant 1 : i32
    %dma_start3A_382 = arith.constant 0 : i32
    %dma_start3A_383 = tpu.memref_slice %arg7[%dma_start3A_381, %dma_start3A_382] : memref<2x128xi32, #tpu.memory_space<vmem>> -> memref<1x128xi32, #tpu.memory_space<vmem>>
    %dma_start3A_384 = tpu.memref_squeeze %dma_start3A_383 : memref<1x128xi32, #tpu.memory_space<vmem>> -> memref<128xi32, #tpu.memory_space<vmem>>
    %dma_start3A_385 = arith.constant 0 : i32
    %dma_start3A_386 = arith.constant 0 : i32
    %dma_start3A_387 = tpu.memref_slice %arg5[%dma_start3A_385, %dma_start3A_386] : memref<4104x256xf32, #tpu.memory_space<hbm>> -> memref<4104x256xf32, #tpu.memory_space<hbm>>
    tpu.enqueue_indirect_dma source(%arg9 : memref<128x256xf32, #tpu.memory_space<vmem>>) target(%dma_start3A_387 : memref<4104x256xf32, #tpu.memory_space<hbm>>) offsets(%dma_start3A_384 : memref<128xi32, #tpu.memory_space<vmem>>) semaphore(%arg11 : memref<!tpu.dma_semaphore, #tpu.memory_space<semaphore_mem>>)
    %dma_wait3A_388 = arith.constant 1 : i32
    %dma_wait3A_389 = arith.constant 0 : i32
    %dma_wait3A_390 = tpu.memref_slice %arg7[%dma_wait3A_388, %dma_wait3A_389] : memref<2x128xi32, #tpu.memory_space<vmem>> -> memref<1x128xi32, #tpu.memory_space<vmem>>
    %dma_wait3A_391 = tpu.memref_squeeze %dma_wait3A_390 : memref<1x128xi32, #tpu.memory_space<vmem>> -> memref<128xi32, #tpu.memory_space<vmem>>
    %dma_wait3A_392 = arith.constant 0 : i32
    %dma_wait3A_393 = arith.constant 0 : i32
    %dma_wait3A_394 = tpu.memref_slice %arg5[%dma_wait3A_392, %dma_wait3A_393] : memref<4104x256xf32, #tpu.memory_space<hbm>> -> memref<4104x256xf32, #tpu.memory_space<hbm>>
    tpu.wait_indirect_dma semaphore(%arg11 : memref<!tpu.dma_semaphore, #tpu.memory_space<semaphore_mem>>) src(%arg9 : memref<128x256xf32, #tpu.memory_space<vmem>>) dst(%dma_wait3A_394 : memref<4104x256xf32, #tpu.memory_space<hbm>>)
    %mul3A_395 = arith.constant 128 : i32
    %mul3A_396 = arith.muli %add3A_202, %mul3A_395 : i32
    "tpu.region"() ({
      %run_scoped3A = tpu.sem_alloc : memref<!tpu.dma_semaphore, #tpu.memory_space<semaphore_mem>>
      %dma_start3A_411 = arith.constant 0 : i32
      %dma_start3A_412 = tpu.memref_slice %arg4[%mul3A_396, %dma_start3A_411] : memref<8192x128xf32, #tpu.memory_space<hbm>> -> memref<128x128xf32, #tpu.memory_space<hbm>>
      %dma_start3A_413 = arith.constant 0 : i32
      %dma_start3A_414 = tpu.memref_slice %arg4[%mul3A_396, %dma_start3A_413] : memref<8192x128xf32, #tpu.memory_space<hbm>> -> memref<128x128xf32, #tpu.memory_space<hbm>>
      tpu.enqueue_dma source(%dma_start3A_414 : memref<128x128xf32, #tpu.memory_space<hbm>>) target(%arg10 : memref<128x128xf32, #tpu.memory_space<vmem>>) target_semaphore(%run_scoped3A : memref<!tpu.dma_semaphore, #tpu.memory_space<semaphore_mem>>)
      %dma_wait3A_415 = arith.constant 0 : i32
      %dma_wait3A_416 = tpu.memref_slice %arg4[%mul3A_396, %dma_wait3A_415] : memref<8192x128xf32, #tpu.memory_space<hbm>> -> memref<128x128xf32, #tpu.memory_space<hbm>>
      %dma_wait3A_417 = arith.constant 0 : i32
      %dma_wait3A_418 = tpu.memref_slice %arg4[%mul3A_396, %dma_wait3A_417] : memref<8192x128xf32, #tpu.memory_space<hbm>> -> memref<128x128xf32, #tpu.memory_space<hbm>>
      tpu.wait_dma2 semaphore(%run_scoped3A : memref<!tpu.dma_semaphore, #tpu.memory_space<semaphore_mem>>) src(%dma_wait3A_418 : memref<128x128xf32, #tpu.memory_space<hbm>>) dst(%arg10 : memref<128x128xf32, #tpu.memory_space<vmem>>)
      tpu.yield
    }) : () -> ()
    %dma_start3A_397 = arith.constant 1 : i32
    %dma_start3A_398 = arith.constant 0 : i32
    %dma_start3A_399 = tpu.memref_slice %arg7[%dma_start3A_397, %dma_start3A_398] : memref<2x128xi32, #tpu.memory_space<vmem>> -> memref<1x128xi32, #tpu.memory_space<vmem>>
    %dma_start3A_400 = tpu.memref_squeeze %dma_start3A_399 : memref<1x128xi32, #tpu.memory_space<vmem>> -> memref<128xi32, #tpu.memory_space<vmem>>
    %dma_start3A_401 = arith.constant 0 : i32
    %dma_start3A_402 = arith.constant 0 : i32
    %dma_start3A_403 = tpu.memref_slice %arg6[%dma_start3A_401, %dma_start3A_402] : memref<4104x128xf32, #tpu.memory_space<hbm>> -> memref<4104x128xf32, #tpu.memory_space<hbm>>
    tpu.enqueue_indirect_dma source(%arg10 : memref<128x128xf32, #tpu.memory_space<vmem>>) target(%dma_start3A_403 : memref<4104x128xf32, #tpu.memory_space<hbm>>) offsets(%dma_start3A_400 : memref<128xi32, #tpu.memory_space<vmem>>) semaphore(%arg11 : memref<!tpu.dma_semaphore, #tpu.memory_space<semaphore_mem>>)
    %dma_wait3A_404 = arith.constant 1 : i32
    %dma_wait3A_405 = arith.constant 0 : i32
    %dma_wait3A_406 = tpu.memref_slice %arg7[%dma_wait3A_404, %dma_wait3A_405] : memref<2x128xi32, #tpu.memory_space<vmem>> -> memref<1x128xi32, #tpu.memory_space<vmem>>
    %dma_wait3A_407 = tpu.memref_squeeze %dma_wait3A_406 : memref<1x128xi32, #tpu.memory_space<vmem>> -> memref<128xi32, #tpu.memory_space<vmem>>
    %dma_wait3A_408 = arith.constant 0 : i32
    %dma_wait3A_409 = arith.constant 0 : i32
    %dma_wait3A_410 = tpu.memref_slice %arg6[%dma_wait3A_408, %dma_wait3A_409] : memref<4104x128xf32, #tpu.memory_space<hbm>> -> memref<4104x128xf32, #tpu.memory_space<hbm>>
    tpu.wait_indirect_dma semaphore(%arg11 : memref<!tpu.dma_semaphore, #tpu.memory_space<semaphore_mem>>) src(%arg10 : memref<128x128xf32, #tpu.memory_space<vmem>>) dst(%dma_wait3A_410 : memref<4104x128xf32, #tpu.memory_space<hbm>>)
    return
  }
}

module attributes {stable_mosaic.version = 14 : i64} {
  func.func @_knn_body(%arg0: i32, %arg1: i32, %arg2: memref<1x3x4096xf32, #tpu.memory_space<vmem>>, %arg3: memref<1x256x3xf32, #tpu.memory_space<vmem>>, %arg4: memref<256x32xi32, #tpu.memory_space<vmem>>) attributes {dimension_semantics = [#tpu.dimension_semantics<arbitrary>, #tpu.dimension_semantics<arbitrary>], iteration_bounds = array<i64: 2, 16>, scalar_prefetch = 0 : i64, scratch_operands = 0 : i64, tpu.core_type = #tpu.core_type<tc>, window_params = [{transform_indices = @transform_0, window_bounds = array<i64: 1, 3, 4096>}, {transform_indices = @transform_1, window_bounds = array<i64: 1, 256, 3>}, {transform_indices = @transform_2, window_bounds = array<i64: 256, 32>}]} {
    %get3A = arith.constant 0 : index
    %get3A_0 = arith.constant 0 : index
    %get3A_1 = arith.constant 0 : index
    %get3A_2 = vector.load %arg2[%get3A, %get3A_0, %get3A_1] : memref<1x3x4096xf32, #tpu.memory_space<vmem>>, vector<1x3x4096xf32>
    %get3A_3 = vector.shape_cast %get3A_2 : vector<1x3x4096xf32> to vector<3x4096xf32>
    %get3A_4 = arith.constant 0 : index
    %get3A_5 = arith.constant 0 : index
    %get3A_6 = arith.constant 0 : index
    %get3A_7 = vector.load %arg3[%get3A_4, %get3A_5, %get3A_6] : memref<1x256x3xf32, #tpu.memory_space<vmem>>, vector<1x256x3xf32>
    %get3A_8 = vector.shape_cast %get3A_7 : vector<1x256x3xf32> to vector<256x3xf32>
    %dot_general3A = arith.constant dense<0.000000e+00> : vector<256x4096xf32>
    %dot_general3A_9 = tpu.matmul %get3A_8, %get3A_3, %dot_general3A {dimension_numbers = #tpu.dot_dimension_numbers<[1], [0], [0], [1], [0, 0, 1, 1], [], []>, transpose_lhs_hint = false} : vector<256x3xf32>, vector<3x4096xf32>, vector<256x4096xf32> -> vector<256x4096xf32>
    %mul3A = arith.mulf %get3A_3, %get3A_3 : vector<3x4096xf32>
    %slice3A = vector.extract_strided_slice %mul3A {offsets = [0, 0], sizes = [1, 4096], strides = [1, 1]} : vector<3x4096xf32> to vector<1x4096xf32>
    %slice3A_10 = vector.extract_strided_slice %mul3A {offsets = [1, 0], sizes = [1, 4096], strides = [1, 1]} : vector<3x4096xf32> to vector<1x4096xf32>
    %add3A = arith.addf %slice3A, %slice3A_10 : vector<1x4096xf32>
    %slice3A_11 = vector.extract_strided_slice %mul3A {offsets = [2, 0], sizes = [1, 4096], strides = [1, 1]} : vector<3x4096xf32> to vector<1x4096xf32>
    %add3A_12 = arith.addf %add3A, %slice3A_11 : vector<1x4096xf32>
    %mul3A_13 = arith.mulf %get3A_8, %get3A_8 : vector<256x3xf32>
    %slice3A_14 = vector.extract_strided_slice %mul3A_13 {offsets = [0, 0], sizes = [256, 1], strides = [1, 1]} : vector<256x3xf32> to vector<256x1xf32>
    %slice3A_15 = vector.extract_strided_slice %mul3A_13 {offsets = [0, 1], sizes = [256, 1], strides = [1, 1]} : vector<256x3xf32> to vector<256x1xf32>
    %add3A_16 = arith.addf %slice3A_14, %slice3A_15 : vector<256x1xf32>
    %slice3A_17 = vector.extract_strided_slice %mul3A_13 {offsets = [0, 2], sizes = [256, 1], strides = [1, 1]} : vector<256x3xf32> to vector<256x1xf32>
    %add3A_18 = arith.addf %add3A_16, %slice3A_17 : vector<256x1xf32>
    %add3A_19 = vector.broadcast %add3A_18 : vector<256x1xf32> to vector<256x4096xf32>
    %add3A_20 = vector.broadcast %add3A_12 : vector<1x4096xf32> to vector<256x4096xf32>
    %add3A_21 = arith.addf %add3A_19, %add3A_20 : vector<256x4096xf32>
    %mul3A_22 = arith.constant 2.000000e+00 : f32
    %mul3A_23 = vector.broadcast %mul3A_22 : f32 to vector<256x4096xf32>
    %mul3A_24 = arith.mulf %mul3A_23, %dot_general3A_9 : vector<256x4096xf32>
    %sub3A = arith.subf %add3A_21, %mul3A_24 : vector<256x4096xf32>
    %iota3A = tpu.iota {dimensions = array<i32: 1>} : vector<256x4096xi32>
    %mul3A_25 = arith.constant 4096 : i32
    %mul3A_26 = arith.muli %arg0, %mul3A_25 : i32
    %reduce_min3A = arith.constant dense<0x7F800000> : vector<256xf32>
    %reduce_min3A_27 = vector.multi_reduction <minimumf>, %sub3A, %reduce_min3A [1] : vector<256x4096xf32> to vector<256xf32>
    %broadcast_in_dim3A = vector.shape_cast %reduce_min3A_27 : vector<256xf32> to vector<256x1xf32>
    %eq3A = vector.broadcast %broadcast_in_dim3A : vector<256x1xf32> to vector<256x4096xf32>
    %eq3A_28 = arith.cmpf oeq, %sub3A, %eq3A : vector<256x4096xf32>
    %jit3A = arith.constant 4096 : i32
    %broadcast_in_dim3A_29 = vector.broadcast %jit3A : i32 to vector<256x4096xi32>
    %select_n3A = arith.select %eq3A_28, %iota3A, %broadcast_in_dim3A_29 : vector<256x4096xi1>, vector<256x4096xi32>
    %reduce_min3A_30 = arith.constant dense<2147483647> : vector<256xi32>
    %reduce_min3A_31 = vector.multi_reduction <minsi>, %select_n3A, %reduce_min3A_30 [1] : vector<256x4096xi32> to vector<256xi32>
    %broadcast_in_dim3A_32 = vector.shape_cast %reduce_min3A_31 : vector<256xi32> to vector<256x1xi32>
    %add3A_33 = vector.broadcast %mul3A_26 : i32 to vector<256x1xi32>
    %add3A_34 = arith.addi %broadcast_in_dim3A_32, %add3A_33 : vector<256x1xi32>
    %swap3A = arith.constant 0 : index
    %swap3A_35 = arith.constant 0 : index
    %swap3A_36 = vector.load %arg4[%swap3A, %swap3A_35] : memref<256x32xi32, #tpu.memory_space<vmem>>, vector<256x1xi32>
    tpu.vector_store %arg4[%swap3A, %swap3A_35], %add3A_34 {strides = array<i32>} : memref<256x32xi32, #tpu.memory_space<vmem>>, vector<256x1xi32>,
    %eq3A_37 = vector.broadcast %broadcast_in_dim3A_32 : vector<256x1xi32> to vector<256x4096xi32>
    %eq3A_38 = arith.cmpi eq, %iota3A, %eq3A_37 : vector<256x4096xi32>
    %jit3A_39 = arith.constant 0x7F800000 : f32
    %broadcast_in_dim3A_40 = vector.broadcast %jit3A_39 : f32 to vector<256x4096xf32>
    %select_n3A_41 = arith.select %eq3A_38, %broadcast_in_dim3A_40, %sub3A : vector<256x4096xi1>, vector<256x4096xf32>
    %reduce_min3A_42 = arith.constant dense<0x7F800000> : vector<256xf32>
    %reduce_min3A_43 = vector.multi_reduction <minimumf>, %select_n3A_41, %reduce_min3A_42 [1] : vector<256x4096xf32> to vector<256xf32>
    %broadcast_in_dim3A_44 = vector.shape_cast %reduce_min3A_43 : vector<256xf32> to vector<256x1xf32>
    %eq3A_45 = vector.broadcast %broadcast_in_dim3A_44 : vector<256x1xf32> to vector<256x4096xf32>
    %eq3A_46 = arith.cmpf oeq, %select_n3A_41, %eq3A_45 : vector<256x4096xf32>
    %jit3A_47 = arith.constant 4096 : i32
    %broadcast_in_dim3A_48 = vector.broadcast %jit3A_47 : i32 to vector<256x4096xi32>
    %select_n3A_49 = arith.select %eq3A_46, %iota3A, %broadcast_in_dim3A_48 : vector<256x4096xi1>, vector<256x4096xi32>
    %reduce_min3A_50 = arith.constant dense<2147483647> : vector<256xi32>
    %reduce_min3A_51 = vector.multi_reduction <minsi>, %select_n3A_49, %reduce_min3A_50 [1] : vector<256x4096xi32> to vector<256xi32>
    %broadcast_in_dim3A_52 = vector.shape_cast %reduce_min3A_51 : vector<256xi32> to vector<256x1xi32>
    %add3A_53 = vector.broadcast %mul3A_26 : i32 to vector<256x1xi32>
    %add3A_54 = arith.addi %broadcast_in_dim3A_52, %add3A_53 : vector<256x1xi32>
    %swap3A_55 = arith.constant 0 : index
    %swap3A_56 = arith.constant 1 : index
    %swap3A_57 = vector.load %arg4[%swap3A_55, %swap3A_56] : memref<256x32xi32, #tpu.memory_space<vmem>>, vector<256x1xi32>
    tpu.vector_store %arg4[%swap3A_55, %swap3A_56], %add3A_54 {strides = array<i32>} : memref<256x32xi32, #tpu.memory_space<vmem>>, vector<256x1xi32>,
    %eq3A_58 = vector.broadcast %broadcast_in_dim3A_52 : vector<256x1xi32> to vector<256x4096xi32>
    %eq3A_59 = arith.cmpi eq, %iota3A, %eq3A_58 : vector<256x4096xi32>
    %jit3A_60 = arith.constant 0x7F800000 : f32
    %broadcast_in_dim3A_61 = vector.broadcast %jit3A_60 : f32 to vector<256x4096xf32>
    %select_n3A_62 = arith.select %eq3A_59, %broadcast_in_dim3A_61, %select_n3A_41 : vector<256x4096xi1>, vector<256x4096xf32>
    %reduce_min3A_63 = arith.constant dense<0x7F800000> : vector<256xf32>
    %reduce_min3A_64 = vector.multi_reduction <minimumf>, %select_n3A_62, %reduce_min3A_63 [1] : vector<256x4096xf32> to vector<256xf32>
    %broadcast_in_dim3A_65 = vector.shape_cast %reduce_min3A_64 : vector<256xf32> to vector<256x1xf32>
    %eq3A_66 = vector.broadcast %broadcast_in_dim3A_65 : vector<256x1xf32> to vector<256x4096xf32>
    %eq3A_67 = arith.cmpf oeq, %select_n3A_62, %eq3A_66 : vector<256x4096xf32>
    %jit3A_68 = arith.constant 4096 : i32
    %broadcast_in_dim3A_69 = vector.broadcast %jit3A_68 : i32 to vector<256x4096xi32>
    %select_n3A_70 = arith.select %eq3A_67, %iota3A, %broadcast_in_dim3A_69 : vector<256x4096xi1>, vector<256x4096xi32>
    %reduce_min3A_71 = arith.constant dense<2147483647> : vector<256xi32>
    %reduce_min3A_72 = vector.multi_reduction <minsi>, %select_n3A_70, %reduce_min3A_71 [1] : vector<256x4096xi32> to vector<256xi32>
    %broadcast_in_dim3A_73 = vector.shape_cast %reduce_min3A_72 : vector<256xi32> to vector<256x1xi32>
    %add3A_74 = vector.broadcast %mul3A_26 : i32 to vector<256x1xi32>
    %add3A_75 = arith.addi %broadcast_in_dim3A_73, %add3A_74 : vector<256x1xi32>
    %swap3A_76 = arith.constant 0 : index
    %swap3A_77 = arith.constant 2 : index
    %swap3A_78 = vector.load %arg4[%swap3A_76, %swap3A_77] : memref<256x32xi32, #tpu.memory_space<vmem>>, vector<256x1xi32>
    tpu.vector_store %arg4[%swap3A_76, %swap3A_77], %add3A_75 {strides = array<i32>} : memref<256x32xi32, #tpu.memory_space<vmem>>, vector<256x1xi32>,
    %eq3A_79 = vector.broadcast %broadcast_in_dim3A_73 : vector<256x1xi32> to vector<256x4096xi32>
    %eq3A_80 = arith.cmpi eq, %iota3A, %eq3A_79 : vector<256x4096xi32>
    %jit3A_81 = arith.constant 0x7F800000 : f32
    %broadcast_in_dim3A_82 = vector.broadcast %jit3A_81 : f32 to vector<256x4096xf32>
    %select_n3A_83 = arith.select %eq3A_80, %broadcast_in_dim3A_82, %select_n3A_62 : vector<256x4096xi1>, vector<256x4096xf32>
    %reduce_min3A_84 = arith.constant dense<0x7F800000> : vector<256xf32>
    %reduce_min3A_85 = vector.multi_reduction <minimumf>, %select_n3A_83, %reduce_min3A_84 [1] : vector<256x4096xf32> to vector<256xf32>
    %broadcast_in_dim3A_86 = vector.shape_cast %reduce_min3A_85 : vector<256xf32> to vector<256x1xf32>
    %eq3A_87 = vector.broadcast %broadcast_in_dim3A_86 : vector<256x1xf32> to vector<256x4096xf32>
    %eq3A_88 = arith.cmpf oeq, %select_n3A_83, %eq3A_87 : vector<256x4096xf32>
    %jit3A_89 = arith.constant 4096 : i32
    %broadcast_in_dim3A_90 = vector.broadcast %jit3A_89 : i32 to vector<256x4096xi32>
    %select_n3A_91 = arith.select %eq3A_88, %iota3A, %broadcast_in_dim3A_90 : vector<256x4096xi1>, vector<256x4096xi32>
    %reduce_min3A_92 = arith.constant dense<2147483647> : vector<256xi32>
    %reduce_min3A_93 = vector.multi_reduction <minsi>, %select_n3A_91, %reduce_min3A_92 [1] : vector<256x4096xi32> to vector<256xi32>
    %broadcast_in_dim3A_94 = vector.shape_cast %reduce_min3A_93 : vector<256xi32> to vector<256x1xi32>
    %add3A_95 = vector.broadcast %mul3A_26 : i32 to vector<256x1xi32>
    %add3A_96 = arith.addi %broadcast_in_dim3A_94, %add3A_95 : vector<256x1xi32>
    %swap3A_97 = arith.constant 0 : index
    %swap3A_98 = arith.constant 3 : index
    %swap3A_99 = vector.load %arg4[%swap3A_97, %swap3A_98] : memref<256x32xi32, #tpu.memory_space<vmem>>, vector<256x1xi32>
    tpu.vector_store %arg4[%swap3A_97, %swap3A_98], %add3A_96 {strides = array<i32>} : memref<256x32xi32, #tpu.memory_space<vmem>>, vector<256x1xi32>,
    %eq3A_100 = vector.broadcast %broadcast_in_dim3A_94 : vector<256x1xi32> to vector<256x4096xi32>
    %eq3A_101 = arith.cmpi eq, %iota3A, %eq3A_100 : vector<256x4096xi32>
    %jit3A_102 = arith.constant 0x7F800000 : f32
    %broadcast_in_dim3A_103 = vector.broadcast %jit3A_102 : f32 to vector<256x4096xf32>
    %select_n3A_104 = arith.select %eq3A_101, %broadcast_in_dim3A_103, %select_n3A_83 : vector<256x4096xi1>, vector<256x4096xf32>
    %reduce_min3A_105 = arith.constant dense<0x7F800000> : vector<256xf32>
    %reduce_min3A_106 = vector.multi_reduction <minimumf>, %select_n3A_104, %reduce_min3A_105 [1] : vector<256x4096xf32> to vector<256xf32>
    %broadcast_in_dim3A_107 = vector.shape_cast %reduce_min3A_106 : vector<256xf32> to vector<256x1xf32>
    %eq3A_108 = vector.broadcast %broadcast_in_dim3A_107 : vector<256x1xf32> to vector<256x4096xf32>
    %eq3A_109 = arith.cmpf oeq, %select_n3A_104, %eq3A_108 : vector<256x4096xf32>
    %jit3A_110 = arith.constant 4096 : i32
    %broadcast_in_dim3A_111 = vector.broadcast %jit3A_110 : i32 to vector<256x4096xi32>
    %select_n3A_112 = arith.select %eq3A_109, %iota3A, %broadcast_in_dim3A_111 : vector<256x4096xi1>, vector<256x4096xi32>
    %reduce_min3A_113 = arith.constant dense<2147483647> : vector<256xi32>
    %reduce_min3A_114 = vector.multi_reduction <minsi>, %select_n3A_112, %reduce_min3A_113 [1] : vector<256x4096xi32> to vector<256xi32>
    %broadcast_in_dim3A_115 = vector.shape_cast %reduce_min3A_114 : vector<256xi32> to vector<256x1xi32>
    %add3A_116 = vector.broadcast %mul3A_26 : i32 to vector<256x1xi32>
    %add3A_117 = arith.addi %broadcast_in_dim3A_115, %add3A_116 : vector<256x1xi32>
    %swap3A_118 = arith.constant 0 : index
    %swap3A_119 = arith.constant 4 : index
    %swap3A_120 = vector.load %arg4[%swap3A_118, %swap3A_119] : memref<256x32xi32, #tpu.memory_space<vmem>>, vector<256x1xi32>
    tpu.vector_store %arg4[%swap3A_118, %swap3A_119], %add3A_117 {strides = array<i32>} : memref<256x32xi32, #tpu.memory_space<vmem>>, vector<256x1xi32>,
    %eq3A_121 = vector.broadcast %broadcast_in_dim3A_115 : vector<256x1xi32> to vector<256x4096xi32>
    %eq3A_122 = arith.cmpi eq, %iota3A, %eq3A_121 : vector<256x4096xi32>
    %jit3A_123 = arith.constant 0x7F800000 : f32
    %broadcast_in_dim3A_124 = vector.broadcast %jit3A_123 : f32 to vector<256x4096xf32>
    %select_n3A_125 = arith.select %eq3A_122, %broadcast_in_dim3A_124, %select_n3A_104 : vector<256x4096xi1>, vector<256x4096xf32>
    %reduce_min3A_126 = arith.constant dense<0x7F800000> : vector<256xf32>
    %reduce_min3A_127 = vector.multi_reduction <minimumf>, %select_n3A_125, %reduce_min3A_126 [1] : vector<256x4096xf32> to vector<256xf32>
    %broadcast_in_dim3A_128 = vector.shape_cast %reduce_min3A_127 : vector<256xf32> to vector<256x1xf32>
    %eq3A_129 = vector.broadcast %broadcast_in_dim3A_128 : vector<256x1xf32> to vector<256x4096xf32>
    %eq3A_130 = arith.cmpf oeq, %select_n3A_125, %eq3A_129 : vector<256x4096xf32>
    %jit3A_131 = arith.constant 4096 : i32
    %broadcast_in_dim3A_132 = vector.broadcast %jit3A_131 : i32 to vector<256x4096xi32>
    %select_n3A_133 = arith.select %eq3A_130, %iota3A, %broadcast_in_dim3A_132 : vector<256x4096xi1>, vector<256x4096xi32>
    %reduce_min3A_134 = arith.constant dense<2147483647> : vector<256xi32>
    %reduce_min3A_135 = vector.multi_reduction <minsi>, %select_n3A_133, %reduce_min3A_134 [1] : vector<256x4096xi32> to vector<256xi32>
    %broadcast_in_dim3A_136 = vector.shape_cast %reduce_min3A_135 : vector<256xi32> to vector<256x1xi32>
    %add3A_137 = vector.broadcast %mul3A_26 : i32 to vector<256x1xi32>
    %add3A_138 = arith.addi %broadcast_in_dim3A_136, %add3A_137 : vector<256x1xi32>
    %swap3A_139 = arith.constant 0 : index
    %swap3A_140 = arith.constant 5 : index
    %swap3A_141 = vector.load %arg4[%swap3A_139, %swap3A_140] : memref<256x32xi32, #tpu.memory_space<vmem>>, vector<256x1xi32>
    tpu.vector_store %arg4[%swap3A_139, %swap3A_140], %add3A_138 {strides = array<i32>} : memref<256x32xi32, #tpu.memory_space<vmem>>, vector<256x1xi32>,
    %eq3A_142 = vector.broadcast %broadcast_in_dim3A_136 : vector<256x1xi32> to vector<256x4096xi32>
    %eq3A_143 = arith.cmpi eq, %iota3A, %eq3A_142 : vector<256x4096xi32>
    %jit3A_144 = arith.constant 0x7F800000 : f32
    %broadcast_in_dim3A_145 = vector.broadcast %jit3A_144 : f32 to vector<256x4096xf32>
    %select_n3A_146 = arith.select %eq3A_143, %broadcast_in_dim3A_145, %select_n3A_125 : vector<256x4096xi1>, vector<256x4096xf32>
    %reduce_min3A_147 = arith.constant dense<0x7F800000> : vector<256xf32>
    %reduce_min3A_148 = vector.multi_reduction <minimumf>, %select_n3A_146, %reduce_min3A_147 [1] : vector<256x4096xf32> to vector<256xf32>
    %broadcast_in_dim3A_149 = vector.shape_cast %reduce_min3A_148 : vector<256xf32> to vector<256x1xf32>
    %eq3A_150 = vector.broadcast %broadcast_in_dim3A_149 : vector<256x1xf32> to vector<256x4096xf32>
    %eq3A_151 = arith.cmpf oeq, %select_n3A_146, %eq3A_150 : vector<256x4096xf32>
    %jit3A_152 = arith.constant 4096 : i32
    %broadcast_in_dim3A_153 = vector.broadcast %jit3A_152 : i32 to vector<256x4096xi32>
    %select_n3A_154 = arith.select %eq3A_151, %iota3A, %broadcast_in_dim3A_153 : vector<256x4096xi1>, vector<256x4096xi32>
    %reduce_min3A_155 = arith.constant dense<2147483647> : vector<256xi32>
    %reduce_min3A_156 = vector.multi_reduction <minsi>, %select_n3A_154, %reduce_min3A_155 [1] : vector<256x4096xi32> to vector<256xi32>
    %broadcast_in_dim3A_157 = vector.shape_cast %reduce_min3A_156 : vector<256xi32> to vector<256x1xi32>
    %add3A_158 = vector.broadcast %mul3A_26 : i32 to vector<256x1xi32>
    %add3A_159 = arith.addi %broadcast_in_dim3A_157, %add3A_158 : vector<256x1xi32>
    %swap3A_160 = arith.constant 0 : index
    %swap3A_161 = arith.constant 6 : index
    %swap3A_162 = vector.load %arg4[%swap3A_160, %swap3A_161] : memref<256x32xi32, #tpu.memory_space<vmem>>, vector<256x1xi32>
    tpu.vector_store %arg4[%swap3A_160, %swap3A_161], %add3A_159 {strides = array<i32>} : memref<256x32xi32, #tpu.memory_space<vmem>>, vector<256x1xi32>,
    %eq3A_163 = vector.broadcast %broadcast_in_dim3A_157 : vector<256x1xi32> to vector<256x4096xi32>
    %eq3A_164 = arith.cmpi eq, %iota3A, %eq3A_163 : vector<256x4096xi32>
    %jit3A_165 = arith.constant 0x7F800000 : f32
    %broadcast_in_dim3A_166 = vector.broadcast %jit3A_165 : f32 to vector<256x4096xf32>
    %select_n3A_167 = arith.select %eq3A_164, %broadcast_in_dim3A_166, %select_n3A_146 : vector<256x4096xi1>, vector<256x4096xf32>
    %reduce_min3A_168 = arith.constant dense<0x7F800000> : vector<256xf32>
    %reduce_min3A_169 = vector.multi_reduction <minimumf>, %select_n3A_167, %reduce_min3A_168 [1] : vector<256x4096xf32> to vector<256xf32>
    %broadcast_in_dim3A_170 = vector.shape_cast %reduce_min3A_169 : vector<256xf32> to vector<256x1xf32>
    %eq3A_171 = vector.broadcast %broadcast_in_dim3A_170 : vector<256x1xf32> to vector<256x4096xf32>
    %eq3A_172 = arith.cmpf oeq, %select_n3A_167, %eq3A_171 : vector<256x4096xf32>
    %jit3A_173 = arith.constant 4096 : i32
    %broadcast_in_dim3A_174 = vector.broadcast %jit3A_173 : i32 to vector<256x4096xi32>
    %select_n3A_175 = arith.select %eq3A_172, %iota3A, %broadcast_in_dim3A_174 : vector<256x4096xi1>, vector<256x4096xi32>
    %reduce_min3A_176 = arith.constant dense<2147483647> : vector<256xi32>
    %reduce_min3A_177 = vector.multi_reduction <minsi>, %select_n3A_175, %reduce_min3A_176 [1] : vector<256x4096xi32> to vector<256xi32>
    %broadcast_in_dim3A_178 = vector.shape_cast %reduce_min3A_177 : vector<256xi32> to vector<256x1xi32>
    %add3A_179 = vector.broadcast %mul3A_26 : i32 to vector<256x1xi32>
    %add3A_180 = arith.addi %broadcast_in_dim3A_178, %add3A_179 : vector<256x1xi32>
    %swap3A_181 = arith.constant 0 : index
    %swap3A_182 = arith.constant 7 : index
    %swap3A_183 = vector.load %arg4[%swap3A_181, %swap3A_182] : memref<256x32xi32, #tpu.memory_space<vmem>>, vector<256x1xi32>
    tpu.vector_store %arg4[%swap3A_181, %swap3A_182], %add3A_180 {strides = array<i32>} : memref<256x32xi32, #tpu.memory_space<vmem>>, vector<256x1xi32>,
    %eq3A_184 = vector.broadcast %broadcast_in_dim3A_178 : vector<256x1xi32> to vector<256x4096xi32>
    %eq3A_185 = arith.cmpi eq, %iota3A, %eq3A_184 : vector<256x4096xi32>
    %jit3A_186 = arith.constant 0x7F800000 : f32
    %broadcast_in_dim3A_187 = vector.broadcast %jit3A_186 : f32 to vector<256x4096xf32>
    %select_n3A_188 = arith.select %eq3A_185, %broadcast_in_dim3A_187, %select_n3A_167 : vector<256x4096xi1>, vector<256x4096xf32>
    %reduce_min3A_189 = arith.constant dense<0x7F800000> : vector<256xf32>
    %reduce_min3A_190 = vector.multi_reduction <minimumf>, %select_n3A_188, %reduce_min3A_189 [1] : vector<256x4096xf32> to vector<256xf32>
    %broadcast_in_dim3A_191 = vector.shape_cast %reduce_min3A_190 : vector<256xf32> to vector<256x1xf32>
    %eq3A_192 = vector.broadcast %broadcast_in_dim3A_191 : vector<256x1xf32> to vector<256x4096xf32>
    %eq3A_193 = arith.cmpf oeq, %select_n3A_188, %eq3A_192 : vector<256x4096xf32>
    %jit3A_194 = arith.constant 4096 : i32
    %broadcast_in_dim3A_195 = vector.broadcast %jit3A_194 : i32 to vector<256x4096xi32>
    %select_n3A_196 = arith.select %eq3A_193, %iota3A, %broadcast_in_dim3A_195 : vector<256x4096xi1>, vector<256x4096xi32>
    %reduce_min3A_197 = arith.constant dense<2147483647> : vector<256xi32>
    %reduce_min3A_198 = vector.multi_reduction <minsi>, %select_n3A_196, %reduce_min3A_197 [1] : vector<256x4096xi32> to vector<256xi32>
    %broadcast_in_dim3A_199 = vector.shape_cast %reduce_min3A_198 : vector<256xi32> to vector<256x1xi32>
    %add3A_200 = vector.broadcast %mul3A_26 : i32 to vector<256x1xi32>
    %add3A_201 = arith.addi %broadcast_in_dim3A_199, %add3A_200 : vector<256x1xi32>
    %swap3A_202 = arith.constant 0 : index
    %swap3A_203 = arith.constant 8 : index
    %swap3A_204 = vector.load %arg4[%swap3A_202, %swap3A_203] : memref<256x32xi32, #tpu.memory_space<vmem>>, vector<256x1xi32>
    tpu.vector_store %arg4[%swap3A_202, %swap3A_203], %add3A_201 {strides = array<i32>} : memref<256x32xi32, #tpu.memory_space<vmem>>, vector<256x1xi32>,
    %eq3A_205 = vector.broadcast %broadcast_in_dim3A_199 : vector<256x1xi32> to vector<256x4096xi32>
    %eq3A_206 = arith.cmpi eq, %iota3A, %eq3A_205 : vector<256x4096xi32>
    %jit3A_207 = arith.constant 0x7F800000 : f32
    %broadcast_in_dim3A_208 = vector.broadcast %jit3A_207 : f32 to vector<256x4096xf32>
    %select_n3A_209 = arith.select %eq3A_206, %broadcast_in_dim3A_208, %select_n3A_188 : vector<256x4096xi1>, vector<256x4096xf32>
    %reduce_min3A_210 = arith.constant dense<0x7F800000> : vector<256xf32>
    %reduce_min3A_211 = vector.multi_reduction <minimumf>, %select_n3A_209, %reduce_min3A_210 [1] : vector<256x4096xf32> to vector<256xf32>
    %broadcast_in_dim3A_212 = vector.shape_cast %reduce_min3A_211 : vector<256xf32> to vector<256x1xf32>
    %eq3A_213 = vector.broadcast %broadcast_in_dim3A_212 : vector<256x1xf32> to vector<256x4096xf32>
    %eq3A_214 = arith.cmpf oeq, %select_n3A_209, %eq3A_213 : vector<256x4096xf32>
    %jit3A_215 = arith.constant 4096 : i32
    %broadcast_in_dim3A_216 = vector.broadcast %jit3A_215 : i32 to vector<256x4096xi32>
    %select_n3A_217 = arith.select %eq3A_214, %iota3A, %broadcast_in_dim3A_216 : vector<256x4096xi1>, vector<256x4096xi32>
    %reduce_min3A_218 = arith.constant dense<2147483647> : vector<256xi32>
    %reduce_min3A_219 = vector.multi_reduction <minsi>, %select_n3A_217, %reduce_min3A_218 [1] : vector<256x4096xi32> to vector<256xi32>
    %broadcast_in_dim3A_220 = vector.shape_cast %reduce_min3A_219 : vector<256xi32> to vector<256x1xi32>
    %add3A_221 = vector.broadcast %mul3A_26 : i32 to vector<256x1xi32>
    %add3A_222 = arith.addi %broadcast_in_dim3A_220, %add3A_221 : vector<256x1xi32>
    %swap3A_223 = arith.constant 0 : index
    %swap3A_224 = arith.constant 9 : index
    %swap3A_225 = vector.load %arg4[%swap3A_223, %swap3A_224] : memref<256x32xi32, #tpu.memory_space<vmem>>, vector<256x1xi32>
    tpu.vector_store %arg4[%swap3A_223, %swap3A_224], %add3A_222 {strides = array<i32>} : memref<256x32xi32, #tpu.memory_space<vmem>>, vector<256x1xi32>,
    %eq3A_226 = vector.broadcast %broadcast_in_dim3A_220 : vector<256x1xi32> to vector<256x4096xi32>
    %eq3A_227 = arith.cmpi eq, %iota3A, %eq3A_226 : vector<256x4096xi32>
    %jit3A_228 = arith.constant 0x7F800000 : f32
    %broadcast_in_dim3A_229 = vector.broadcast %jit3A_228 : f32 to vector<256x4096xf32>
    %select_n3A_230 = arith.select %eq3A_227, %broadcast_in_dim3A_229, %select_n3A_209 : vector<256x4096xi1>, vector<256x4096xf32>
    %reduce_min3A_231 = arith.constant dense<0x7F800000> : vector<256xf32>
    %reduce_min3A_232 = vector.multi_reduction <minimumf>, %select_n3A_230, %reduce_min3A_231 [1] : vector<256x4096xf32> to vector<256xf32>
    %broadcast_in_dim3A_233 = vector.shape_cast %reduce_min3A_232 : vector<256xf32> to vector<256x1xf32>
    %eq3A_234 = vector.broadcast %broadcast_in_dim3A_233 : vector<256x1xf32> to vector<256x4096xf32>
    %eq3A_235 = arith.cmpf oeq, %select_n3A_230, %eq3A_234 : vector<256x4096xf32>
    %jit3A_236 = arith.constant 4096 : i32
    %broadcast_in_dim3A_237 = vector.broadcast %jit3A_236 : i32 to vector<256x4096xi32>
    %select_n3A_238 = arith.select %eq3A_235, %iota3A, %broadcast_in_dim3A_237 : vector<256x4096xi1>, vector<256x4096xi32>
    %reduce_min3A_239 = arith.constant dense<2147483647> : vector<256xi32>
    %reduce_min3A_240 = vector.multi_reduction <minsi>, %select_n3A_238, %reduce_min3A_239 [1] : vector<256x4096xi32> to vector<256xi32>
    %broadcast_in_dim3A_241 = vector.shape_cast %reduce_min3A_240 : vector<256xi32> to vector<256x1xi32>
    %add3A_242 = vector.broadcast %mul3A_26 : i32 to vector<256x1xi32>
    %add3A_243 = arith.addi %broadcast_in_dim3A_241, %add3A_242 : vector<256x1xi32>
    %swap3A_244 = arith.constant 0 : index
    %swap3A_245 = arith.constant 10 : index
    %swap3A_246 = vector.load %arg4[%swap3A_244, %swap3A_245] : memref<256x32xi32, #tpu.memory_space<vmem>>, vector<256x1xi32>
    tpu.vector_store %arg4[%swap3A_244, %swap3A_245], %add3A_243 {strides = array<i32>} : memref<256x32xi32, #tpu.memory_space<vmem>>, vector<256x1xi32>,
    %eq3A_247 = vector.broadcast %broadcast_in_dim3A_241 : vector<256x1xi32> to vector<256x4096xi32>
    %eq3A_248 = arith.cmpi eq, %iota3A, %eq3A_247 : vector<256x4096xi32>
    %jit3A_249 = arith.constant 0x7F800000 : f32
    %broadcast_in_dim3A_250 = vector.broadcast %jit3A_249 : f32 to vector<256x4096xf32>
    %select_n3A_251 = arith.select %eq3A_248, %broadcast_in_dim3A_250, %select_n3A_230 : vector<256x4096xi1>, vector<256x4096xf32>
    %reduce_min3A_252 = arith.constant dense<0x7F800000> : vector<256xf32>
    %reduce_min3A_253 = vector.multi_reduction <minimumf>, %select_n3A_251, %reduce_min3A_252 [1] : vector<256x4096xf32> to vector<256xf32>
    %broadcast_in_dim3A_254 = vector.shape_cast %reduce_min3A_253 : vector<256xf32> to vector<256x1xf32>
    %eq3A_255 = vector.broadcast %broadcast_in_dim3A_254 : vector<256x1xf32> to vector<256x4096xf32>
    %eq3A_256 = arith.cmpf oeq, %select_n3A_251, %eq3A_255 : vector<256x4096xf32>
    %jit3A_257 = arith.constant 4096 : i32
    %broadcast_in_dim3A_258 = vector.broadcast %jit3A_257 : i32 to vector<256x4096xi32>
    %select_n3A_259 = arith.select %eq3A_256, %iota3A, %broadcast_in_dim3A_258 : vector<256x4096xi1>, vector<256x4096xi32>
    %reduce_min3A_260 = arith.constant dense<2147483647> : vector<256xi32>
    %reduce_min3A_261 = vector.multi_reduction <minsi>, %select_n3A_259, %reduce_min3A_260 [1] : vector<256x4096xi32> to vector<256xi32>
    %broadcast_in_dim3A_262 = vector.shape_cast %reduce_min3A_261 : vector<256xi32> to vector<256x1xi32>
    %add3A_263 = vector.broadcast %mul3A_26 : i32 to vector<256x1xi32>
    %add3A_264 = arith.addi %broadcast_in_dim3A_262, %add3A_263 : vector<256x1xi32>
    %swap3A_265 = arith.constant 0 : index
    %swap3A_266 = arith.constant 11 : index
    %swap3A_267 = vector.load %arg4[%swap3A_265, %swap3A_266] : memref<256x32xi32, #tpu.memory_space<vmem>>, vector<256x1xi32>
    tpu.vector_store %arg4[%swap3A_265, %swap3A_266], %add3A_264 {strides = array<i32>} : memref<256x32xi32, #tpu.memory_space<vmem>>, vector<256x1xi32>,
    %eq3A_268 = vector.broadcast %broadcast_in_dim3A_262 : vector<256x1xi32> to vector<256x4096xi32>
    %eq3A_269 = arith.cmpi eq, %iota3A, %eq3A_268 : vector<256x4096xi32>
    %jit3A_270 = arith.constant 0x7F800000 : f32
    %broadcast_in_dim3A_271 = vector.broadcast %jit3A_270 : f32 to vector<256x4096xf32>
    %select_n3A_272 = arith.select %eq3A_269, %broadcast_in_dim3A_271, %select_n3A_251 : vector<256x4096xi1>, vector<256x4096xf32>
    %reduce_min3A_273 = arith.constant dense<0x7F800000> : vector<256xf32>
    %reduce_min3A_274 = vector.multi_reduction <minimumf>, %select_n3A_272, %reduce_min3A_273 [1] : vector<256x4096xf32> to vector<256xf32>
    %broadcast_in_dim3A_275 = vector.shape_cast %reduce_min3A_274 : vector<256xf32> to vector<256x1xf32>
    %eq3A_276 = vector.broadcast %broadcast_in_dim3A_275 : vector<256x1xf32> to vector<256x4096xf32>
    %eq3A_277 = arith.cmpf oeq, %select_n3A_272, %eq3A_276 : vector<256x4096xf32>
    %jit3A_278 = arith.constant 4096 : i32
    %broadcast_in_dim3A_279 = vector.broadcast %jit3A_278 : i32 to vector<256x4096xi32>
    %select_n3A_280 = arith.select %eq3A_277, %iota3A, %broadcast_in_dim3A_279 : vector<256x4096xi1>, vector<256x4096xi32>
    %reduce_min3A_281 = arith.constant dense<2147483647> : vector<256xi32>
    %reduce_min3A_282 = vector.multi_reduction <minsi>, %select_n3A_280, %reduce_min3A_281 [1] : vector<256x4096xi32> to vector<256xi32>
    %broadcast_in_dim3A_283 = vector.shape_cast %reduce_min3A_282 : vector<256xi32> to vector<256x1xi32>
    %add3A_284 = vector.broadcast %mul3A_26 : i32 to vector<256x1xi32>
    %add3A_285 = arith.addi %broadcast_in_dim3A_283, %add3A_284 : vector<256x1xi32>
    %swap3A_286 = arith.constant 0 : index
    %swap3A_287 = arith.constant 12 : index
    %swap3A_288 = vector.load %arg4[%swap3A_286, %swap3A_287] : memref<256x32xi32, #tpu.memory_space<vmem>>, vector<256x1xi32>
    tpu.vector_store %arg4[%swap3A_286, %swap3A_287], %add3A_285 {strides = array<i32>} : memref<256x32xi32, #tpu.memory_space<vmem>>, vector<256x1xi32>,
    %eq3A_289 = vector.broadcast %broadcast_in_dim3A_283 : vector<256x1xi32> to vector<256x4096xi32>
    %eq3A_290 = arith.cmpi eq, %iota3A, %eq3A_289 : vector<256x4096xi32>
    %jit3A_291 = arith.constant 0x7F800000 : f32
    %broadcast_in_dim3A_292 = vector.broadcast %jit3A_291 : f32 to vector<256x4096xf32>
    %select_n3A_293 = arith.select %eq3A_290, %broadcast_in_dim3A_292, %select_n3A_272 : vector<256x4096xi1>, vector<256x4096xf32>
    %reduce_min3A_294 = arith.constant dense<0x7F800000> : vector<256xf32>
    %reduce_min3A_295 = vector.multi_reduction <minimumf>, %select_n3A_293, %reduce_min3A_294 [1] : vector<256x4096xf32> to vector<256xf32>
    %broadcast_in_dim3A_296 = vector.shape_cast %reduce_min3A_295 : vector<256xf32> to vector<256x1xf32>
    %eq3A_297 = vector.broadcast %broadcast_in_dim3A_296 : vector<256x1xf32> to vector<256x4096xf32>
    %eq3A_298 = arith.cmpf oeq, %select_n3A_293, %eq3A_297 : vector<256x4096xf32>
    %jit3A_299 = arith.constant 4096 : i32
    %broadcast_in_dim3A_300 = vector.broadcast %jit3A_299 : i32 to vector<256x4096xi32>
    %select_n3A_301 = arith.select %eq3A_298, %iota3A, %broadcast_in_dim3A_300 : vector<256x4096xi1>, vector<256x4096xi32>
    %reduce_min3A_302 = arith.constant dense<2147483647> : vector<256xi32>
    %reduce_min3A_303 = vector.multi_reduction <minsi>, %select_n3A_301, %reduce_min3A_302 [1] : vector<256x4096xi32> to vector<256xi32>
    %broadcast_in_dim3A_304 = vector.shape_cast %reduce_min3A_303 : vector<256xi32> to vector<256x1xi32>
    %add3A_305 = vector.broadcast %mul3A_26 : i32 to vector<256x1xi32>
    %add3A_306 = arith.addi %broadcast_in_dim3A_304, %add3A_305 : vector<256x1xi32>
    %swap3A_307 = arith.constant 0 : index
    %swap3A_308 = arith.constant 13 : index
    %swap3A_309 = vector.load %arg4[%swap3A_307, %swap3A_308] : memref<256x32xi32, #tpu.memory_space<vmem>>, vector<256x1xi32>
    tpu.vector_store %arg4[%swap3A_307, %swap3A_308], %add3A_306 {strides = array<i32>} : memref<256x32xi32, #tpu.memory_space<vmem>>, vector<256x1xi32>,
    %eq3A_310 = vector.broadcast %broadcast_in_dim3A_304 : vector<256x1xi32> to vector<256x4096xi32>
    %eq3A_311 = arith.cmpi eq, %iota3A, %eq3A_310 : vector<256x4096xi32>
    %jit3A_312 = arith.constant 0x7F800000 : f32
    %broadcast_in_dim3A_313 = vector.broadcast %jit3A_312 : f32 to vector<256x4096xf32>
    %select_n3A_314 = arith.select %eq3A_311, %broadcast_in_dim3A_313, %select_n3A_293 : vector<256x4096xi1>, vector<256x4096xf32>
    %reduce_min3A_315 = arith.constant dense<0x7F800000> : vector<256xf32>
    %reduce_min3A_316 = vector.multi_reduction <minimumf>, %select_n3A_314, %reduce_min3A_315 [1] : vector<256x4096xf32> to vector<256xf32>
    %broadcast_in_dim3A_317 = vector.shape_cast %reduce_min3A_316 : vector<256xf32> to vector<256x1xf32>
    %eq3A_318 = vector.broadcast %broadcast_in_dim3A_317 : vector<256x1xf32> to vector<256x4096xf32>
    %eq3A_319 = arith.cmpf oeq, %select_n3A_314, %eq3A_318 : vector<256x4096xf32>
    %jit3A_320 = arith.constant 4096 : i32
    %broadcast_in_dim3A_321 = vector.broadcast %jit3A_320 : i32 to vector<256x4096xi32>
    %select_n3A_322 = arith.select %eq3A_319, %iota3A, %broadcast_in_dim3A_321 : vector<256x4096xi1>, vector<256x4096xi32>
    %reduce_min3A_323 = arith.constant dense<2147483647> : vector<256xi32>
    %reduce_min3A_324 = vector.multi_reduction <minsi>, %select_n3A_322, %reduce_min3A_323 [1] : vector<256x4096xi32> to vector<256xi32>
    %broadcast_in_dim3A_325 = vector.shape_cast %reduce_min3A_324 : vector<256xi32> to vector<256x1xi32>
    %add3A_326 = vector.broadcast %mul3A_26 : i32 to vector<256x1xi32>
    %add3A_327 = arith.addi %broadcast_in_dim3A_325, %add3A_326 : vector<256x1xi32>
    %swap3A_328 = arith.constant 0 : index
    %swap3A_329 = arith.constant 14 : index
    %swap3A_330 = vector.load %arg4[%swap3A_328, %swap3A_329] : memref<256x32xi32, #tpu.memory_space<vmem>>, vector<256x1xi32>
    tpu.vector_store %arg4[%swap3A_328, %swap3A_329], %add3A_327 {strides = array<i32>} : memref<256x32xi32, #tpu.memory_space<vmem>>, vector<256x1xi32>,
    %eq3A_331 = vector.broadcast %broadcast_in_dim3A_325 : vector<256x1xi32> to vector<256x4096xi32>
    %eq3A_332 = arith.cmpi eq, %iota3A, %eq3A_331 : vector<256x4096xi32>
    %jit3A_333 = arith.constant 0x7F800000 : f32
    %broadcast_in_dim3A_334 = vector.broadcast %jit3A_333 : f32 to vector<256x4096xf32>
    %select_n3A_335 = arith.select %eq3A_332, %broadcast_in_dim3A_334, %select_n3A_314 : vector<256x4096xi1>, vector<256x4096xf32>
    %reduce_min3A_336 = arith.constant dense<0x7F800000> : vector<256xf32>
    %reduce_min3A_337 = vector.multi_reduction <minimumf>, %select_n3A_335, %reduce_min3A_336 [1] : vector<256x4096xf32> to vector<256xf32>
    %broadcast_in_dim3A_338 = vector.shape_cast %reduce_min3A_337 : vector<256xf32> to vector<256x1xf32>
    %eq3A_339 = vector.broadcast %broadcast_in_dim3A_338 : vector<256x1xf32> to vector<256x4096xf32>
    %eq3A_340 = arith.cmpf oeq, %select_n3A_335, %eq3A_339 : vector<256x4096xf32>
    %jit3A_341 = arith.constant 4096 : i32
    %broadcast_in_dim3A_342 = vector.broadcast %jit3A_341 : i32 to vector<256x4096xi32>
    %select_n3A_343 = arith.select %eq3A_340, %iota3A, %broadcast_in_dim3A_342 : vector<256x4096xi1>, vector<256x4096xi32>
    %reduce_min3A_344 = arith.constant dense<2147483647> : vector<256xi32>
    %reduce_min3A_345 = vector.multi_reduction <minsi>, %select_n3A_343, %reduce_min3A_344 [1] : vector<256x4096xi32> to vector<256xi32>
    %broadcast_in_dim3A_346 = vector.shape_cast %reduce_min3A_345 : vector<256xi32> to vector<256x1xi32>
    %add3A_347 = vector.broadcast %mul3A_26 : i32 to vector<256x1xi32>
    %add3A_348 = arith.addi %broadcast_in_dim3A_346, %add3A_347 : vector<256x1xi32>
    %swap3A_349 = arith.constant 0 : index
    %swap3A_350 = arith.constant 15 : index
    %swap3A_351 = vector.load %arg4[%swap3A_349, %swap3A_350] : memref<256x32xi32, #tpu.memory_space<vmem>>, vector<256x1xi32>
    tpu.vector_store %arg4[%swap3A_349, %swap3A_350], %add3A_348 {strides = array<i32>} : memref<256x32xi32, #tpu.memory_space<vmem>>, vector<256x1xi32>,
    %eq3A_352 = vector.broadcast %broadcast_in_dim3A_346 : vector<256x1xi32> to vector<256x4096xi32>
    %eq3A_353 = arith.cmpi eq, %iota3A, %eq3A_352 : vector<256x4096xi32>
    %jit3A_354 = arith.constant 0x7F800000 : f32
    %broadcast_in_dim3A_355 = vector.broadcast %jit3A_354 : f32 to vector<256x4096xf32>
    %select_n3A_356 = arith.select %eq3A_353, %broadcast_in_dim3A_355, %select_n3A_335 : vector<256x4096xi1>, vector<256x4096xf32>
    %reduce_min3A_357 = arith.constant dense<0x7F800000> : vector<256xf32>
    %reduce_min3A_358 = vector.multi_reduction <minimumf>, %select_n3A_356, %reduce_min3A_357 [1] : vector<256x4096xf32> to vector<256xf32>
    %broadcast_in_dim3A_359 = vector.shape_cast %reduce_min3A_358 : vector<256xf32> to vector<256x1xf32>
    %eq3A_360 = vector.broadcast %broadcast_in_dim3A_359 : vector<256x1xf32> to vector<256x4096xf32>
    %eq3A_361 = arith.cmpf oeq, %select_n3A_356, %eq3A_360 : vector<256x4096xf32>
    %jit3A_362 = arith.constant 4096 : i32
    %broadcast_in_dim3A_363 = vector.broadcast %jit3A_362 : i32 to vector<256x4096xi32>
    %select_n3A_364 = arith.select %eq3A_361, %iota3A, %broadcast_in_dim3A_363 : vector<256x4096xi1>, vector<256x4096xi32>
    %reduce_min3A_365 = arith.constant dense<2147483647> : vector<256xi32>
    %reduce_min3A_366 = vector.multi_reduction <minsi>, %select_n3A_364, %reduce_min3A_365 [1] : vector<256x4096xi32> to vector<256xi32>
    %broadcast_in_dim3A_367 = vector.shape_cast %reduce_min3A_366 : vector<256xi32> to vector<256x1xi32>
    %add3A_368 = vector.broadcast %mul3A_26 : i32 to vector<256x1xi32>
    %add3A_369 = arith.addi %broadcast_in_dim3A_367, %add3A_368 : vector<256x1xi32>
    %swap3A_370 = arith.constant 0 : index
    %swap3A_371 = arith.constant 16 : index
    %swap3A_372 = vector.load %arg4[%swap3A_370, %swap3A_371] : memref<256x32xi32, #tpu.memory_space<vmem>>, vector<256x1xi32>
    tpu.vector_store %arg4[%swap3A_370, %swap3A_371], %add3A_369 {strides = array<i32>} : memref<256x32xi32, #tpu.memory_space<vmem>>, vector<256x1xi32>,
    %eq3A_373 = vector.broadcast %broadcast_in_dim3A_367 : vector<256x1xi32> to vector<256x4096xi32>
    %eq3A_374 = arith.cmpi eq, %iota3A, %eq3A_373 : vector<256x4096xi32>
    %jit3A_375 = arith.constant 0x7F800000 : f32
    %broadcast_in_dim3A_376 = vector.broadcast %jit3A_375 : f32 to vector<256x4096xf32>
    %select_n3A_377 = arith.select %eq3A_374, %broadcast_in_dim3A_376, %select_n3A_356 : vector<256x4096xi1>, vector<256x4096xf32>
    %reduce_min3A_378 = arith.constant dense<0x7F800000> : vector<256xf32>
    %reduce_min3A_379 = vector.multi_reduction <minimumf>, %select_n3A_377, %reduce_min3A_378 [1] : vector<256x4096xf32> to vector<256xf32>
    %broadcast_in_dim3A_380 = vector.shape_cast %reduce_min3A_379 : vector<256xf32> to vector<256x1xf32>
    %eq3A_381 = vector.broadcast %broadcast_in_dim3A_380 : vector<256x1xf32> to vector<256x4096xf32>
    %eq3A_382 = arith.cmpf oeq, %select_n3A_377, %eq3A_381 : vector<256x4096xf32>
    %jit3A_383 = arith.constant 4096 : i32
    %broadcast_in_dim3A_384 = vector.broadcast %jit3A_383 : i32 to vector<256x4096xi32>
    %select_n3A_385 = arith.select %eq3A_382, %iota3A, %broadcast_in_dim3A_384 : vector<256x4096xi1>, vector<256x4096xi32>
    %reduce_min3A_386 = arith.constant dense<2147483647> : vector<256xi32>
    %reduce_min3A_387 = vector.multi_reduction <minsi>, %select_n3A_385, %reduce_min3A_386 [1] : vector<256x4096xi32> to vector<256xi32>
    %broadcast_in_dim3A_388 = vector.shape_cast %reduce_min3A_387 : vector<256xi32> to vector<256x1xi32>
    %add3A_389 = vector.broadcast %mul3A_26 : i32 to vector<256x1xi32>
    %add3A_390 = arith.addi %broadcast_in_dim3A_388, %add3A_389 : vector<256x1xi32>
    %swap3A_391 = arith.constant 0 : index
    %swap3A_392 = arith.constant 17 : index
    %swap3A_393 = vector.load %arg4[%swap3A_391, %swap3A_392] : memref<256x32xi32, #tpu.memory_space<vmem>>, vector<256x1xi32>
    tpu.vector_store %arg4[%swap3A_391, %swap3A_392], %add3A_390 {strides = array<i32>} : memref<256x32xi32, #tpu.memory_space<vmem>>, vector<256x1xi32>,
    %eq3A_394 = vector.broadcast %broadcast_in_dim3A_388 : vector<256x1xi32> to vector<256x4096xi32>
    %eq3A_395 = arith.cmpi eq, %iota3A, %eq3A_394 : vector<256x4096xi32>
    %jit3A_396 = arith.constant 0x7F800000 : f32
    %broadcast_in_dim3A_397 = vector.broadcast %jit3A_396 : f32 to vector<256x4096xf32>
    %select_n3A_398 = arith.select %eq3A_395, %broadcast_in_dim3A_397, %select_n3A_377 : vector<256x4096xi1>, vector<256x4096xf32>
    %reduce_min3A_399 = arith.constant dense<0x7F800000> : vector<256xf32>
    %reduce_min3A_400 = vector.multi_reduction <minimumf>, %select_n3A_398, %reduce_min3A_399 [1] : vector<256x4096xf32> to vector<256xf32>
    %broadcast_in_dim3A_401 = vector.shape_cast %reduce_min3A_400 : vector<256xf32> to vector<256x1xf32>
    %eq3A_402 = vector.broadcast %broadcast_in_dim3A_401 : vector<256x1xf32> to vector<256x4096xf32>
    %eq3A_403 = arith.cmpf oeq, %select_n3A_398, %eq3A_402 : vector<256x4096xf32>
    %jit3A_404 = arith.constant 4096 : i32
    %broadcast_in_dim3A_405 = vector.broadcast %jit3A_404 : i32 to vector<256x4096xi32>
    %select_n3A_406 = arith.select %eq3A_403, %iota3A, %broadcast_in_dim3A_405 : vector<256x4096xi1>, vector<256x4096xi32>
    %reduce_min3A_407 = arith.constant dense<2147483647> : vector<256xi32>
    %reduce_min3A_408 = vector.multi_reduction <minsi>, %select_n3A_406, %reduce_min3A_407 [1] : vector<256x4096xi32> to vector<256xi32>
    %broadcast_in_dim3A_409 = vector.shape_cast %reduce_min3A_408 : vector<256xi32> to vector<256x1xi32>
    %add3A_410 = vector.broadcast %mul3A_26 : i32 to vector<256x1xi32>
    %add3A_411 = arith.addi %broadcast_in_dim3A_409, %add3A_410 : vector<256x1xi32>
    %swap3A_412 = arith.constant 0 : index
    %swap3A_413 = arith.constant 18 : index
    %swap3A_414 = vector.load %arg4[%swap3A_412, %swap3A_413] : memref<256x32xi32, #tpu.memory_space<vmem>>, vector<256x1xi32>
    tpu.vector_store %arg4[%swap3A_412, %swap3A_413], %add3A_411 {strides = array<i32>} : memref<256x32xi32, #tpu.memory_space<vmem>>, vector<256x1xi32>,
    %eq3A_415 = vector.broadcast %broadcast_in_dim3A_409 : vector<256x1xi32> to vector<256x4096xi32>
    %eq3A_416 = arith.cmpi eq, %iota3A, %eq3A_415 : vector<256x4096xi32>
    %jit3A_417 = arith.constant 0x7F800000 : f32
    %broadcast_in_dim3A_418 = vector.broadcast %jit3A_417 : f32 to vector<256x4096xf32>
    %select_n3A_419 = arith.select %eq3A_416, %broadcast_in_dim3A_418, %select_n3A_398 : vector<256x4096xi1>, vector<256x4096xf32>
    %reduce_min3A_420 = arith.constant dense<0x7F800000> : vector<256xf32>
    %reduce_min3A_421 = vector.multi_reduction <minimumf>, %select_n3A_419, %reduce_min3A_420 [1] : vector<256x4096xf32> to vector<256xf32>
    %broadcast_in_dim3A_422 = vector.shape_cast %reduce_min3A_421 : vector<256xf32> to vector<256x1xf32>
    %eq3A_423 = vector.broadcast %broadcast_in_dim3A_422 : vector<256x1xf32> to vector<256x4096xf32>
    %eq3A_424 = arith.cmpf oeq, %select_n3A_419, %eq3A_423 : vector<256x4096xf32>
    %jit3A_425 = arith.constant 4096 : i32
    %broadcast_in_dim3A_426 = vector.broadcast %jit3A_425 : i32 to vector<256x4096xi32>
    %select_n3A_427 = arith.select %eq3A_424, %iota3A, %broadcast_in_dim3A_426 : vector<256x4096xi1>, vector<256x4096xi32>
    %reduce_min3A_428 = arith.constant dense<2147483647> : vector<256xi32>
    %reduce_min3A_429 = vector.multi_reduction <minsi>, %select_n3A_427, %reduce_min3A_428 [1] : vector<256x4096xi32> to vector<256xi32>
    %broadcast_in_dim3A_430 = vector.shape_cast %reduce_min3A_429 : vector<256xi32> to vector<256x1xi32>
    %add3A_431 = vector.broadcast %mul3A_26 : i32 to vector<256x1xi32>
    %add3A_432 = arith.addi %broadcast_in_dim3A_430, %add3A_431 : vector<256x1xi32>
    %swap3A_433 = arith.constant 0 : index
    %swap3A_434 = arith.constant 19 : index
    %swap3A_435 = vector.load %arg4[%swap3A_433, %swap3A_434] : memref<256x32xi32, #tpu.memory_space<vmem>>, vector<256x1xi32>
    tpu.vector_store %arg4[%swap3A_433, %swap3A_434], %add3A_432 {strides = array<i32>} : memref<256x32xi32, #tpu.memory_space<vmem>>, vector<256x1xi32>,
    %eq3A_436 = vector.broadcast %broadcast_in_dim3A_430 : vector<256x1xi32> to vector<256x4096xi32>
    %eq3A_437 = arith.cmpi eq, %iota3A, %eq3A_436 : vector<256x4096xi32>
    %jit3A_438 = arith.constant 0x7F800000 : f32
    %broadcast_in_dim3A_439 = vector.broadcast %jit3A_438 : f32 to vector<256x4096xf32>
    %select_n3A_440 = arith.select %eq3A_437, %broadcast_in_dim3A_439, %select_n3A_419 : vector<256x4096xi1>, vector<256x4096xf32>
    %reduce_min3A_441 = arith.constant dense<0x7F800000> : vector<256xf32>
    %reduce_min3A_442 = vector.multi_reduction <minimumf>, %select_n3A_440, %reduce_min3A_441 [1] : vector<256x4096xf32> to vector<256xf32>
    %broadcast_in_dim3A_443 = vector.shape_cast %reduce_min3A_442 : vector<256xf32> to vector<256x1xf32>
    %eq3A_444 = vector.broadcast %broadcast_in_dim3A_443 : vector<256x1xf32> to vector<256x4096xf32>
    %eq3A_445 = arith.cmpf oeq, %select_n3A_440, %eq3A_444 : vector<256x4096xf32>
    %jit3A_446 = arith.constant 4096 : i32
    %broadcast_in_dim3A_447 = vector.broadcast %jit3A_446 : i32 to vector<256x4096xi32>
    %select_n3A_448 = arith.select %eq3A_445, %iota3A, %broadcast_in_dim3A_447 : vector<256x4096xi1>, vector<256x4096xi32>
    %reduce_min3A_449 = arith.constant dense<2147483647> : vector<256xi32>
    %reduce_min3A_450 = vector.multi_reduction <minsi>, %select_n3A_448, %reduce_min3A_449 [1] : vector<256x4096xi32> to vector<256xi32>
    %broadcast_in_dim3A_451 = vector.shape_cast %reduce_min3A_450 : vector<256xi32> to vector<256x1xi32>
    %add3A_452 = vector.broadcast %mul3A_26 : i32 to vector<256x1xi32>
    %add3A_453 = arith.addi %broadcast_in_dim3A_451, %add3A_452 : vector<256x1xi32>
    %swap3A_454 = arith.constant 0 : index
    %swap3A_455 = arith.constant 20 : index
    %swap3A_456 = vector.load %arg4[%swap3A_454, %swap3A_455] : memref<256x32xi32, #tpu.memory_space<vmem>>, vector<256x1xi32>
    tpu.vector_store %arg4[%swap3A_454, %swap3A_455], %add3A_453 {strides = array<i32>} : memref<256x32xi32, #tpu.memory_space<vmem>>, vector<256x1xi32>,
    %eq3A_457 = vector.broadcast %broadcast_in_dim3A_451 : vector<256x1xi32> to vector<256x4096xi32>
    %eq3A_458 = arith.cmpi eq, %iota3A, %eq3A_457 : vector<256x4096xi32>
    %jit3A_459 = arith.constant 0x7F800000 : f32
    %broadcast_in_dim3A_460 = vector.broadcast %jit3A_459 : f32 to vector<256x4096xf32>
    %select_n3A_461 = arith.select %eq3A_458, %broadcast_in_dim3A_460, %select_n3A_440 : vector<256x4096xi1>, vector<256x4096xf32>
    %reduce_min3A_462 = arith.constant dense<0x7F800000> : vector<256xf32>
    %reduce_min3A_463 = vector.multi_reduction <minimumf>, %select_n3A_461, %reduce_min3A_462 [1] : vector<256x4096xf32> to vector<256xf32>
    %broadcast_in_dim3A_464 = vector.shape_cast %reduce_min3A_463 : vector<256xf32> to vector<256x1xf32>
    %eq3A_465 = vector.broadcast %broadcast_in_dim3A_464 : vector<256x1xf32> to vector<256x4096xf32>
    %eq3A_466 = arith.cmpf oeq, %select_n3A_461, %eq3A_465 : vector<256x4096xf32>
    %jit3A_467 = arith.constant 4096 : i32
    %broadcast_in_dim3A_468 = vector.broadcast %jit3A_467 : i32 to vector<256x4096xi32>
    %select_n3A_469 = arith.select %eq3A_466, %iota3A, %broadcast_in_dim3A_468 : vector<256x4096xi1>, vector<256x4096xi32>
    %reduce_min3A_470 = arith.constant dense<2147483647> : vector<256xi32>
    %reduce_min3A_471 = vector.multi_reduction <minsi>, %select_n3A_469, %reduce_min3A_470 [1] : vector<256x4096xi32> to vector<256xi32>
    %broadcast_in_dim3A_472 = vector.shape_cast %reduce_min3A_471 : vector<256xi32> to vector<256x1xi32>
    %add3A_473 = vector.broadcast %mul3A_26 : i32 to vector<256x1xi32>
    %add3A_474 = arith.addi %broadcast_in_dim3A_472, %add3A_473 : vector<256x1xi32>
    %swap3A_475 = arith.constant 0 : index
    %swap3A_476 = arith.constant 21 : index
    %swap3A_477 = vector.load %arg4[%swap3A_475, %swap3A_476] : memref<256x32xi32, #tpu.memory_space<vmem>>, vector<256x1xi32>
    tpu.vector_store %arg4[%swap3A_475, %swap3A_476], %add3A_474 {strides = array<i32>} : memref<256x32xi32, #tpu.memory_space<vmem>>, vector<256x1xi32>,
    %eq3A_478 = vector.broadcast %broadcast_in_dim3A_472 : vector<256x1xi32> to vector<256x4096xi32>
    %eq3A_479 = arith.cmpi eq, %iota3A, %eq3A_478 : vector<256x4096xi32>
    %jit3A_480 = arith.constant 0x7F800000 : f32
    %broadcast_in_dim3A_481 = vector.broadcast %jit3A_480 : f32 to vector<256x4096xf32>
    %select_n3A_482 = arith.select %eq3A_479, %broadcast_in_dim3A_481, %select_n3A_461 : vector<256x4096xi1>, vector<256x4096xf32>
    %reduce_min3A_483 = arith.constant dense<0x7F800000> : vector<256xf32>
    %reduce_min3A_484 = vector.multi_reduction <minimumf>, %select_n3A_482, %reduce_min3A_483 [1] : vector<256x4096xf32> to vector<256xf32>
    %broadcast_in_dim3A_485 = vector.shape_cast %reduce_min3A_484 : vector<256xf32> to vector<256x1xf32>
    %eq3A_486 = vector.broadcast %broadcast_in_dim3A_485 : vector<256x1xf32> to vector<256x4096xf32>
    %eq3A_487 = arith.cmpf oeq, %select_n3A_482, %eq3A_486 : vector<256x4096xf32>
    %jit3A_488 = arith.constant 4096 : i32
    %broadcast_in_dim3A_489 = vector.broadcast %jit3A_488 : i32 to vector<256x4096xi32>
    %select_n3A_490 = arith.select %eq3A_487, %iota3A, %broadcast_in_dim3A_489 : vector<256x4096xi1>, vector<256x4096xi32>
    %reduce_min3A_491 = arith.constant dense<2147483647> : vector<256xi32>
    %reduce_min3A_492 = vector.multi_reduction <minsi>, %select_n3A_490, %reduce_min3A_491 [1] : vector<256x4096xi32> to vector<256xi32>
    %broadcast_in_dim3A_493 = vector.shape_cast %reduce_min3A_492 : vector<256xi32> to vector<256x1xi32>
    %add3A_494 = vector.broadcast %mul3A_26 : i32 to vector<256x1xi32>
    %add3A_495 = arith.addi %broadcast_in_dim3A_493, %add3A_494 : vector<256x1xi32>
    %swap3A_496 = arith.constant 0 : index
    %swap3A_497 = arith.constant 22 : index
    %swap3A_498 = vector.load %arg4[%swap3A_496, %swap3A_497] : memref<256x32xi32, #tpu.memory_space<vmem>>, vector<256x1xi32>
    tpu.vector_store %arg4[%swap3A_496, %swap3A_497], %add3A_495 {strides = array<i32>} : memref<256x32xi32, #tpu.memory_space<vmem>>, vector<256x1xi32>,
    %eq3A_499 = vector.broadcast %broadcast_in_dim3A_493 : vector<256x1xi32> to vector<256x4096xi32>
    %eq3A_500 = arith.cmpi eq, %iota3A, %eq3A_499 : vector<256x4096xi32>
    %jit3A_501 = arith.constant 0x7F800000 : f32
    %broadcast_in_dim3A_502 = vector.broadcast %jit3A_501 : f32 to vector<256x4096xf32>
    %select_n3A_503 = arith.select %eq3A_500, %broadcast_in_dim3A_502, %select_n3A_482 : vector<256x4096xi1>, vector<256x4096xf32>
    %reduce_min3A_504 = arith.constant dense<0x7F800000> : vector<256xf32>
    %reduce_min3A_505 = vector.multi_reduction <minimumf>, %select_n3A_503, %reduce_min3A_504 [1] : vector<256x4096xf32> to vector<256xf32>
    %broadcast_in_dim3A_506 = vector.shape_cast %reduce_min3A_505 : vector<256xf32> to vector<256x1xf32>
    %eq3A_507 = vector.broadcast %broadcast_in_dim3A_506 : vector<256x1xf32> to vector<256x4096xf32>
    %eq3A_508 = arith.cmpf oeq, %select_n3A_503, %eq3A_507 : vector<256x4096xf32>
    %jit3A_509 = arith.constant 4096 : i32
    %broadcast_in_dim3A_510 = vector.broadcast %jit3A_509 : i32 to vector<256x4096xi32>
    %select_n3A_511 = arith.select %eq3A_508, %iota3A, %broadcast_in_dim3A_510 : vector<256x4096xi1>, vector<256x4096xi32>
    %reduce_min3A_512 = arith.constant dense<2147483647> : vector<256xi32>
    %reduce_min3A_513 = vector.multi_reduction <minsi>, %select_n3A_511, %reduce_min3A_512 [1] : vector<256x4096xi32> to vector<256xi32>
    %broadcast_in_dim3A_514 = vector.shape_cast %reduce_min3A_513 : vector<256xi32> to vector<256x1xi32>
    %add3A_515 = vector.broadcast %mul3A_26 : i32 to vector<256x1xi32>
    %add3A_516 = arith.addi %broadcast_in_dim3A_514, %add3A_515 : vector<256x1xi32>
    %swap3A_517 = arith.constant 0 : index
    %swap3A_518 = arith.constant 23 : index
    %swap3A_519 = vector.load %arg4[%swap3A_517, %swap3A_518] : memref<256x32xi32, #tpu.memory_space<vmem>>, vector<256x1xi32>
    tpu.vector_store %arg4[%swap3A_517, %swap3A_518], %add3A_516 {strides = array<i32>} : memref<256x32xi32, #tpu.memory_space<vmem>>, vector<256x1xi32>,
    %eq3A_520 = vector.broadcast %broadcast_in_dim3A_514 : vector<256x1xi32> to vector<256x4096xi32>
    %eq3A_521 = arith.cmpi eq, %iota3A, %eq3A_520 : vector<256x4096xi32>
    %jit3A_522 = arith.constant 0x7F800000 : f32
    %broadcast_in_dim3A_523 = vector.broadcast %jit3A_522 : f32 to vector<256x4096xf32>
    %select_n3A_524 = arith.select %eq3A_521, %broadcast_in_dim3A_523, %select_n3A_503 : vector<256x4096xi1>, vector<256x4096xf32>
    %reduce_min3A_525 = arith.constant dense<0x7F800000> : vector<256xf32>
    %reduce_min3A_526 = vector.multi_reduction <minimumf>, %select_n3A_524, %reduce_min3A_525 [1] : vector<256x4096xf32> to vector<256xf32>
    %broadcast_in_dim3A_527 = vector.shape_cast %reduce_min3A_526 : vector<256xf32> to vector<256x1xf32>
    %eq3A_528 = vector.broadcast %broadcast_in_dim3A_527 : vector<256x1xf32> to vector<256x4096xf32>
    %eq3A_529 = arith.cmpf oeq, %select_n3A_524, %eq3A_528 : vector<256x4096xf32>
    %jit3A_530 = arith.constant 4096 : i32
    %broadcast_in_dim3A_531 = vector.broadcast %jit3A_530 : i32 to vector<256x4096xi32>
    %select_n3A_532 = arith.select %eq3A_529, %iota3A, %broadcast_in_dim3A_531 : vector<256x4096xi1>, vector<256x4096xi32>
    %reduce_min3A_533 = arith.constant dense<2147483647> : vector<256xi32>
    %reduce_min3A_534 = vector.multi_reduction <minsi>, %select_n3A_532, %reduce_min3A_533 [1] : vector<256x4096xi32> to vector<256xi32>
    %broadcast_in_dim3A_535 = vector.shape_cast %reduce_min3A_534 : vector<256xi32> to vector<256x1xi32>
    %add3A_536 = vector.broadcast %mul3A_26 : i32 to vector<256x1xi32>
    %add3A_537 = arith.addi %broadcast_in_dim3A_535, %add3A_536 : vector<256x1xi32>
    %swap3A_538 = arith.constant 0 : index
    %swap3A_539 = arith.constant 24 : index
    %swap3A_540 = vector.load %arg4[%swap3A_538, %swap3A_539] : memref<256x32xi32, #tpu.memory_space<vmem>>, vector<256x1xi32>
    tpu.vector_store %arg4[%swap3A_538, %swap3A_539], %add3A_537 {strides = array<i32>} : memref<256x32xi32, #tpu.memory_space<vmem>>, vector<256x1xi32>,
    %eq3A_541 = vector.broadcast %broadcast_in_dim3A_535 : vector<256x1xi32> to vector<256x4096xi32>
    %eq3A_542 = arith.cmpi eq, %iota3A, %eq3A_541 : vector<256x4096xi32>
    %jit3A_543 = arith.constant 0x7F800000 : f32
    %broadcast_in_dim3A_544 = vector.broadcast %jit3A_543 : f32 to vector<256x4096xf32>
    %select_n3A_545 = arith.select %eq3A_542, %broadcast_in_dim3A_544, %select_n3A_524 : vector<256x4096xi1>, vector<256x4096xf32>
    %reduce_min3A_546 = arith.constant dense<0x7F800000> : vector<256xf32>
    %reduce_min3A_547 = vector.multi_reduction <minimumf>, %select_n3A_545, %reduce_min3A_546 [1] : vector<256x4096xf32> to vector<256xf32>
    %broadcast_in_dim3A_548 = vector.shape_cast %reduce_min3A_547 : vector<256xf32> to vector<256x1xf32>
    %eq3A_549 = vector.broadcast %broadcast_in_dim3A_548 : vector<256x1xf32> to vector<256x4096xf32>
    %eq3A_550 = arith.cmpf oeq, %select_n3A_545, %eq3A_549 : vector<256x4096xf32>
    %jit3A_551 = arith.constant 4096 : i32
    %broadcast_in_dim3A_552 = vector.broadcast %jit3A_551 : i32 to vector<256x4096xi32>
    %select_n3A_553 = arith.select %eq3A_550, %iota3A, %broadcast_in_dim3A_552 : vector<256x4096xi1>, vector<256x4096xi32>
    %reduce_min3A_554 = arith.constant dense<2147483647> : vector<256xi32>
    %reduce_min3A_555 = vector.multi_reduction <minsi>, %select_n3A_553, %reduce_min3A_554 [1] : vector<256x4096xi32> to vector<256xi32>
    %broadcast_in_dim3A_556 = vector.shape_cast %reduce_min3A_555 : vector<256xi32> to vector<256x1xi32>
    %add3A_557 = vector.broadcast %mul3A_26 : i32 to vector<256x1xi32>
    %add3A_558 = arith.addi %broadcast_in_dim3A_556, %add3A_557 : vector<256x1xi32>
    %swap3A_559 = arith.constant 0 : index
    %swap3A_560 = arith.constant 25 : index
    %swap3A_561 = vector.load %arg4[%swap3A_559, %swap3A_560] : memref<256x32xi32, #tpu.memory_space<vmem>>, vector<256x1xi32>
    tpu.vector_store %arg4[%swap3A_559, %swap3A_560], %add3A_558 {strides = array<i32>} : memref<256x32xi32, #tpu.memory_space<vmem>>, vector<256x1xi32>,
    %eq3A_562 = vector.broadcast %broadcast_in_dim3A_556 : vector<256x1xi32> to vector<256x4096xi32>
    %eq3A_563 = arith.cmpi eq, %iota3A, %eq3A_562 : vector<256x4096xi32>
    %jit3A_564 = arith.constant 0x7F800000 : f32
    %broadcast_in_dim3A_565 = vector.broadcast %jit3A_564 : f32 to vector<256x4096xf32>
    %select_n3A_566 = arith.select %eq3A_563, %broadcast_in_dim3A_565, %select_n3A_545 : vector<256x4096xi1>, vector<256x4096xf32>
    %reduce_min3A_567 = arith.constant dense<0x7F800000> : vector<256xf32>
    %reduce_min3A_568 = vector.multi_reduction <minimumf>, %select_n3A_566, %reduce_min3A_567 [1] : vector<256x4096xf32> to vector<256xf32>
    %broadcast_in_dim3A_569 = vector.shape_cast %reduce_min3A_568 : vector<256xf32> to vector<256x1xf32>
    %eq3A_570 = vector.broadcast %broadcast_in_dim3A_569 : vector<256x1xf32> to vector<256x4096xf32>
    %eq3A_571 = arith.cmpf oeq, %select_n3A_566, %eq3A_570 : vector<256x4096xf32>
    %jit3A_572 = arith.constant 4096 : i32
    %broadcast_in_dim3A_573 = vector.broadcast %jit3A_572 : i32 to vector<256x4096xi32>
    %select_n3A_574 = arith.select %eq3A_571, %iota3A, %broadcast_in_dim3A_573 : vector<256x4096xi1>, vector<256x4096xi32>
    %reduce_min3A_575 = arith.constant dense<2147483647> : vector<256xi32>
    %reduce_min3A_576 = vector.multi_reduction <minsi>, %select_n3A_574, %reduce_min3A_575 [1] : vector<256x4096xi32> to vector<256xi32>
    %broadcast_in_dim3A_577 = vector.shape_cast %reduce_min3A_576 : vector<256xi32> to vector<256x1xi32>
    %add3A_578 = vector.broadcast %mul3A_26 : i32 to vector<256x1xi32>
    %add3A_579 = arith.addi %broadcast_in_dim3A_577, %add3A_578 : vector<256x1xi32>
    %swap3A_580 = arith.constant 0 : index
    %swap3A_581 = arith.constant 26 : index
    %swap3A_582 = vector.load %arg4[%swap3A_580, %swap3A_581] : memref<256x32xi32, #tpu.memory_space<vmem>>, vector<256x1xi32>
    tpu.vector_store %arg4[%swap3A_580, %swap3A_581], %add3A_579 {strides = array<i32>} : memref<256x32xi32, #tpu.memory_space<vmem>>, vector<256x1xi32>,
    %eq3A_583 = vector.broadcast %broadcast_in_dim3A_577 : vector<256x1xi32> to vector<256x4096xi32>
    %eq3A_584 = arith.cmpi eq, %iota3A, %eq3A_583 : vector<256x4096xi32>
    %jit3A_585 = arith.constant 0x7F800000 : f32
    %broadcast_in_dim3A_586 = vector.broadcast %jit3A_585 : f32 to vector<256x4096xf32>
    %select_n3A_587 = arith.select %eq3A_584, %broadcast_in_dim3A_586, %select_n3A_566 : vector<256x4096xi1>, vector<256x4096xf32>
    %reduce_min3A_588 = arith.constant dense<0x7F800000> : vector<256xf32>
    %reduce_min3A_589 = vector.multi_reduction <minimumf>, %select_n3A_587, %reduce_min3A_588 [1] : vector<256x4096xf32> to vector<256xf32>
    %broadcast_in_dim3A_590 = vector.shape_cast %reduce_min3A_589 : vector<256xf32> to vector<256x1xf32>
    %eq3A_591 = vector.broadcast %broadcast_in_dim3A_590 : vector<256x1xf32> to vector<256x4096xf32>
    %eq3A_592 = arith.cmpf oeq, %select_n3A_587, %eq3A_591 : vector<256x4096xf32>
    %jit3A_593 = arith.constant 4096 : i32
    %broadcast_in_dim3A_594 = vector.broadcast %jit3A_593 : i32 to vector<256x4096xi32>
    %select_n3A_595 = arith.select %eq3A_592, %iota3A, %broadcast_in_dim3A_594 : vector<256x4096xi1>, vector<256x4096xi32>
    %reduce_min3A_596 = arith.constant dense<2147483647> : vector<256xi32>
    %reduce_min3A_597 = vector.multi_reduction <minsi>, %select_n3A_595, %reduce_min3A_596 [1] : vector<256x4096xi32> to vector<256xi32>
    %broadcast_in_dim3A_598 = vector.shape_cast %reduce_min3A_597 : vector<256xi32> to vector<256x1xi32>
    %add3A_599 = vector.broadcast %mul3A_26 : i32 to vector<256x1xi32>
    %add3A_600 = arith.addi %broadcast_in_dim3A_598, %add3A_599 : vector<256x1xi32>
    %swap3A_601 = arith.constant 0 : index
    %swap3A_602 = arith.constant 27 : index
    %swap3A_603 = vector.load %arg4[%swap3A_601, %swap3A_602] : memref<256x32xi32, #tpu.memory_space<vmem>>, vector<256x1xi32>
    tpu.vector_store %arg4[%swap3A_601, %swap3A_602], %add3A_600 {strides = array<i32>} : memref<256x32xi32, #tpu.memory_space<vmem>>, vector<256x1xi32>,
    %eq3A_604 = vector.broadcast %broadcast_in_dim3A_598 : vector<256x1xi32> to vector<256x4096xi32>
    %eq3A_605 = arith.cmpi eq, %iota3A, %eq3A_604 : vector<256x4096xi32>
    %jit3A_606 = arith.constant 0x7F800000 : f32
    %broadcast_in_dim3A_607 = vector.broadcast %jit3A_606 : f32 to vector<256x4096xf32>
    %select_n3A_608 = arith.select %eq3A_605, %broadcast_in_dim3A_607, %select_n3A_587 : vector<256x4096xi1>, vector<256x4096xf32>
    %reduce_min3A_609 = arith.constant dense<0x7F800000> : vector<256xf32>
    %reduce_min3A_610 = vector.multi_reduction <minimumf>, %select_n3A_608, %reduce_min3A_609 [1] : vector<256x4096xf32> to vector<256xf32>
    %broadcast_in_dim3A_611 = vector.shape_cast %reduce_min3A_610 : vector<256xf32> to vector<256x1xf32>
    %eq3A_612 = vector.broadcast %broadcast_in_dim3A_611 : vector<256x1xf32> to vector<256x4096xf32>
    %eq3A_613 = arith.cmpf oeq, %select_n3A_608, %eq3A_612 : vector<256x4096xf32>
    %jit3A_614 = arith.constant 4096 : i32
    %broadcast_in_dim3A_615 = vector.broadcast %jit3A_614 : i32 to vector<256x4096xi32>
    %select_n3A_616 = arith.select %eq3A_613, %iota3A, %broadcast_in_dim3A_615 : vector<256x4096xi1>, vector<256x4096xi32>
    %reduce_min3A_617 = arith.constant dense<2147483647> : vector<256xi32>
    %reduce_min3A_618 = vector.multi_reduction <minsi>, %select_n3A_616, %reduce_min3A_617 [1] : vector<256x4096xi32> to vector<256xi32>
    %broadcast_in_dim3A_619 = vector.shape_cast %reduce_min3A_618 : vector<256xi32> to vector<256x1xi32>
    %add3A_620 = vector.broadcast %mul3A_26 : i32 to vector<256x1xi32>
    %add3A_621 = arith.addi %broadcast_in_dim3A_619, %add3A_620 : vector<256x1xi32>
    %swap3A_622 = arith.constant 0 : index
    %swap3A_623 = arith.constant 28 : index
    %swap3A_624 = vector.load %arg4[%swap3A_622, %swap3A_623] : memref<256x32xi32, #tpu.memory_space<vmem>>, vector<256x1xi32>
    tpu.vector_store %arg4[%swap3A_622, %swap3A_623], %add3A_621 {strides = array<i32>} : memref<256x32xi32, #tpu.memory_space<vmem>>, vector<256x1xi32>,
    %eq3A_625 = vector.broadcast %broadcast_in_dim3A_619 : vector<256x1xi32> to vector<256x4096xi32>
    %eq3A_626 = arith.cmpi eq, %iota3A, %eq3A_625 : vector<256x4096xi32>
    %jit3A_627 = arith.constant 0x7F800000 : f32
    %broadcast_in_dim3A_628 = vector.broadcast %jit3A_627 : f32 to vector<256x4096xf32>
    %select_n3A_629 = arith.select %eq3A_626, %broadcast_in_dim3A_628, %select_n3A_608 : vector<256x4096xi1>, vector<256x4096xf32>
    %reduce_min3A_630 = arith.constant dense<0x7F800000> : vector<256xf32>
    %reduce_min3A_631 = vector.multi_reduction <minimumf>, %select_n3A_629, %reduce_min3A_630 [1] : vector<256x4096xf32> to vector<256xf32>
    %broadcast_in_dim3A_632 = vector.shape_cast %reduce_min3A_631 : vector<256xf32> to vector<256x1xf32>
    %eq3A_633 = vector.broadcast %broadcast_in_dim3A_632 : vector<256x1xf32> to vector<256x4096xf32>
    %eq3A_634 = arith.cmpf oeq, %select_n3A_629, %eq3A_633 : vector<256x4096xf32>
    %jit3A_635 = arith.constant 4096 : i32
    %broadcast_in_dim3A_636 = vector.broadcast %jit3A_635 : i32 to vector<256x4096xi32>
    %select_n3A_637 = arith.select %eq3A_634, %iota3A, %broadcast_in_dim3A_636 : vector<256x4096xi1>, vector<256x4096xi32>
    %reduce_min3A_638 = arith.constant dense<2147483647> : vector<256xi32>
    %reduce_min3A_639 = vector.multi_reduction <minsi>, %select_n3A_637, %reduce_min3A_638 [1] : vector<256x4096xi32> to vector<256xi32>
    %broadcast_in_dim3A_640 = vector.shape_cast %reduce_min3A_639 : vector<256xi32> to vector<256x1xi32>
    %add3A_641 = vector.broadcast %mul3A_26 : i32 to vector<256x1xi32>
    %add3A_642 = arith.addi %broadcast_in_dim3A_640, %add3A_641 : vector<256x1xi32>
    %swap3A_643 = arith.constant 0 : index
    %swap3A_644 = arith.constant 29 : index
    %swap3A_645 = vector.load %arg4[%swap3A_643, %swap3A_644] : memref<256x32xi32, #tpu.memory_space<vmem>>, vector<256x1xi32>
    tpu.vector_store %arg4[%swap3A_643, %swap3A_644], %add3A_642 {strides = array<i32>} : memref<256x32xi32, #tpu.memory_space<vmem>>, vector<256x1xi32>,
    %eq3A_646 = vector.broadcast %broadcast_in_dim3A_640 : vector<256x1xi32> to vector<256x4096xi32>
    %eq3A_647 = arith.cmpi eq, %iota3A, %eq3A_646 : vector<256x4096xi32>
    %jit3A_648 = arith.constant 0x7F800000 : f32
    %broadcast_in_dim3A_649 = vector.broadcast %jit3A_648 : f32 to vector<256x4096xf32>
    %select_n3A_650 = arith.select %eq3A_647, %broadcast_in_dim3A_649, %select_n3A_629 : vector<256x4096xi1>, vector<256x4096xf32>
    %reduce_min3A_651 = arith.constant dense<0x7F800000> : vector<256xf32>
    %reduce_min3A_652 = vector.multi_reduction <minimumf>, %select_n3A_650, %reduce_min3A_651 [1] : vector<256x4096xf32> to vector<256xf32>
    %broadcast_in_dim3A_653 = vector.shape_cast %reduce_min3A_652 : vector<256xf32> to vector<256x1xf32>
    %eq3A_654 = vector.broadcast %broadcast_in_dim3A_653 : vector<256x1xf32> to vector<256x4096xf32>
    %eq3A_655 = arith.cmpf oeq, %select_n3A_650, %eq3A_654 : vector<256x4096xf32>
    %jit3A_656 = arith.constant 4096 : i32
    %broadcast_in_dim3A_657 = vector.broadcast %jit3A_656 : i32 to vector<256x4096xi32>
    %select_n3A_658 = arith.select %eq3A_655, %iota3A, %broadcast_in_dim3A_657 : vector<256x4096xi1>, vector<256x4096xi32>
    %reduce_min3A_659 = arith.constant dense<2147483647> : vector<256xi32>
    %reduce_min3A_660 = vector.multi_reduction <minsi>, %select_n3A_658, %reduce_min3A_659 [1] : vector<256x4096xi32> to vector<256xi32>
    %broadcast_in_dim3A_661 = vector.shape_cast %reduce_min3A_660 : vector<256xi32> to vector<256x1xi32>
    %add3A_662 = vector.broadcast %mul3A_26 : i32 to vector<256x1xi32>
    %add3A_663 = arith.addi %broadcast_in_dim3A_661, %add3A_662 : vector<256x1xi32>
    %swap3A_664 = arith.constant 0 : index
    %swap3A_665 = arith.constant 30 : index
    %swap3A_666 = vector.load %arg4[%swap3A_664, %swap3A_665] : memref<256x32xi32, #tpu.memory_space<vmem>>, vector<256x1xi32>
    tpu.vector_store %arg4[%swap3A_664, %swap3A_665], %add3A_663 {strides = array<i32>} : memref<256x32xi32, #tpu.memory_space<vmem>>, vector<256x1xi32>,
    %eq3A_667 = vector.broadcast %broadcast_in_dim3A_661 : vector<256x1xi32> to vector<256x4096xi32>
    %eq3A_668 = arith.cmpi eq, %iota3A, %eq3A_667 : vector<256x4096xi32>
    %jit3A_669 = arith.constant 0x7F800000 : f32
    %broadcast_in_dim3A_670 = vector.broadcast %jit3A_669 : f32 to vector<256x4096xf32>
    %select_n3A_671 = arith.select %eq3A_668, %broadcast_in_dim3A_670, %select_n3A_650 : vector<256x4096xi1>, vector<256x4096xf32>
    %reduce_min3A_672 = arith.constant dense<0x7F800000> : vector<256xf32>
    %reduce_min3A_673 = vector.multi_reduction <minimumf>, %select_n3A_671, %reduce_min3A_672 [1] : vector<256x4096xf32> to vector<256xf32>
    %broadcast_in_dim3A_674 = vector.shape_cast %reduce_min3A_673 : vector<256xf32> to vector<256x1xf32>
    %eq3A_675 = vector.broadcast %broadcast_in_dim3A_674 : vector<256x1xf32> to vector<256x4096xf32>
    %eq3A_676 = arith.cmpf oeq, %select_n3A_671, %eq3A_675 : vector<256x4096xf32>
    %jit3A_677 = arith.constant 4096 : i32
    %broadcast_in_dim3A_678 = vector.broadcast %jit3A_677 : i32 to vector<256x4096xi32>
    %select_n3A_679 = arith.select %eq3A_676, %iota3A, %broadcast_in_dim3A_678 : vector<256x4096xi1>, vector<256x4096xi32>
    %reduce_min3A_680 = arith.constant dense<2147483647> : vector<256xi32>
    %reduce_min3A_681 = vector.multi_reduction <minsi>, %select_n3A_679, %reduce_min3A_680 [1] : vector<256x4096xi32> to vector<256xi32>
    %broadcast_in_dim3A_682 = vector.shape_cast %reduce_min3A_681 : vector<256xi32> to vector<256x1xi32>
    %add3A_683 = vector.broadcast %mul3A_26 : i32 to vector<256x1xi32>
    %add3A_684 = arith.addi %broadcast_in_dim3A_682, %add3A_683 : vector<256x1xi32>
    %swap3A_685 = arith.constant 0 : index
    %swap3A_686 = arith.constant 31 : index
    %swap3A_687 = vector.load %arg4[%swap3A_685, %swap3A_686] : memref<256x32xi32, #tpu.memory_space<vmem>>, vector<256x1xi32>
    tpu.vector_store %arg4[%swap3A_685, %swap3A_686], %add3A_684 {strides = array<i32>} : memref<256x32xi32, #tpu.memory_space<vmem>>, vector<256x1xi32>,
    return
  }
  func.func @transform_0(%arg0: i32, %arg1: i32) -> (i32, i32, i32) {
    %c0_i32 = arith.constant 0 : i32
    %c0_i32_0 = arith.constant 0 : i32
    %c0_i32_1 = arith.constant 0 : i32
    return %arg0, %c0_i32, %c0_i32_0 : i32, i32, i32
  }
  func.func @transform_1(%arg0: i32, %arg1: i32) -> (i32, i32, i32) {
    %c0_i32 = arith.constant 0 : i32
    %c0_i32_0 = arith.constant 0 : i32
    return %arg0, %arg1, %c0_i32 : i32, i32, i32
  }
  func.func @transform_2(%arg0: i32, %arg1: i32) -> (i32, i32) {
    %mul3A = arith.constant 16 : i32
    %mul3A_0 = arith.muli %arg0, %mul3A : i32
    %add3A = arith.addi %mul3A_0, %arg1 : i32
    %c0_i32 = arith.constant 0 : i32
    %c0_i32_1 = arith.constant 0 : i32
    return %add3A, %c0_i32 : i32, i32
  }
}

module attributes {stable_mosaic.version = 14 : i64} {
  func.func @_gm_body(%arg0: i32, %arg1: memref<1x4096x256xf32, #tpu.memory_space<vmem>>, %arg2: memref<1x1x256xf32, #tpu.memory_space<vmem>>) attributes {dimension_semantics = [#tpu.dimension_semantics<arbitrary>], iteration_bounds = array<i64: 2>, scalar_prefetch = 0 : i64, scratch_operands = 0 : i64, tpu.core_type = #tpu.core_type<tc>, window_params = [{transform_indices = @transform_0, window_bounds = array<i64: 1, 4096, 256>}, {transform_indices = @transform_1, window_bounds = array<i64: 1, 1, 256>}]} {
    %get3A = arith.constant 0 : index
    %get3A_0 = arith.constant 0 : index
    %get3A_1 = arith.constant 0 : index
    %get3A_2 = vector.load %arg1[%get3A, %get3A_0, %get3A_1] : memref<1x4096x256xf32, #tpu.memory_space<vmem>>, vector<1x4096x256xf32>
    %reduce_sum3A = arith.constant dense<0.000000e+00> : vector<1x256xf32>
    %reduce_sum3A_3 = vector.multi_reduction <add>, %get3A_2, %reduce_sum3A [1] : vector<1x4096x256xf32> to vector<1x256xf32>
    %broadcast_in_dim3A = vector.shape_cast %reduce_sum3A_3 : vector<1x256xf32> to vector<1x1x256xf32>
    %div3A = arith.constant 4.096000e+03 : f32
    %div3A_4 = vector.broadcast %div3A : f32 to vector<1x1x256xf32>
    %div3A_5 = arith.divf %broadcast_in_dim3A, %div3A_4 : vector<1x1x256xf32>
    %abs3A = math.absf %div3A_5 : vector<1x1x256xf32>
    %swap3A = arith.constant 0 : index
    %swap3A_6 = arith.constant 0 : index
    %swap3A_7 = arith.constant 0 : index
    %swap3A_8 = vector.load %arg2[%swap3A, %swap3A_6, %swap3A_7] : memref<1x1x256xf32, #tpu.memory_space<vmem>>, vector<1x1x256xf32>
    tpu.vector_store %arg2[%swap3A, %swap3A_6, %swap3A_7], %abs3A {strides = array<i32>} : memref<1x1x256xf32, #tpu.memory_space<vmem>>, vector<1x1x256xf32>,
    return
  }
  func.func @transform_0(%arg0: i32) -> (i32, i32, i32) {
    %c0_i32 = arith.constant 0 : i32
    %c0_i32_0 = arith.constant 0 : i32
    %c0_i32_1 = arith.constant 0 : i32
    return %arg0, %c0_i32, %c0_i32_0 : i32, i32, i32
  }
  func.func @transform_1(%arg0: i32) -> (i32, i32, i32) {
    %c0_i32 = arith.constant 0 : i32
    %c0_i32_0 = arith.constant 0 : i32
    %c0_i32_1 = arith.constant 0 : i32
    return %arg0, %c0_i32, %c0_i32_0 : i32, i32, i32
  }
}

module attributes {stable_mosaic.version = 14 : i64} {
  func.func @_stats_body(%arg0: i32, %arg1: memref<64x32x256xf32, #tpu.memory_space<vmem>>, %arg2: memref<1x1x256xf32, #tpu.memory_space<vmem>>, %arg3: memref<64x128xf32, #tpu.memory_space<vmem>>) attributes {dimension_semantics = [#tpu.dimension_semantics<arbitrary>], iteration_bounds = array<i64: 128>, scalar_prefetch = 0 : i64, scratch_operands = 0 : i64, tpu.core_type = #tpu.core_type<tc>, window_params = [{transform_indices = @transform_0, window_bounds = array<i64: 64, 32, 256>}, {transform_indices = @transform_1, window_bounds = array<i64: 1, 1, 256>}, {transform_indices = @transform_2, window_bounds = array<i64: 64, 128>}]} {
    %get3A = arith.constant 0 : index
    %get3A_0 = arith.constant 0 : index
    %get3A_1 = arith.constant 0 : index
    %get3A_2 = vector.load %arg1[%get3A, %get3A_0, %get3A_1] : memref<64x32x256xf32, #tpu.memory_space<vmem>>, vector<64x32x256xf32>
    %reduce_sum3A = arith.constant dense<0.000000e+00> : vector<64x256xf32>
    %reduce_sum3A_3 = vector.multi_reduction <add>, %get3A_2, %reduce_sum3A [1] : vector<64x32x256xf32> to vector<64x256xf32>
    %div3A = arith.constant 3.200000e+01 : f32
    %div3A_4 = vector.broadcast %div3A : f32 to vector<64x256xf32>
    %div3A_5 = arith.divf %reduce_sum3A_3, %div3A_4 : vector<64x256xf32>
    %broadcast_in_dim3A = vector.shape_cast %div3A_5 : vector<64x256xf32> to vector<64x1x256xf32>
    %sub3A = vector.broadcast %broadcast_in_dim3A : vector<64x1x256xf32> to vector<64x32x256xf32>
    %sub3A_6 = arith.subf %get3A_2, %sub3A : vector<64x32x256xf32>
    %mul3A = arith.mulf %sub3A_6, %sub3A_6 : vector<64x32x256xf32>
    %reduce_sum3A_7 = arith.constant dense<0.000000e+00> : vector<64x256xf32>
    %reduce_sum3A_8 = vector.multi_reduction <add>, %mul3A, %reduce_sum3A_7 [1] : vector<64x32x256xf32> to vector<64x256xf32>
    %div3A_9 = arith.constant 3.100000e+01 : f32
    %div3A_10 = vector.broadcast %div3A_9 : f32 to vector<64x256xf32>
    %div3A_11 = arith.divf %reduce_sum3A_8, %div3A_10 : vector<64x256xf32>
    %sqrt3A = math.sqrt %div3A_11 : vector<64x256xf32>
    %get3A_12 = arith.constant 0 : index
    %get3A_13 = arith.constant 0 : index
    %get3A_14 = arith.constant 0 : index
    %get3A_15 = vector.load %arg2[%get3A_12, %get3A_13, %get3A_14] : memref<1x1x256xf32, #tpu.memory_space<vmem>>, vector<1x1x256xf32>
    %get3A_16 = vector.shape_cast %get3A_15 : vector<1x1x256xf32> to vector<1x256xf32>
    %div3A_17 = vector.broadcast %get3A_16 : vector<1x256xf32> to vector<64x256xf32>
    %div3A_18 = arith.divf %sqrt3A, %div3A_17 : vector<64x256xf32>
    %slice3A = vector.extract_strided_slice %div3A_18 {offsets = [0, 0], sizes = [64, 128], strides = [1, 1]} : vector<64x256xf32> to vector<64x128xf32>
    %slice3A_19 = vector.extract_strided_slice %div3A_18 {offsets = [0, 128], sizes = [64, 128], strides = [1, 1]} : vector<64x256xf32> to vector<64x128xf32>
    %add3A = arith.addf %slice3A, %slice3A_19 : vector<64x128xf32>
    %slice3A_20 = vector.extract_strided_slice %add3A {offsets = [0, 0], sizes = [64, 8], strides = [1, 1]} : vector<64x128xf32> to vector<64x8xf32>
    %slice3A_21 = vector.extract_strided_slice %add3A {offsets = [0, 8], sizes = [64, 8], strides = [1, 1]} : vector<64x128xf32> to vector<64x8xf32>
    %add3A_22 = arith.addf %slice3A_20, %slice3A_21 : vector<64x8xf32>
    %slice3A_23 = vector.extract_strided_slice %add3A {offsets = [0, 16], sizes = [64, 8], strides = [1, 1]} : vector<64x128xf32> to vector<64x8xf32>
    %add3A_24 = arith.addf %add3A_22, %slice3A_23 : vector<64x8xf32>
    %slice3A_25 = vector.extract_strided_slice %add3A {offsets = [0, 24], sizes = [64, 8], strides = [1, 1]} : vector<64x128xf32> to vector<64x8xf32>
    %add3A_26 = arith.addf %add3A_24, %slice3A_25 : vector<64x8xf32>
    %slice3A_27 = vector.extract_strided_slice %add3A {offsets = [0, 32], sizes = [64, 8], strides = [1, 1]} : vector<64x128xf32> to vector<64x8xf32>
    %add3A_28 = arith.addf %add3A_26, %slice3A_27 : vector<64x8xf32>
    %slice3A_29 = vector.extract_strided_slice %add3A {offsets = [0, 40], sizes = [64, 8], strides = [1, 1]} : vector<64x128xf32> to vector<64x8xf32>
    %add3A_30 = arith.addf %add3A_28, %slice3A_29 : vector<64x8xf32>
    %slice3A_31 = vector.extract_strided_slice %add3A {offsets = [0, 48], sizes = [64, 8], strides = [1, 1]} : vector<64x128xf32> to vector<64x8xf32>
    %add3A_32 = arith.addf %add3A_30, %slice3A_31 : vector<64x8xf32>
    %slice3A_33 = vector.extract_strided_slice %add3A {offsets = [0, 56], sizes = [64, 8], strides = [1, 1]} : vector<64x128xf32> to vector<64x8xf32>
    %add3A_34 = arith.addf %add3A_32, %slice3A_33 : vector<64x8xf32>
    %slice3A_35 = vector.extract_strided_slice %add3A {offsets = [0, 64], sizes = [64, 8], strides = [1, 1]} : vector<64x128xf32> to vector<64x8xf32>
    %add3A_36 = arith.addf %add3A_34, %slice3A_35 : vector<64x8xf32>
    %slice3A_37 = vector.extract_strided_slice %add3A {offsets = [0, 72], sizes = [64, 8], strides = [1, 1]} : vector<64x128xf32> to vector<64x8xf32>
    %add3A_38 = arith.addf %add3A_36, %slice3A_37 : vector<64x8xf32>
    %slice3A_39 = vector.extract_strided_slice %add3A {offsets = [0, 80], sizes = [64, 8], strides = [1, 1]} : vector<64x128xf32> to vector<64x8xf32>
    %add3A_40 = arith.addf %add3A_38, %slice3A_39 : vector<64x8xf32>
    %slice3A_41 = vector.extract_strided_slice %add3A {offsets = [0, 88], sizes = [64, 8], strides = [1, 1]} : vector<64x128xf32> to vector<64x8xf32>
    %add3A_42 = arith.addf %add3A_40, %slice3A_41 : vector<64x8xf32>
    %slice3A_43 = vector.extract_strided_slice %add3A {offsets = [0, 96], sizes = [64, 8], strides = [1, 1]} : vector<64x128xf32> to vector<64x8xf32>
    %add3A_44 = arith.addf %add3A_42, %slice3A_43 : vector<64x8xf32>
    %slice3A_45 = vector.extract_strided_slice %add3A {offsets = [0, 104], sizes = [64, 8], strides = [1, 1]} : vector<64x128xf32> to vector<64x8xf32>
    %add3A_46 = arith.addf %add3A_44, %slice3A_45 : vector<64x8xf32>
    %slice3A_47 = vector.extract_strided_slice %add3A {offsets = [0, 112], sizes = [64, 8], strides = [1, 1]} : vector<64x128xf32> to vector<64x8xf32>
    %add3A_48 = arith.addf %add3A_46, %slice3A_47 : vector<64x8xf32>
    %slice3A_49 = vector.extract_strided_slice %add3A {offsets = [0, 120], sizes = [64, 8], strides = [1, 1]} : vector<64x128xf32> to vector<64x8xf32>
    %add3A_50 = arith.addf %add3A_48, %slice3A_49 : vector<64x8xf32>
    %slice3A_51 = vector.extract_strided_slice %add3A_50 {offsets = [0, 0], sizes = [64, 4], strides = [1, 1]} : vector<64x8xf32> to vector<64x4xf32>
    %slice3A_52 = vector.extract_strided_slice %add3A_50 {offsets = [0, 4], sizes = [64, 4], strides = [1, 1]} : vector<64x8xf32> to vector<64x4xf32>
    %add3A_53 = arith.addf %slice3A_51, %slice3A_52 : vector<64x4xf32>
    %slice3A_54 = vector.extract_strided_slice %add3A_53 {offsets = [0, 0], sizes = [64, 2], strides = [1, 1]} : vector<64x4xf32> to vector<64x2xf32>
    %slice3A_55 = vector.extract_strided_slice %add3A_53 {offsets = [0, 2], sizes = [64, 2], strides = [1, 1]} : vector<64x4xf32> to vector<64x2xf32>
    %add3A_56 = arith.addf %slice3A_54, %slice3A_55 : vector<64x2xf32>
    %slice3A_57 = vector.extract_strided_slice %add3A_56 {offsets = [0, 0], sizes = [64, 1], strides = [1, 1]} : vector<64x2xf32> to vector<64x1xf32>
    %slice3A_58 = vector.extract_strided_slice %add3A_56 {offsets = [0, 1], sizes = [64, 1], strides = [1, 1]} : vector<64x2xf32> to vector<64x1xf32>
    %add3A_59 = arith.addf %slice3A_57, %slice3A_58 : vector<64x1xf32>
    %broadcast_in_dim3A_60 = vector.shape_cast %add3A_59 : vector<64x1xf32> to vector<64x1xf32>
    %broadcast_in_dim3A_61 = vector.broadcast %broadcast_in_dim3A_60 : vector<64x1xf32> to vector<64x128xf32>
    %swap3A = arith.constant 0 : index
    %swap3A_62 = arith.constant 0 : index
    %swap3A_63 = vector.load %arg3[%swap3A, %swap3A_62] : memref<64x128xf32, #tpu.memory_space<vmem>>, vector<64x128xf32>
    tpu.vector_store %arg3[%swap3A, %swap3A_62], %broadcast_in_dim3A_61 {strides = array<i32>} : memref<64x128xf32, #tpu.memory_space<vmem>>, vector<64x128xf32>,
    return
  }
  func.func @transform_0(%arg0: i32) -> (i32, i32, i32) {
    %c0_i32 = arith.constant 0 : i32
    %c0_i32_0 = arith.constant 0 : i32
    %c0_i32_1 = arith.constant 0 : i32
    return %arg0, %c0_i32, %c0_i32_0 : i32, i32, i32
  }
  func.func @transform_1(%arg0: i32) -> (i32, i32, i32) {
    %jit3A = arith.constant 64 : i32
    %div3A = arith.divsi %arg0, %jit3A : i32
    %sign3A = arith.constant 0 : i32
    %sign3A_0 = arith.cmpi sgt, %arg0, %sign3A : i32
    %sign3A_1 = arith.extui %sign3A_0 : i1 to i32
    %sign3A_2 = arith.constant 0 : i32
    %sign3A_3 = arith.cmpi slt, %arg0, %sign3A_2 : i32
    %sign3A_4 = arith.extui %sign3A_3 : i1 to i32
    %sign3A_5 = arith.subi %sign3A_1, %sign3A_4 : i32
    %sign3A_6 = arith.constant 0 : i32
    %sign3A_7 = arith.cmpi sgt, %jit3A, %sign3A_6 : i32
    %sign3A_8 = arith.extui %sign3A_7 : i1 to i32
    %sign3A_9 = arith.constant 0 : i32
    %sign3A_10 = arith.cmpi slt, %jit3A, %sign3A_9 : i32
    %sign3A_11 = arith.extui %sign3A_10 : i1 to i32
    %sign3A_12 = arith.subi %sign3A_8, %sign3A_11 : i32
    %ne3A = arith.cmpi ne, %sign3A_5, %sign3A_12 : i32
    %rem3A = arith.remsi %arg0, %jit3A : i32
    %ne3A_13 = arith.constant 0 : i32
    %ne3A_14 = arith.cmpi ne, %rem3A, %ne3A_13 : i32
    %and3A = arith.andi %ne3A, %ne3A_14 : i1
    %sub3A = arith.constant 1 : i32
    %sub3A_15 = arith.subi %div3A, %sub3A : i32
    %select_n3A = arith.select %and3A, %sub3A_15, %div3A : i32
    %c0_i32 = arith.constant 0 : i32
    %c0_i32_16 = arith.constant 0 : i32
    %c0_i32_17 = arith.constant 0 : i32
    return %select_n3A, %c0_i32, %c0_i32_16 : i32, i32, i32
  }
  func.func @transform_2(%arg0: i32) -> (i32, i32) {
    %c0_i32 = arith.constant 0 : i32
    %c0_i32_0 = arith.constant 0 : i32
    return %arg0, %c0_i32 : i32, i32
  }
}

module attributes {stable_mosaic.version = 14 : i64} {
  func.func @_rank_body(%arg0: i32, %arg1: i32, %arg2: memref<1x512x128xf32, #tpu.memory_space<vmem>>, %arg3: memref<1x1x4096xf32, #tpu.memory_space<vmem>>, %arg4: memref<1x512x128xi32, #tpu.memory_space<vmem>>) attributes {dimension_semantics = [#tpu.dimension_semantics<arbitrary>, #tpu.dimension_semantics<arbitrary>], iteration_bounds = array<i64: 2, 8>, scalar_prefetch = 0 : i64, scratch_operands = 0 : i64, tpu.core_type = #tpu.core_type<tc>, window_params = [{transform_indices = @transform_0, window_bounds = array<i64: 1, 512, 128>}, {transform_indices = @transform_1, window_bounds = array<i64: 1, 1, 4096>}, {transform_indices = @transform_2, window_bounds = array<i64: 1, 512, 128>}]} {
    %get3A = arith.constant 0 : index
    %get3A_0 = arith.constant 0 : index
    %get3A_1 = arith.constant 0 : index
    %get3A_2 = vector.load %arg2[%get3A, %get3A_0, %get3A_1] : memref<1x512x128xf32, #tpu.memory_space<vmem>>, vector<1x512x128xf32>
    %get3A_3 = vector.shape_cast %get3A_2 : vector<1x512x128xf32> to vector<512x128xf32>
    %slice3A = vector.extract_strided_slice %get3A_3 {offsets = [0, 0], sizes = [512, 1], strides = [1, 1]} : vector<512x128xf32> to vector<512x1xf32>
    %get3A_4 = arith.constant 0 : index
    %get3A_5 = arith.constant 0 : index
    %get3A_6 = arith.constant 0 : index
    %get3A_7 = vector.load %arg3[%get3A_4, %get3A_5, %get3A_6] : memref<1x1x4096xf32, #tpu.memory_space<vmem>>, vector<1x1x4096xf32>
    %get3A_8 = vector.shape_cast %get3A_7 : vector<1x1x4096xf32> to vector<1x4096xf32>
    %iota3A = tpu.iota {dimensions = array<i32: 1>} : vector<512x4096xi32>
    %iota3A_9 = tpu.iota {dimensions = array<i32: 0>} : vector<512x4096xi32>
    %mul3A = arith.constant 512 : i32
    %mul3A_10 = arith.muli %arg1, %mul3A : i32
    %add3A = vector.broadcast %mul3A_10 : i32 to vector<512x4096xi32>
    %add3A_11 = arith.addi %iota3A_9, %add3A : vector<512x4096xi32>
    %gt3A = vector.broadcast %get3A_8 : vector<1x4096xf32> to vector<512x4096xf32>
    %gt3A_12 = vector.broadcast %slice3A : vector<512x1xf32> to vector<512x4096xf32>
    %gt3A_13 = arith.cmpf ogt, %gt3A, %gt3A_12 : vector<512x4096xf32>
    %convert_element_type3A = arith.extui %gt3A_13 : vector<512x4096xi1> to vector<512x4096xi32>
    %eq3A = vector.broadcast %get3A_8 : vector<1x4096xf32> to vector<512x4096xf32>
    %eq3A_14 = vector.broadcast %slice3A : vector<512x1xf32> to vector<512x4096xf32>
    %eq3A_15 = arith.cmpf oeq, %eq3A, %eq3A_14 : vector<512x4096xf32>
    %lt3A = arith.cmpi slt, %iota3A, %add3A_11 : vector<512x4096xi32>
    %and3A = arith.andi %eq3A_15, %lt3A : vector<512x4096xi1>
    %convert_element_type3A_16 = arith.extui %and3A : vector<512x4096xi1> to vector<512x4096xi32>
    %add3A_17 = arith.addi %convert_element_type3A, %convert_element_type3A_16 : vector<512x4096xi32>
    %reduce_sum3A = arith.constant dense<0> : vector<512xi32>
    %reduce_sum3A_18 = vector.multi_reduction <add>, %add3A_17, %reduce_sum3A [1] : vector<512x4096xi32> to vector<512xi32>
    %broadcast_in_dim3A = vector.shape_cast %reduce_sum3A_18 : vector<512xi32> to vector<512x1xi32>
    %broadcast_in_dim3A_19 = vector.shape_cast %broadcast_in_dim3A : vector<512x1xi32> to vector<1x512x1xi32>
    %broadcast_in_dim3A_20 = vector.broadcast %broadcast_in_dim3A_19 : vector<1x512x1xi32> to vector<1x512x128xi32>
    %swap3A = arith.constant 0 : index
    %swap3A_21 = arith.constant 0 : index
    %swap3A_22 = arith.constant 0 : index
    %swap3A_23 = vector.load %arg4[%swap3A, %swap3A_21, %swap3A_22] : memref<1x512x128xi32, #tpu.memory_space<vmem>>, vector<1x512x128xi32>
    tpu.vector_store %arg4[%swap3A, %swap3A_21, %swap3A_22], %broadcast_in_dim3A_20 {strides = array<i32>} : memref<1x512x128xi32, #tpu.memory_space<vmem>>, vector<1x512x128xi32>,
    return
  }
  func.func @transform_0(%arg0: i32, %arg1: i32) -> (i32, i32, i32) {
    %c0_i32 = arith.constant 0 : i32
    %c0_i32_0 = arith.constant 0 : i32
    return %arg0, %arg1, %c0_i32 : i32, i32, i32
  }
  func.func @transform_1(%arg0: i32, %arg1: i32) -> (i32, i32, i32) {
    %c0_i32 = arith.constant 0 : i32
    %c0_i32_0 = arith.constant 0 : i32
    %c0_i32_1 = arith.constant 0 : i32
    return %arg0, %c0_i32, %c0_i32_0 : i32, i32, i32
  }
  func.func @transform_2(%arg0: i32, %arg1: i32) -> (i32, i32, i32) {
    %c0_i32 = arith.constant 0 : i32
    %c0_i32_0 = arith.constant 0 : i32
    return %arg0, %arg1, %c0_i32 : i32, i32, i32
  }
}

</mosaic_0001>

<sc_bundles>
// kernel: kernel.11.cloned.1.call-start
scs
__scs_entry_jumppad:
0x0: {  	(pc) =	sbr.rel $0x88, $3  }
0x1: {  	(tag) =	ssettag $0x0;
	lr =	simm.s32 $0x1  }
0x2: {  	[smem:$0x3F9F] =	sst lr;
	_ =	strace $0xD0000000  }
0x3: {  	_ = 	snop  }
0x4: {  	_ = 	snop  }
0x5: {  	_ = 	snop  }
0x6: {  	_ = 	snop  }
0x7: {  	_ = 	snop  }
__scs_overlays_trampoline_lowered:
0x8: {  	[smem:$0x3FAE] =	sst s0  }
0x9: {  	[smem:$0x3FAF] =	sst s1  }
0xa: {  	[smem:$0x3FB0] =	sst s2  }
0xb: {  	[smem:$0x3FB1] =	sst s3  }
0xc: {  	[smem:$0x3FB2] =	sst s4  }
0xd: {  	[smem:$0x3FB3] =	sst s5  }
0xe: {  	[smem:$0x3FB4] =	sst s6  }
0xf: {  	[smem:$0x3FB5] =	sst s7  }
0x10: {  	[smem:$0x3FB6] =	sst s8  }
0x11: {  	[smem:$0x3FB7] =	sst s9;
	s0 =	simm.s32 @!p0 $0x0  }
0x12: {  	s1 =	sld [smem:$0x3F9D];
	s0 =	simm.s32 @p0 $0x1  }
0x13: {  	[smem:$0x3FB8] =	sst s0;
	s0 =	simm.s32 @!p1 $0x0  }
0x14: {  	s2 =	sld [smem:$0x3F9C];
	s0 =	simm.s32 @p1 $0x1  }
0x15: {  	[smem:$0x3FB9] =	sst s0;
	s0 =	simm.s32 @!p2 $0x0  }
0x16: {  	s3 =	sld [smem:$0x3FDB];
	s0 =	simm.s32 @p2 $0x1  }
0x17: {  	s4 =	simm.s32 $0x1BF5;
	[smem:$0x3FBB] =	sst s0  }
0x18: {  	s0 =	sld [smem:$0x3F9E];
	_ =	swait.ge [sflag:s4], $0x0  }
0x19: {  	s7 =	sld [smem:$0x3F9F]  }
0x1a: {  	s8 =	sadd.s32 $0xFFFFE003, lr  }
0x1b: {  	s9 =	sadd.s32 $0xFFFFFEF7, lr;
	s5 =	simm.s32 $0xFFFFFFFF;
	p2 =	slt.u32 s8, $0xFFFFF086  }
0x1c: {  	p1 =	slt.u32 s9, $0xF7A;
	s5 =	simm.s32 @!p2 $0x0  }
0x1d: {  	s5 =	simm.s32 @p1 $0x1;
	p0 =	seq.s32 s7, s2  }
0x1e: {  	s7 =	smul.u32 @!p0 $0xF7A, s2;
	p2 =	seq.s32 @!p0 s5, $0x0  }
0x1f: {  	s9 =	smul.u32 $0xF7A, s1;
	s8 =	simm.s32 @!p0 $0x1BF5;
	p2 =	por !p2, p0  }
0x20: {  	[sflag:s8] =	ssyncset.s32 @!p0 $0xFFFFF086;
	s6 =	sadd.s32 @!p0 s3, s7;
	s7 =	simm.s32 @!p0 $0x108  }
0x21: {  	s3 =	sadd.s32 s3, s9;
	s6 =	sadd.s32 @!p0 $0x88, s6;
	s7 =	simm.s32 @p2 $0x1082  }
0x22: {  	[simem:s7], [sflag:s8] =	dma.local @!p0 [hbm:s6], $0xF7A  }
0x23: {  	s9 =	sor.u32 $0xD0000000, s2;
	s6 =	simm.s32 $0x108;
	_ =	swait.ge @!p0 [sflag:s8], $0x0  }
0x24: {  	s3 =	sadd.s32 $0x88, s3;
	s6 =	simm.s32 @!p1 $0x1082;
	[sflag:s4] =	ssyncset.s32 $0xFFFFF086  }
0x25: {  	[simem:s6], [sflag:s4] =	dma.local [hbm:s3], $0xF7A  }
0x26: {  	[smem:$0x3F9F] =	sst s1;
	(tag) =	ssettag s2;
	_ =	strace s9  }
0x27: {  	s1 =	sld [smem:$0x3FAF]  }
0x28: {  	s2 =	sld [smem:$0x3FB0]  }
0x29: {  	s4 =	sld [smem:$0x3FB2]  }
0x2a: {  	p0 =	seq.s32 s5, $0x0;
	s5 =	sld [smem:$0x3FB3]  }
0x2b: {  	s6 =	sld [smem:$0x3FB4]  }
0x2c: {  	s7 =	sld [smem:$0x3FB5]  }
0x2d: {  	s3 =	simm.s32 $0x108;
	s8 =	sld [smem:$0x3FB6]  }
0x2e: {  	s3 =	simm.s32 @!p0 $0x1082;
	s9 =	sld [smem:$0x3FB7]  }
0x2f: {  	lr =	sadd.s32 s0, s3;
	s0 =	sld [smem:$0x3FAE]  }
0x30: {  	s3 =	sld [smem:$0x3FB1]  }
0x31: {  	[smem:$0x3FBA] =	sst s10  }
0x32: {  	s10 =	sld [smem:$0x3FB8];
	_ =	sdelay $0x3  }
0x33: {  	p0 =	seq.s32 s10, $0x1;
	s10 =	sld [smem:$0x3FBA];
	_ =	sdelay $0x3  }
0x34: {  	[smem:$0x3FBA] =	sst s10  }
0x35: {  	s10 =	sld [smem:$0x3FB9];
	_ =	sdelay $0x3  }
0x36: {  	p1 =	seq.s32 s10, $0x1;
	s10 =	sld [smem:$0x3FBA];
	_ =	sdelay $0x3  }
0x37: {  	[smem:$0x3FBA] =	sst s10  }
0x38: {  	s10 =	sld [smem:$0x3FBB]  }
0x39: {  	_ = 	snop;
	(pc) =	sbr.ind lr, $3  }
0x3a: {  	_ = 	snop  }
0x3b: {  	_ = 	snop  }
0x3c: {  	p2 =	seq.s32 s10, $0x1;
	s10 =	sld [smem:$0x3FBA]  }
0x3d: {  	_ =	shalt  }
0x3e: {  	_ =	shalt  }
0x3f: {  	_ =	shalt  }
0x40: {  	_ =	shalt  }
0x41: {  	_ =	shalt  }
0x42: {  	_ =	shalt  }
0x43: {  	_ =	shalt  }
0x44: {  	_ =	shalt  }
0x45: {  	_ =	shalt  }
0x46: {  	_ =	shalt  }
0x47: {  	_ =	shalt  }
0x48: {  	_ =	shalt  }
0x49: {  	_ =	shalt  }
0x4a: {  	_ =	shalt  }
0x4b: {  	_ =	shalt  }
0x4c: {  	_ =	shalt  }
0x4d: {  	_ =	shalt  }
0x4e: {  	_ =	shalt  }
0x4f: {  	_ =	shalt  }
0x50: {  	_ =	shalt  }
0x51: {  	_ =	shalt  }
0x52: {  	_ =	shalt  }
0x53: {  	_ =	shalt  }
0x54: {  	_ =	shalt  }
0x55: {  	_ =	shalt  }
0x56: {  	_ =	shalt  }
0x57: {  	_ =	shalt  }
0x58: {  	_ =	shalt  }
0x59: {  	_ =	shalt  }
0x5a: {  	_ =	shalt  }
0x5b: {  	_ =	shalt  }
0x5c: {  	_ =	shalt  }
0x5d: {  	_ =	shalt  }
0x5e: {  	_ =	shalt  }
0x5f: {  	_ =	shalt  }
0x60: {  	_ =	shalt  }
0x61: {  	_ =	shalt  }
0x62: {  	_ =	shalt  }
0x63: {  	_ =	shalt  }
0x64: {  	_ =	shalt  }
0x65: {  	_ =	shalt  }
0x66: {  	_ =	shalt  }
0x67: {  	_ =	shalt  }
0x68: {  	_ =	shalt  }
0x69: {  	_ =	shalt  }
0x6a: {  	_ =	shalt  }
0x6b: {  	_ =	shalt  }
0x6c: {  	_ =	shalt  }
0x6d: {  	_ =	shalt  }
0x6e: {  	_ =	shalt  }
0x6f: {  	_ =	shalt  }
0x70: {  	_ =	shalt  }
0x71: {  	_ =	shalt  }
0x72: {  	_ =	shalt  }
0x73: {  	_ =	shalt  }
0x74: {  	_ =	shalt  }
0x75: {  	_ =	shalt  }
0x76: {  	_ =	shalt  }
0x77: {  	_ =	shalt  }
0x78: {  	_ =	shalt  }
0x79: {  	_ =	shalt  }
0x7a: {  	_ =	shalt  }
0x7b: {  	_ =	shalt  }
0x7c: {  	_ =	shalt  }
0x7d: {  	_ =	shalt  }
0x7e: {  	_ =	shalt  }
0x7f: {  	_ =	shalt  }
0x80: {  	_ =	shalt  }
0x81: {  	_ =	shalt  }
0x82: {  	_ =	shalt  }
0x83: {  	_ =	shalt  }
0x84: {  	_ =	shalt  }
0x85: {  	_ =	shalt  }
0x86: {  	_ =	shalt  }
0x87: {  	_ =	shalt  }
.Lfunc_end0:
.L_simem_size_0:
called_computation.1_lowered:
.L_overlay_start_0:
0x88: {  	s2 =	sld [smem:$0x3FD9]  }
0x89: {  	s3 =	sld [smem:$0x3FFE];
	_ =	sdelay $0x1  }
0x8a: {  	s1 =	srdreg.scid  }
0x8b: {  	s0 =	sand.u32 $0x1, s1  }
0x8c: {  	s14 =	sshll.u32 s0, $0xA;
	s2 =	sadd.s32 s3, s2  }
0x8d: {  	s2 =	sadd.s32 s2, s14  }
0x8e: {  	[smem:$0x3FC6] =	sst s2  }
0x8f: {  	_ = 	snop  }
0x90: {  	s2 =	sld [smem:$0x3FD0];
	_ =	sdelay $0x2  }
0x91: {  	s4 =	simm.s32 $0xA;
	s5 =	simm.s32 $0x10;
	s15 =	sld [smem:$0x3FC9]  }
0x92: {  	[smem:s5], [sflag:s4] =	dma.local [hbm:s2], $0x1  }
0x93: {  	_ =	swait.eq [sflag:s4], $0x1  }
0x94: {  	[sflag:s4] =	ssyncset.done $0x0  }
0x95: {  	s16 =	sld [smem:$0x10];
	[sflag:s4] =	ssyncadd.s32 $0xFFFFFFFF  }
0x96: {  	s17 =	sld [smem:$0x11];
	(tm) =	ssettm $0x1  }
0x97: {  	s18 =	sld [smem:$0x3FFB];
	_ =	sdelay $0x3  }
0x98: {  	_ =	strace s18  }
0x99: {  	s5 =	sld [smem:$0x3FFC];
	_ =	sdelay $0x3  }
0x9a: {  	_ =	strace s5  }
0x9b: {  	s5 =	sld [smem:$0x3FFD];
	_ =	sdelay $0x3  }
0x9c: {  	_ =	strace s5  }
0x9d: {  	_ =	strace $0x8FFFFFFF  }
0x9e: {  	s19 =	sld [smem:$0x3FDB];
	_ =	sdelay $0x1  }
0x9f: {  	s6 =	simm.s32 $_scs_section_size  }
0xa0: {  	s7 =	simm.s32 $_size__tile_overlayer_lowered;
	s8 =	simm.s32 $_tile_overlayer_lowered  }
0xa1: {  	s22 =	simm.s32 $0x1BFF;
	s21 =	sshll.u32 s8, $0x1;
	s5 =	sadd.s32 s6, s19  }
0xa2: {  	s9 =	simm.s32 $0x0;
	s20 =	sshll.u32 s7, $0x1;
	s7 =	sadd.s32 s21, s5  }
0xa3: {  	[timem:s9], [sflag:s22] =	dma.local [hbm:s7], s20  }
0xa4: {  	_ =	swait.ge [sflag:s22], s20  }
0xa5: {  	s6 =	ssub.s32 $0x0, s20;
	[sflag:s22] =	ssyncset.done $0x0  }
0xa6: {  	[sflag:s22] =	ssyncadd.s32 s6;
	_ =	sdelay $0x1  }
0xa7: {  	s23 =	simm.s32 $0x1B8B  }
0xa8: {  	_ =	swait.ge [sflag:s23], $0x1  }
0xa9: {  	[sflag:s23] =	ssyncset.done $0x0  }
0xaa: {  	s25 =	simm.s32 $0x1B8E;
	s24 =	sld [smem:$0x3FFE];
	[sflag:s23] =	ssyncadd.s32 $0xFFFFFFFF  }
0xab: {  	s26 =	simm.s32 $execute0_lowered;
	[smem:$0x3FD2] =	sst s25  }
0xac: {  	s7 =	sshll.u32 s26, $0x1;
	_ =	strace $0x80000049;
	[dreg:$0x1] =	wrdreg $0xFFFFFFFF  }
0xad: {  	s28 =	simm.s32 $_size_execute0_lowered;
	s5 =	sadd.s32 s5, s7;
	[dreg:$0x0] =	wrdreg $0x0  }
0xae: {  	s7 =	sshll.u32 s28, $0x1;
	[dreg:$0x2] =	wrdreg s5  }
0xaf: {  	[dreg:$0x3] =	wrdreg s7  }
0xb0: {  	[dreg:$0x4] =	wrdreg $0xC0  }
0xb1: {  	_ =	task [dreg:s9], $0x5FFFF  }
0xb2: {  	[dreg:$0x1] =	wrdreg $0xFFFFFFFF  }
0xb3: {  	[dreg:$0x0] =	wrdreg $0x60  }
0xb4: {  	[dreg:$0x2] =	wrdreg s17  }
0xb5: {  	[dreg:$0x3] =	wrdreg s15  }
0xb6: {  	[dreg:$0x4] =	wrdreg s16  }
0xb7: {  	[dreg:$0x5] =	wrdreg s24  }
0xb8: {  	[dreg:$0x6] =	wrdreg $0x9  }
0xb9: {  	_ =	task.clear_ibuf [dreg:s9], $0x7FFFF;
	_ =	strace $0x90000049  }
0xba: {  	s29 =	simm.s32 $0x9;
	_ =	strace $0x8000004B  }
0xbb: {  	_ =	swait.ge [sflag:s29], $0x1  }
0xbc: {  	[sflag:s29] =	ssyncadd.s32 $0xFFFFFFFF  }
0xbd: {  	_ =	strace $0x9000004B  }
0xbe: {  	_ =	sfence  }
0xbf: {  	s30 =	sld [smem:$0x0];
	_ =	sdelay $0x2  }
0xc0: {  	s31 =	sshll.u32 s1, $0xD;
	s1 =	sshrl.u32 s1, $0x2  }
0xc1: {  	s3 =	sand.u32 $0x4000, s31;
	s1 =	sadd.s32 s1, s30  }
0xc2: {  	s0 =	sor.u32 s3, s0;
	s1 =	sshll.u32 s1, $0x11  }
0xc3: {  	s0 =	sor.u32 s1, s0  }
0xc4: {  	s0 =	sadd.s32 $0x8F2B, s0  }
0xc5: {  	[sflag:s0] =	ssyncadd.remote.s32 $0x1  }
0xc6: {  	_ =	sfence.sel $0xFFFF  }
0xc7: {  	[dreg:$0x0] =	wrdreg $0xFFFFFFFF;
	(pc) =	sbr.abs _section_cstart, $3  }
0xc8: {  	[dreg:$0x1] =	wrdreg $0xFFFFFFFF  }
0xc9: {  	_ =	task.clear_ibuf [dreg:s9], $0x2FFFF;
	_ =	strace $0x9FFFFFFF  }
0xca: {  	(tm) =	ssettm $0x7FFFFFFF  }
0xcb: {  	_ =	shalt  }
tec
execute0_lowered:
.L_overlay_start_1:
0x0: {  	(tag) =	ssettag $0x1  }
0x1: {  	s0 =	rddreg [dreg:$0x0]  }
0x2: {  	s8 =	rddreg [dreg:$0x1]  }
0x3: {  	s9 =	rddreg [dreg:$0x2]  }
0x4: {  	s4 =	rddreg [dreg:$0x3];
	s2 =	simm.s32 $0x0  }
0x5: {  	s3 =	srdreg.scid;
	s1 =	stileid.u32;
	s13 =	simm.s32 $0x180  }
0x6: {  	s14 =	simm.s32 $0x980;
	s15 =	simm.s32 $0x1180;
	s16 =	simm.s32 $0x1980  }
0x7: {  	s28 =	simm.s32 $0x7180;
	s29 =	simm.s32 $0x7980;
	s30 =	simm.s32 $0x1  }
0x8: {  	s31 =	simm.s32 $0x8180;
	[smem:$0x7FF] =	sst s2;
	s5 =	sand.u32 $0x1, s3  }
0x9: {  	s6 =	sshll.u32 s1, $0x1;
	s3 =	sadd.s32 $0xA00, s4;
	s4 =	sadd.s32 $0x20C00, s4  }
0xa: {  	s18 =	sshll.u32 s1, $0x6;
	s21 =	sshll.u32 s1, $0x8;
	_ =	strace $0x8000004A  }
0xb: {  	s7 =	ssub.s32 $0x2, s5;
	s6 =	sor.u32 s5, s6;
	s20 =	sand.u32 $0x380, s18  }
0xc: {  	s26 =	sand.u32 $0x800, s21;
	s18 =	simm.s32 $0x2980;
	s21 =	simm.s32 $0x4180  }
0xd: {  	s17 =	sshrl.u32 s7, $0x1;
	s10 =	sshll.u32 s6, $0x5;
	s22 =	sshll.u32 s6, $0xD  }
0xe: {  	s12 =	sshllo.u32 s6, $0x1;
	s6 =	sshll.u32 s6, $0xC;
	v0 =	vmov s26;
	s26 =	simm.s32 $0x6980  }
0xf: {  	s11 =	ssub.s32 s7, s17;
	s19 =	sadd.s32 s0, s10;
	s5 =	sadd.s32 s8, s22  }
0x10: {  	s23 =	sshll.u32 s12, $0x4;
	s6 =	sadd.s32 s9, s6;
	s0 =	sadd.s32 s0, s20  }
0x11: {  	s24 =	sshll.u32 s12, $0xC;
	s25 =	sshll.u32 s12, $0xB;
	s12 =	simm.s32 $0x2  }
0x12: {  	s17 =	simm.s32 $0x2180;
	s20 =	simm.s32 $0x3980;
	s22 =	simm.s32 $0x4980  }
0x13: {  	[dreg:$0x5] =	wrdreg s19;
	s7 =	sand.u32 $0x70, s23;
	s8 =	sadd.s32 s8, s24  }
0x14: {  	v3 =	vlaneseq.u32;
	s9 =	sadd.s32 s9, s25;
	s10 =	smax.u32 s11, $0x1;
	s11 =	simm.s32 $0x100  }
0x15: {  	vm0 =	vmmov $0xffff;
	v2 =	vshrl.u32 v3, $0x3;
	s19 =	simm.s32 $0x3180;
	s23 =	simm.s32 $0x5180;
	s24 =	simm.s32 $0x5980  }
0x16: {  	v1 =	vand.u32 $0x7, v3;
	v3 =	vor.u32 $0x8, v3;
	v2 =	vmul.u32 $0x8, v2;
	s25 =	simm.s32 $0x6180;
	s7 =	sadd.s32 s7, s0;
	s0 =	simm.s32 $0x80  }
.LBB2_1:
0x17: {  	s1 =	rddreg [dreg:$0x5]  }
0x18: {  	[tilespmem:s11], [sflag:$0x2] =	stream.linear.gather [hbm4b:s1+s2], $0x80, $0x38;
	[tilespmem:$0xC180] =	vst v63  }
0x19: {  	_ =	swait.ge [sflag:s12], $0x80  }
0x1a: {  	[sflag:s12] =	ssyncset.done $0x0  }
0x1b: {  	[sflag:s12] =	ssyncadd.s32 $0xFFFFFF80  }
0x1c: {  	v4 =	vld [tilespmem:$0x100]  }
0x1d: {  	v5 =	vld [tilespmem:$0x110]  }
0x1e: {  	v6 =	vld [tilespmem:$0x120]  }
0x1f: {  	v7 =	vld [tilespmem:$0x130]  }
0x20: {  	v8 =	vld [tilespmem:$0x140]  }
0x21: {  	v9 =	vld [tilespmem:$0x150];
	vm1 =	vlt.s32 v4, $0x800;
	v4 =	vadd.s32 v0, v4  }
0x22: {  	v10 =	vld [tilespmem:$0x160];
	v4 =	vnsel vm1, $0x1000, v4;
	vm1 =	vlt.s32 v5, $0x800;
	v5 =	vadd.s32 v0, v5  }
0x23: {  	v57 =	vld [tilespmem:$0x170];
	[tilespmem:$0x0] =	vst v4;
	v4 =	vnsel vm1, $0x1001, v5;
	vm1 =	vlt.s32 v6, $0x800;
	v5 =	vadd.s32 v0, v6  }
0x24: {  	[tilespmem:$0x10] =	vst v4;
	v4 =	vnsel vm1, $0x1002, v5;
	vm1 =	vlt.s32 v7, $0x800;
	v5 =	vadd.s32 v0, v7  }
0x25: {  	[tilespmem:$0x20] =	vst v4;
	v4 =	vnsel vm1, $0x1003, v5;
	vm1 =	vlt.s32 v8, $0x800;
	v5 =	vadd.s32 v0, v8  }
0x26: {  	[tilespmem:$0x30] =	vst v4;
	v4 =	vnsel vm1, $0x1004, v5;
	vm1 =	vlt.s32 v9, $0x800;
	v5 =	vadd.s32 v0, v9  }
0x27: {  	[tilespmem:$0x40] =	vst v4;
	v4 =	vnsel vm1, $0x1005, v5;
	vm1 =	vlt.s32 v10, $0x800;
	v5 =	vadd.s32 v0, v10  }
0x28: {  	[tilespmem:$0x50] =	vst v4;
	v4 =	vnsel vm1, $0x1006, v5;
	vm1 =	vlt.s32 v57, $0x800;
	v5 =	vadd.s32 v0, v57  }
0x29: {  	[tilespmem:$0x60] =	vst v4;
	v4 =	vnsel vm1, $0x1007, v5  }
0x2a: {  	[tilespmem:$0x70] =	vst v4  }
0x2b: {  	[tilespmem:s13], [sflag:$0x2] =	stream.linear.gather [hbm4b:s5+s2], $0x8000, $0x38;
	[tilespmem:$0xC180] =	vst v63  }
0x2c: {  	_ =	swait.ge [sflag:s12], $0x8000  }
0x2d: {  	[sflag:s12] =	ssyncset.done $0x0  }
0x2e: {  	[sflag:s12] =	ssyncadd.s32 $0xFFFF8000  }
0x2f: {  	v4 =	vld [tilespmem:$0x0];
	_ =	sdelay $0x4  }
0x30: {  	v5 =	vshll.u32 v4, $0x1  }
0x31: {  	v4 =	vand.u32 $0x7, v4;
	v5 =	vand.u32 $0xFFFFFFF0, v5  }
0x32: {  	v4 =	vor.u32 v4, v5  }
0x33: {  	v5 =	vperm.xlane v4, v1;
	_ =	sdelay $0x1  }
0x34: {  	v4 =	vperm.xlane v4, v3;
	v5 =	vadd.s32 v2, v5;
	_ =	sdelay $0x1  }
0x35: {  	v4 =	vadd.s32 v2, v4;
	_ =	sdelay $0x2  }
0x36: {  	[hbm4b:s3+s2] =	stream.indirect_vreg.scatter [tilespmem:s13], [sflag:$0x1], $0x80, v5, vm0, $0xb8;
	[tilespmem:$0xC180] =	vst v63  }
0x37: {  	_ = 	snop  }
0x38: {  	[hbm4b:s3+s2] =	stream.indirect_vreg.scatter [tilespmem:s14], [sflag:$0x1], $0x80, v4, vm0, $0xb8;
	[tilespmem:$0xC180] =	vst v63  }
0x39: {  	v4 =	vld [tilespmem:$0x10];
	_ =	sdelay $0x4  }
0x3a: {  	v5 =	vshll.u32 v4, $0x1  }
0x3b: {  	v4 =	vand.u32 $0x7, v4;
	v5 =	vand.u32 $0xFFFFFFF0, v5  }
0x3c: {  	v4 =	vor.u32 v4, v5  }
0x3d: {  	v5 =	vperm.xlane v4, v1;
	_ =	sdelay $0x1  }
0x3e: {  	v4 =	vperm.xlane v4, v3;
	v5 =	vadd.s32 v2, v5;
	_ =	sdelay $0x1  }
0x3f: {  	v4 =	vadd.s32 v2, v4;
	_ =	sdelay $0x2  }
0x40: {  	[hbm4b:s3+s2] =	stream.indirect_vreg.scatter [tilespmem:s15], [sflag:$0x1], $0x80, v5, vm0, $0xb8;
	[tilespmem:$0xC180] =	vst v63  }
0x41: {  	_ = 	snop  }
0x42: {  	[hbm4b:s3+s2] =	stream.indirect_vreg.scatter [tilespmem:s16], [sflag:$0x1], $0x80, v4, vm0, $0xb8;
	[tilespmem:$0xC180] =	vst v63  }
0x43: {  	v4 =	vld [tilespmem:$0x20];
	_ =	sdelay $0x4  }
0x44: {  	v5 =	vshll.u32 v4, $0x1  }
0x45: {  	v4 =	vand.u32 $0x7, v4;
	v5 =	vand.u32 $0xFFFFFFF0, v5  }
0x46: {  	v4 =	vor.u32 v4, v5  }
0x47: {  	v5 =	vperm.xlane v4, v1;
	_ =	sdelay $0x1  }
0x48: {  	v4 =	vperm.xlane v4, v3;
	v5 =	vadd.s32 v2, v5;
	_ =	sdelay $0x1  }
0x49: {  	v4 =	vadd.s32 v2, v4;
	_ =	sdelay $0x2  }
0x4a: {  	[hbm4b:s3+s2] =	stream.indirect_vreg.scatter [tilespmem:s17], [sflag:$0x1], $0x80, v5, vm0, $0xb8;
	[tilespmem:$0xC180] =	vst v63  }
0x4b: {  	_ = 	snop  }
0x4c: {  	[hbm4b:s3+s2] =	stream.indirect_vreg.scatter [tilespmem:s18], [sflag:$0x1], $0x80, v4, vm0, $0xb8;
	[tilespmem:$0xC180] =	vst v63  }
0x4d: {  	v4 =	vld [tilespmem:$0x30];
	_ =	sdelay $0x4  }
0x4e: {  	v5 =	vshll.u32 v4, $0x1  }
0x4f: {  	v4 =	vand.u32 $0x7, v4;
	v5 =	vand.u32 $0xFFFFFFF0, v5  }
0x50: {  	v4 =	vor.u32 v4, v5  }
0x51: {  	v5 =	vperm.xlane v4, v1;
	_ =	sdelay $0x1  }
0x52: {  	v4 =	vperm.xlane v4, v3;
	v5 =	vadd.s32 v2, v5;
	_ =	sdelay $0x1  }
0x53: {  	v4 =	vadd.s32 v2, v4;
	_ =	sdelay $0x2  }
0x54: {  	[hbm4b:s3+s2] =	stream.indirect_vreg.scatter [tilespmem:s19], [sflag:$0x1], $0x80, v5, vm0, $0xb8;
	[tilespmem:$0xC180] =	vst v63  }
0x55: {  	_ = 	snop  }
0x56: {  	[hbm4b:s3+s2] =	stream.indirect_vreg.scatter [tilespmem:s20], [sflag:$0x1], $0x80, v4, vm0, $0xb8;
	[tilespmem:$0xC180] =	vst v63  }
0x57: {  	v4 =	vld [tilespmem:$0x40];
	_ =	sdelay $0x4  }
0x58: {  	v5 =	vshll.u32 v4, $0x1  }
0x59: {  	v4 =	vand.u32 $0x7, v4;
	v5 =	vand.u32 $0xFFFFFFF0, v5  }
0x5a: {  	v4 =	vor.u32 v4, v5  }
0x5b: {  	v5 =	vperm.xlane v4, v1;
	_ =	sdelay $0x1  }
0x5c: {  	v4 =	vperm.xlane v4, v3;
	v5 =	vadd.s32 v2, v5;
	_ =	sdelay $0x1  }
0x5d: {  	v4 =	vadd.s32 v2, v4;
	_ =	sdelay $0x2  }
0x5e: {  	[hbm4b:s3+s2] =	stream.indirect_vreg.scatter [tilespmem:s21], [sflag:$0x1], $0x80, v5, vm0, $0xb8;
	[tilespmem:$0xC180] =	vst v63  }
0x5f: {  	_ = 	snop  }
0x60: {  	[hbm4b:s3+s2] =	stream.indirect_vreg.scatter [tilespmem:s22], [sflag:$0x1], $0x80, v4, vm0, $0xb8;
	[tilespmem:$0xC180] =	vst v63  }
0x61: {  	v4 =	vld [tilespmem:$0x50];
	_ =	sdelay $0x4  }
0x62: {  	v5 =	vshll.u32 v4, $0x1  }
0x63: {  	v4 =	vand.u32 $0x7, v4;
	v5 =	vand.u32 $0xFFFFFFF0, v5  }
0x64: {  	v4 =	vor.u32 v4, v5  }
0x65: {  	v5 =	vperm.xlane v4, v1;
	_ =	sdelay $0x1  }
0x66: {  	v4 =	vperm.xlane v4, v3;
	v5 =	vadd.s32 v2, v5;
	_ =	sdelay $0x1  }
0x67: {  	v4 =	vadd.s32 v2, v4;
	_ =	sdelay $0x2  }
0x68: {  	[hbm4b:s3+s2] =	stream.indirect_vreg.scatter [tilespmem:s23], [sflag:$0x1], $0x80, v5, vm0, $0xb8;
	[tilespmem:$0xC180] =	vst v63  }
0x69: {  	_ = 	snop  }
0x6a: {  	[hbm4b:s3+s2] =	stream.indirect_vreg.scatter [tilespmem:s24], [sflag:$0x1], $0x80, v4, vm0, $0xb8;
	[tilespmem:$0xC180] =	vst v63  }
0x6b: {  	v4 =	vld [tilespmem:$0x60];
	_ =	sdelay $0x4  }
0x6c: {  	v5 =	vshll.u32 v4, $0x1  }
0x6d: {  	v4 =	vand.u32 $0x7, v4;
	v5 =	vand.u32 $0xFFFFFFF0, v5  }
0x6e: {  	v4 =	vor.u32 v4, v5  }
0x6f: {  	v5 =	vperm.xlane v4, v1;
	_ =	sdelay $0x1  }
0x70: {  	v4 =	vperm.xlane v4, v3;
	v5 =	vadd.s32 v2, v5;
	_ =	sdelay $0x1  }
0x71: {  	v4 =	vadd.s32 v2, v4;
	_ =	sdelay $0x2  }
0x72: {  	[hbm4b:s3+s2] =	stream.indirect_vreg.scatter [tilespmem:s25], [sflag:$0x1], $0x80, v5, vm0, $0xb8;
	[tilespmem:$0xC180] =	vst v63  }
0x73: {  	_ = 	snop  }
0x74: {  	[hbm4b:s3+s2] =	stream.indirect_vreg.scatter [tilespmem:s26], [sflag:$0x1], $0x80, v4, vm0, $0xb8;
	[tilespmem:$0xC180] =	vst v63  }
0x75: {  	v4 =	vld [tilespmem:$0x70];
	_ =	sdelay $0x4  }
0x76: {  	v5 =	vshll.u32 v4, $0x1  }
0x77: {  	v4 =	vand.u32 $0x7, v4;
	v5 =	vand.u32 $0xFFFFFFF0, v5  }
0x78: {  	v4 =	vor.u32 v4, v5  }
0x79: {  	v5 =	vperm.xlane v4, v1;
	_ =	sdelay $0x1  }
0x7a: {  	v4 =	vperm.xlane v4, v3;
	v5 =	vadd.s32 v2, v5;
	_ =	sdelay $0x1  }
0x7b: {  	v4 =	vadd.s32 v2, v4;
	_ =	sdelay $0x2  }
0x7c: {  	[hbm4b:s3+s2] =	stream.indirect_vreg.scatter [tilespmem:s28], [sflag:$0x1], $0x80, v5, vm0, $0xb8;
	[tilespmem:$0xC180] =	vst v63  }
0x7d: {  	_ = 	snop  }
0x7e: {  	[hbm4b:s3+s2] =	stream.indirect_vreg.scatter [tilespmem:s29], [sflag:$0x1], $0x80, v4, vm0, $0xb8;
	[tilespmem:$0xC180] =	vst v63  }
0x7f: {  	_ =	swait.ge [sflag:s30], $0x8000  }
0x80: {  	[sflag:s30] =	ssyncset.done $0x0  }
0x81: {  	[sflag:s30] =	ssyncadd.s32 $0xFFFF8000  }
0x82: {  	[tilespmem:s31], [sflag:$0x2] =	stream.linear.gather [hbm4b:s6+s2], $0x4000, $0x38;
	[tilespmem:$0xC180] =	vst v63  }
0x83: {  	_ =	swait.ge [sflag:s12], $0x4000  }
0x84: {  	[sflag:s12] =	ssyncset.done $0x0  }
0x85: {  	[sflag:s12] =	ssyncadd.s32 $0xFFFFC000  }
0x86: {  	[hbm4b:s4+s0] =	stream.indirect.scatter [tilespmem:s31], [sflag:$0x1], $0x80, s2, s0, $0xb8;
	[tilespmem:$0xC180] =	vst v63  }
0x87: {  	_ =	swait.ge [sflag:s30], $0x4000  }
0x88: {  	[sflag:s30] =	ssyncset.done $0x0  }
0x89: {  	[sflag:s30] =	ssyncadd.s32 $0xFFFFC000  }
0x8a: {  	[tilespmem:s11], [sflag:$0x2] =	stream.linear.gather [hbm4b:s7+s2], $0x80, $0x38;
	[tilespmem:$0xC180] =	vst v63  }
0x8b: {  	_ =	swait.ge [sflag:s12], $0x80  }
0x8c: {  	[sflag:s12] =	ssyncset.done $0x0  }
0x8d: {  	[sflag:s12] =	ssyncadd.s32 $0xFFFFFF80  }
0x8e: {  	v4 =	vld [tilespmem:$0x100]  }
0x8f: {  	v5 =	vld [tilespmem:$0x110]  }
0x90: {  	v58 =	vld [tilespmem:$0x120]  }
0x91: {  	v59 =	vld [tilespmem:$0x130]  }
0x92: {  	v60 =	vld [tilespmem:$0x140]  }
0x93: {  	v61 =	vld [tilespmem:$0x150];
	vm1 =	vlt.s32 v4, $0x800;
	v4 =	vadd.s32 v0, v4  }
0x94: {  	v62 =	vld [tilespmem:$0x160];
	v4 =	vnsel vm1, $0x1000, v4;
	vm1 =	vlt.s32 v5, $0x800;
	v5 =	vadd.s32 v0, v5  }
0x95: {  	v63 =	vld [tilespmem:$0x170];
	[tilespmem:$0x80] =	vst v4;
	v4 =	vnsel vm1, $0x1001, v5;
	vm1 =	vlt.s32 v58, $0x800;
	v5 =	vadd.s32 v0, v58  }
0x96: {  	[tilespmem:$0x90] =	vst v4;
	v4 =	vnsel vm1, $0x1002, v5;
	vm1 =	vlt.s32 v59, $0x800;
	v5 =	vadd.s32 v0, v59  }
0x97: {  	[tilespmem:$0xA0] =	vst v4;
	v4 =	vnsel vm1, $0x1003, v5;
	vm1 =	vlt.s32 v60, $0x800;
	v5 =	vadd.s32 v0, v60  }
0x98: {  	[tilespmem:$0xB0] =	vst v4;
	v4 =	vnsel vm1, $0x1004, v5;
	vm1 =	vlt.s32 v61, $0x800;
	v5 =	vadd.s32 v0, v61  }
0x99: {  	[tilespmem:$0xC0] =	vst v4;
	v4 =	vnsel vm1, $0x1005, v5;
	vm1 =	vlt.s32 v62, $0x800;
	v5 =	vadd.s32 v0, v62  }
0x9a: {  	[tilespmem:$0xD0] =	vst v4;
	v4 =	vnsel vm1, $0x1006, v5;
	vm1 =	vlt.s32 v63, $0x800;
	v5 =	vadd.s32 v0, v63  }
0x9b: {  	[tilespmem:$0xE0] =	vst v4;
	v4 =	vnsel vm1, $0x1007, v5  }
0x9c: {  	[tilespmem:$0xF0] =	vst v4  }
0x9d: {  	[tilespmem:s13], [sflag:$0x2] =	stream.linear.gather [hbm4b:s8+s2], $0x8000, $0x38;
	[tilespmem:$0xC180] =	vst v63  }
0x9e: {  	_ =	swait.ge [sflag:s12], $0x8000  }
0x9f: {  	[sflag:s12] =	ssyncset.done $0x0  }
0xa0: {  	[sflag:s12] =	ssyncadd.s32 $0xFFFF8000  }
0xa1: {  	v4 =	vld [tilespmem:$0x80];
	_ =	sdelay $0x4  }
0xa2: {  	v5 =	vshll.u32 v4, $0x1  }
0xa3: {  	v4 =	vand.u32 $0x7, v4;
	v5 =	vand.u32 $0xFFFFFFF0, v5  }
0xa4: {  	v4 =	vor.u32 v4, v5  }
0xa5: {  	v5 =	vperm.xlane v4, v1;
	_ =	sdelay $0x1  }
0xa6: {  	v4 =	vperm.xlane v4, v3;
	v5 =	vadd.s32 v2, v5;
	_ =	sdelay $0x1  }
0xa7: {  	v4 =	vadd.s32 v2, v4;
	_ =	sdelay $0x2  }
0xa8: {  	[hbm4b:s3+s2] =	stream.indirect_vreg.scatter [tilespmem:s13], [sflag:$0x1], $0x80, v5, vm0, $0xb8;
	[tilespmem:$0xC180] =	vst v63  }
0xa9: {  	_ = 	snop  }
0xaa: {  	[hbm4b:s3+s2] =	stream.indirect_vreg.scatter [tilespmem:s14], [sflag:$0x1], $0x80, v4, vm0, $0xb8;
	[tilespmem:$0xC180] =	vst v63  }
0xab: {  	v4 =	vld [tilespmem:$0x90];
	_ =	sdelay $0x4  }
0xac: {  	v5 =	vshll.u32 v4, $0x1  }
0xad: {  	v4 =	vand.u32 $0x7, v4;
	v5 =	vand.u32 $0xFFFFFFF0, v5  }
0xae: {  	v4 =	vor.u32 v4, v5  }
0xaf: {  	v5 =	vperm.xlane v4, v1;
	_ =	sdelay $0x1  }
0xb0: {  	v4 =	vperm.xlane v4, v3;
	v5 =	vadd.s32 v2, v5;
	_ =	sdelay $0x1  }
0xb1: {  	v4 =	vadd.s32 v2, v4;
	_ =	sdelay $0x2  }
0xb2: {  	[hbm4b:s3+s2] =	stream.indirect_vreg.scatter [tilespmem:s15], [sflag:$0x1], $0x80, v5, vm0, $0xb8;
	[tilespmem:$0xC180] =	vst v63  }
0xb3: {  	_ = 	snop  }
0xb4: {  	[hbm4b:s3+s2] =	stream.indirect_vreg.scatter [tilespmem:s16], [sflag:$0x1], $0x80, v4, vm0, $0xb8;
	[tilespmem:$0xC180] =	vst v63  }
0xb5: {  	v4 =	vld [tilespmem:$0xA0];
	_ =	sdelay $0x4  }
0xb6: {  	v5 =	vshll.u32 v4, $0x1  }
0xb7: {  	v4 =	vand.u32 $0x7, v4;
	v5 =	vand.u32 $0xFFFFFFF0, v5  }
0xb8: {  	v4 =	vor.u32 v4, v5  }
0xb9: {  	v5 =	vperm.xlane v4, v1;
	_ =	sdelay $0x1  }
0xba: {  	v4 =	vperm.xlane v4, v3;
	v5 =	vadd.s32 v2, v5;
	_ =	sdelay $0x1  }
0xbb: {  	v4 =	vadd.s32 v2, v4;
	_ =	sdelay $0x2  }
0xbc: {  	[hbm4b:s3+s2] =	stream.indirect_vreg.scatter [tilespmem:s17], [sflag:$0x1], $0x80, v5, vm0, $0xb8;
	[tilespmem:$0xC180] =	vst v63  }
0xbd: {  	_ = 	snop  }
0xbe: {  	[hbm4b:s3+s2] =	stream.indirect_vreg.scatter [tilespmem:s18], [sflag:$0x1], $0x80, v4, vm0, $0xb8;
	[tilespmem:$0xC180] =	vst v63  }
0xbf: {  	v4 =	vld [tilespmem:$0xB0];
	_ =	sdelay $0x4  }
0xc0: {  	v5 =	vshll.u32 v4, $0x1  }
0xc1: {  	v4 =	vand.u32 $0x7, v4;
	v5 =	vand.u32 $0xFFFFFFF0, v5  }
0xc2: {  	v4 =	vor.u32 v4, v5  }
0xc3: {  	v5 =	vperm.xlane v4, v1;
	_ =	sdelay $0x1  }
0xc4: {  	v4 =	vperm.xlane v4, v3;
	v5 =	vadd.s32 v2, v5;
	_ =	sdelay $0x1  }
0xc5: {  	v4 =	vadd.s32 v2, v4;
	_ =	sdelay $0x2  }
0xc6: {  	[hbm4b:s3+s2] =	stream.indirect_vreg.scatter [tilespmem:s19], [sflag:$0x1], $0x80, v5, vm0, $0xb8;
	[tilespmem:$0xC180] =	vst v63  }
0xc7: {  	_ = 	snop  }
0xc8: {  	[hbm4b:s3+s2] =	stream.indirect_vreg.scatter [tilespmem:s20], [sflag:$0x1], $0x80, v4, vm0, $0xb8;
	[tilespmem:$0xC180] =	vst v63  }
0xc9: {  	v4 =	vld [tilespmem:$0xC0];
	_ =	sdelay $0x4  }
0xca: {  	v5 =	vshll.u32 v4, $0x1  }
0xcb: {  	v4 =	vand.u32 $0x7, v4;
	v5 =	vand.u32 $0xFFFFFFF0, v5  }
0xcc: {  	v4 =	vor.u32 v4, v5  }
0xcd: {  	v5 =	vperm.xlane v4, v1;
	_ =	sdelay $0x1  }
0xce: {  	v4 =	vperm.xlane v4, v3;
	v5 =	vadd.s32 v2, v5;
	_ =	sdelay $0x1  }
0xcf: {  	v4 =	vadd.s32 v2, v4;
	_ =	sdelay $0x2  }
0xd0: {  	[hbm4b:s3+s2] =	stream.indirect_vreg.scatter [tilespmem:s21], [sflag:$0x1], $0x80, v5, vm0, $0xb8;
	[tilespmem:$0xC180] =	vst v63  }
0xd1: {  	_ = 	snop  }
0xd2: {  	[hbm4b:s3+s2] =	stream.indirect_vreg.scatter [tilespmem:s22], [sflag:$0x1], $0x80, v4, vm0, $0xb8;
	[tilespmem:$0xC180] =	vst v63  }
0xd3: {  	v4 =	vld [tilespmem:$0xD0];
	_ =	sdelay $0x4  }
0xd4: {  	v5 =	vshll.u32 v4, $0x1  }
0xd5: {  	v4 =	vand.u32 $0x7, v4;
	v5 =	vand.u32 $0xFFFFFFF0, v5  }
0xd6: {  	v4 =	vor.u32 v4, v5  }
0xd7: {  	v5 =	vperm.xlane v4, v1;
	_ =	sdelay $0x1  }
0xd8: {  	v4 =	vperm.xlane v4, v3;
	v5 =	vadd.s32 v2, v5;
	_ =	sdelay $0x1  }
0xd9: {  	v4 =	vadd.s32 v2, v4;
	_ =	sdelay $0x2  }
0xda: {  	[hbm4b:s3+s2] =	stream.indirect_vreg.scatter [tilespmem:s23], [sflag:$0x1], $0x80, v5, vm0, $0xb8;
	[tilespmem:$0xC180] =	vst v63  }
0xdb: {  	_ = 	snop  }
0xdc: {  	[hbm4b:s3+s2] =	stream.indirect_vreg.scatter [tilespmem:s24], [sflag:$0x1], $0x80, v4, vm0, $0xb8;
	[tilespmem:$0xC180] =	vst v63  }
0xdd: {  	v4 =	vld [tilespmem:$0xE0];
	_ =	sdelay $0x4  }
0xde: {  	v5 =	vshll.u32 v4, $0x1  }
0xdf: {  	v4 =	vand.u32 $0x7, v4;
	v5 =	vand.u32 $0xFFFFFFF0, v5  }
0xe0: {  	v4 =	vor.u32 v4, v5  }
0xe1: {  	v5 =	vperm.xlane v4, v1;
	_ =	sdelay $0x1  }
0xe2: {  	v4 =	vperm.xlane v4, v3;
	v5 =	vadd.s32 v2, v5;
	_ =	sdelay $0x1  }
0xe3: {  	v4 =	vadd.s32 v2, v4;
	_ =	sdelay $0x2  }
0xe4: {  	[hbm4b:s3+s2] =	stream.indirect_vreg.scatter [tilespmem:s25], [sflag:$0x1], $0x80, v5, vm0, $0xb8;
	[tilespmem:$0xC180] =	vst v63  }
0xe5: {  	_ = 	snop  }
0xe6: {  	[hbm4b:s3+s2] =	stream.indirect_vreg.scatter [tilespmem:s26], [sflag:$0x1], $0x80, v4, vm0, $0xb8;
	[tilespmem:$0xC180] =	vst v63  }
0xe7: {  	v4 =	vld [tilespmem:$0xF0];
	_ =	sdelay $0x4  }
0xe8: {  	v5 =	vshll.u32 v4, $0x1  }
0xe9: {  	v4 =	vand.u32 $0x7, v4;
	v5 =	vand.u32 $0xFFFFFFF0, v5  }
0xea: {  	v4 =	vor.u32 v4, v5  }
0xeb: {  	v5 =	vperm.xlane v4, v1;
	_ =	sdelay $0x1  }
0xec: {  	v4 =	vperm.xlane v4, v3;
	v5 =	vadd.s32 v2, v5;
	_ =	sdelay $0x1  }
0xed: {  	v4 =	vadd.s32 v2, v4;
	_ =	sdelay $0x2  }
0xee: {  	[hbm4b:s3+s2] =	stream.indirect_vreg.scatter [tilespmem:s28], [sflag:$0x1], $0x80, v5, vm0, $0xb8;
	[tilespmem:$0xC180] =	vst v63  }
0xef: {  	_ = 	snop  }
0xf0: {  	[hbm4b:s3+s2] =	stream.indirect_vreg.scatter [tilespmem:s29], [sflag:$0x1], $0x80, v4, vm0, $0xb8;
	[tilespmem:$0xC180] =	vst v63  }
0xf1: {  	_ =	swait.ge [sflag:s30], $0x8000  }
0xf2: {  	[sflag:s30] =	ssyncset.done $0x0  }
0xf3: {  	[sflag:s30] =	ssyncadd.s32 $0xFFFF8000  }
0xf4: {  	[tilespmem:s31], [sflag:$0x2] =	stream.linear.gather [hbm4b:s9+s2], $0x4000, $0x38;
	[tilespmem:$0xC180] =	vst v63  }
0xf5: {  	_ =	swait.ge [sflag:s12], $0x4000  }
0xf6: {  	p0 =	sne.s32 s10, $0x1;
	[sflag:s12] =	ssyncset.done $0x0  }
.Ltmp0:
0xf7: {  	[sflag:s12] =	ssyncadd.s32 $0xFFFFC000;
	(pc) =	sbr.rel @p0 .LBB2_1-.Ltmp0, $4  }
0xf8: {  	[hbm4b:s4+s0] =	stream.indirect.scatter [tilespmem:s31], [sflag:$0x1], $0x80, s0, s0, $0xb8;
	[tilespmem:$0xC180] =	vst v63  }
0xf9: {  	_ =	swait.ge [sflag:s30], $0x4000  }
0xfa: {  	[sflag:s30] =	ssyncset.done $0x0  }
0xfb: {  	s10 =	sadd.s32 $0xFFFFFFFF, s10;
	[sflag:s30] =	ssyncadd.s32 $0xFFFFC000  }
0xfc: {  	_ =	sfence.sel $0x180000  }
0xfd: {  	[bflag:$0x0] =	sbarrier.arrive $0xFFFF  }
0xfe: {  	_ =	strace $0x9000004A  }
0xff: {  	s0 =	stileid.u32;
	[bflag:$0x2] =	sbarrier.arrive $0xFFFF  }
0x100: {  	p0 =	sne.s32 s0, $0x0;
	s0 =	rddreg [dreg:$0x4]  }
0x101: {  	s0 =	sadd.s32 @!p0 $0x100000, s0  }
0x102: {  	[sflag:s0] =	ssyncadd.tile.s32 @!p0 $0x1;
	_ =	shalt  }
.Lfunc_end2:
_tile_overlayer_lowered:
.L_overlay_start_2:
0x103: {  	(tag) =	ssettag $0x2  }
0x104: {  	s0 =	rddreg [dreg:$0x0];
	s2 =	stileid.u32  }
0x105: {  	s1 =	rddreg [dreg:$0x1];
	p0 =	sne.s32 s2, $0x0  }
0x106: {  	s3 =	rddreg [dreg:$0x2];
	[bflag:$0x3] =	sbarrier.arrive $0xFFFF;
	s2 =	simm.s32 @!p0 $0x1C02  }
0x107: {  	[timem:s3], [sflag:s2] =	dma.local @!p0 [hbm:s0], s1  }
0x108: {  	s0 =	simm.s32 @!p0 $0x2  }
0x109: {  	_ =	swait.ge @!p0 [sflag:s0], s1  }
0x10a: {  	s1 =	ssub.s32 @!p0 $0x0, s1;
	[sflag:s0] =	ssyncset.done @!p0 $0x0  }
0x10b: {  	[sflag:s0] =	ssyncadd.s32 @!p0 s1  }
0x10c: {  	[bflag:$0x3] =	sbarrier.arrive $0xFFFF  }
0x10d: {  	_ =	shalt  }

// kernel: kernel.8.cloned.1.call-start
scs
__scs_entry_jumppad:
0x0: {  	(pc) =	sbr.rel $0x88, $3  }
0x1: {  	(tag) =	ssettag $0x0;
	lr =	simm.s32 $0x1  }
0x2: {  	[smem:$0x3F9F] =	sst lr;
	_ =	strace $0xD0000000  }
0x3: {  	_ = 	snop  }
0x4: {  	_ = 	snop  }
0x5: {  	_ = 	snop  }
0x6: {  	_ = 	snop  }
0x7: {  	_ = 	snop  }
__scs_overlays_trampoline_lowered:
0x8: {  	[smem:$0x3FAE] =	sst s0  }
0x9: {  	[smem:$0x3FAF] =	sst s1  }
0xa: {  	[smem:$0x3FB0] =	sst s2  }
0xb: {  	[smem:$0x3FB1] =	sst s3  }
0xc: {  	[smem:$0x3FB2] =	sst s4  }
0xd: {  	[smem:$0x3FB3] =	sst s5  }
0xe: {  	[smem:$0x3FB4] =	sst s6  }
0xf: {  	[smem:$0x3FB5] =	sst s7  }
0x10: {  	[smem:$0x3FB6] =	sst s8  }
0x11: {  	[smem:$0x3FB7] =	sst s9;
	s0 =	simm.s32 @!p0 $0x0  }
0x12: {  	s1 =	sld [smem:$0x3F9D];
	s0 =	simm.s32 @p0 $0x1  }
0x13: {  	[smem:$0x3FB8] =	sst s0;
	s0 =	simm.s32 @!p1 $0x0  }
0x14: {  	s2 =	sld [smem:$0x3F9C];
	s0 =	simm.s32 @p1 $0x1  }
0x15: {  	[smem:$0x3FB9] =	sst s0;
	s0 =	simm.s32 @!p2 $0x0  }
0x16: {  	s3 =	sld [smem:$0x3FDB];
	s0 =	simm.s32 @p2 $0x1  }
0x17: {  	s4 =	simm.s32 $0x1BF5;
	[smem:$0x3FBB] =	sst s0  }
0x18: {  	s0 =	sld [smem:$0x3F9E];
	_ =	swait.ge [sflag:s4], $0x0  }
0x19: {  	s7 =	sld [smem:$0x3F9F]  }
0x1a: {  	s8 =	sadd.s32 $0xFFFFE003, lr  }
0x1b: {  	s9 =	sadd.s32 $0xFFFFFEF7, lr;
	s5 =	simm.s32 $0xFFFFFFFF;
	p2 =	slt.u32 s8, $0xFFFFF086  }
0x1c: {  	p1 =	slt.u32 s9, $0xF7A;
	s5 =	simm.s32 @!p2 $0x0  }
0x1d: {  	s5 =	simm.s32 @p1 $0x1;
	p0 =	seq.s32 s7, s2  }
0x1e: {  	s7 =	smul.u32 @!p0 $0xF7A, s2;
	p2 =	seq.s32 @!p0 s5, $0x0  }
0x1f: {  	s9 =	smul.u32 $0xF7A, s1;
	s8 =	simm.s32 @!p0 $0x1BF5;
	p2 =	por !p2, p0  }
0x20: {  	[sflag:s8] =	ssyncset.s32 @!p0 $0xFFFFF086;
	s6 =	sadd.s32 @!p0 s3, s7;
	s7 =	simm.s32 @!p0 $0x108  }
0x21: {  	s3 =	sadd.s32 s3, s9;
	s6 =	sadd.s32 @!p0 $0x88, s6;
	s7 =	simm.s32 @p2 $0x1082  }
0x22: {  	[simem:s7], [sflag:s8] =	dma.local @!p0 [hbm:s6], $0xF7A  }
0x23: {  	s9 =	sor.u32 $0xD0000000, s2;
	s6 =	simm.s32 $0x108;
	_ =	swait.ge @!p0 [sflag:s8], $0x0  }
0x24: {  	s3 =	sadd.s32 $0x88, s3;
	s6 =	simm.s32 @!p1 $0x1082;
	[sflag:s4] =	ssyncset.s32 $0xFFFFF086  }
0x25: {  	[simem:s6], [sflag:s4] =	dma.local [hbm:s3], $0xF7A  }
0x26: {  	[smem:$0x3F9F] =	sst s1;
	(tag) =	ssettag s2;
	_ =	strace s9  }
0x27: {  	s1 =	sld [smem:$0x3FAF]  }
0x28: {  	s2 =	sld [smem:$0x3FB0]  }
0x29: {  	s4 =	sld [smem:$0x3FB2]  }
0x2a: {  	p0 =	seq.s32 s5, $0x0;
	s5 =	sld [smem:$0x3FB3]  }
0x2b: {  	s6 =	sld [smem:$0x3FB4]  }
0x2c: {  	s7 =	sld [smem:$0x3FB5]  }
0x2d: {  	s3 =	simm.s32 $0x108;
	s8 =	sld [smem:$0x3FB6]  }
0x2e: {  	s3 =	simm.s32 @!p0 $0x1082;
	s9 =	sld [smem:$0x3FB7]  }
0x2f: {  	lr =	sadd.s32 s0, s3;
	s0 =	sld [smem:$0x3FAE]  }
0x30: {  	s3 =	sld [smem:$0x3FB1]  }
0x31: {  	[smem:$0x3FBA] =	sst s10  }
0x32: {  	s10 =	sld [smem:$0x3FB8];
	_ =	sdelay $0x3  }
0x33: {  	p0 =	seq.s32 s10, $0x1;
	s10 =	sld [smem:$0x3FBA];
	_ =	sdelay $0x3  }
0x34: {  	[smem:$0x3FBA] =	sst s10  }
0x35: {  	s10 =	sld [smem:$0x3FB9];
	_ =	sdelay $0x3  }
0x36: {  	p1 =	seq.s32 s10, $0x1;
	s10 =	sld [smem:$0x3FBA];
	_ =	sdelay $0x3  }
0x37: {  	[smem:$0x3FBA] =	sst s10  }
0x38: {  	s10 =	sld [smem:$0x3FBB]  }
0x39: {  	_ = 	snop;
	(pc) =	sbr.ind lr, $3  }
0x3a: {  	_ = 	snop  }
0x3b: {  	_ = 	snop  }
0x3c: {  	p2 =	seq.s32 s10, $0x1;
	s10 =	sld [smem:$0x3FBA]  }
0x3d: {  	_ =	shalt  }
0x3e: {  	_ =	shalt  }
0x3f: {  	_ =	shalt  }
0x40: {  	_ =	shalt  }
0x41: {  	_ =	shalt  }
0x42: {  	_ =	shalt  }
0x43: {  	_ =	shalt  }
0x44: {  	_ =	shalt  }
0x45: {  	_ =	shalt  }
0x46: {  	_ =	shalt  }
0x47: {  	_ =	shalt  }
0x48: {  	_ =	shalt  }
0x49: {  	_ =	shalt  }
0x4a: {  	_ =	shalt  }
0x4b: {  	_ =	shalt  }
0x4c: {  	_ =	shalt  }
0x4d: {  	_ =	shalt  }
0x4e: {  	_ =	shalt  }
0x4f: {  	_ =	shalt  }
0x50: {  	_ =	shalt  }
0x51: {  	_ =	shalt  }
0x52: {  	_ =	shalt  }
0x53: {  	_ =	shalt  }
0x54: {  	_ =	shalt  }
0x55: {  	_ =	shalt  }
0x56: {  	_ =	shalt  }
0x57: {  	_ =	shalt  }
0x58: {  	_ =	shalt  }
0x59: {  	_ =	shalt  }
0x5a: {  	_ =	shalt  }
0x5b: {  	_ =	shalt  }
0x5c: {  	_ =	shalt  }
0x5d: {  	_ =	shalt  }
0x5e: {  	_ =	shalt  }
0x5f: {  	_ =	shalt  }
0x60: {  	_ =	shalt  }
0x61: {  	_ =	shalt  }
0x62: {  	_ =	shalt  }
0x63: {  	_ =	shalt  }
0x64: {  	_ =	shalt  }
0x65: {  	_ =	shalt  }
0x66: {  	_ =	shalt  }
0x67: {  	_ =	shalt  }
0x68: {  	_ =	shalt  }
0x69: {  	_ =	shalt  }
0x6a: {  	_ =	shalt  }
0x6b: {  	_ =	shalt  }
0x6c: {  	_ =	shalt  }
0x6d: {  	_ =	shalt  }
0x6e: {  	_ =	shalt  }
0x6f: {  	_ =	shalt  }
0x70: {  	_ =	shalt  }
0x71: {  	_ =	shalt  }
0x72: {  	_ =	shalt  }
0x73: {  	_ =	shalt  }
0x74: {  	_ =	shalt  }
0x75: {  	_ =	shalt  }
0x76: {  	_ =	shalt  }
0x77: {  	_ =	shalt  }
0x78: {  	_ =	shalt  }
0x79: {  	_ =	shalt  }
0x7a: {  	_ =	shalt  }
0x7b: {  	_ =	shalt  }
0x7c: {  	_ =	shalt  }
0x7d: {  	_ =	shalt  }
0x7e: {  	_ =	shalt  }
0x7f: {  	_ =	shalt  }
0x80: {  	_ =	shalt  }
0x81: {  	_ =	shalt  }
0x82: {  	_ =	shalt  }
0x83: {  	_ =	shalt  }
0x84: {  	_ =	shalt  }
0x85: {  	_ =	shalt  }
0x86: {  	_ =	shalt  }
0x87: {  	_ =	shalt  }
.Lfunc_end0:
.L_simem_size_0:
called_computation_lowered:
.L_overlay_start_0:
0x88: {  	s2 =	sld [smem:$0x3FD9]  }
0x89: {  	s3 =	sld [smem:$0x3FFE];
	_ =	sdelay $0x1  }
0x8a: {  	s1 =	srdreg.scid  }
0x8b: {  	s0 =	sand.u32 $0x1, s1  }
0x8c: {  	s17 =	sshll.u32 s0, $0xA;
	s2 =	sadd.s32 s3, s2  }
0x8d: {  	s2 =	sadd.s32 s2, s17  }
0x8e: {  	[smem:$0x3FC6] =	sst s2  }
0x8f: {  	_ = 	snop  }
0x90: {  	s2 =	sld [smem:$0x3FC9];
	(tm) =	ssettm $0x1  }
0x91: {  	s18 =	sld [smem:$0x3FFB];
	_ =	sdelay $0x3  }
0x92: {  	_ =	strace s18  }
0x93: {  	s3 =	sld [smem:$0x3FFC];
	_ =	sdelay $0x3  }
0x94: {  	_ =	strace s3  }
0x95: {  	s3 =	sld [smem:$0x3FFD];
	_ =	sdelay $0x3  }
0x96: {  	_ =	strace s3  }
0x97: {  	_ =	strace $0x8FFFFFFF  }
0x98: {  	s19 =	sld [smem:$0x3FDB];
	_ =	sdelay $0x1  }
0x99: {  	s4 =	simm.s32 $_scs_section_size  }
0x9a: {  	s5 =	simm.s32 $_size__tile_overlayer_lowered;
	s6 =	simm.s32 $_tile_overlayer_lowered  }
0x9b: {  	s22 =	simm.s32 $0x1BFF;
	s21 =	sshll.u32 s6, $0x1;
	s3 =	sadd.s32 s4, s19  }
0x9c: {  	s7 =	simm.s32 $0x0;
	s20 =	sshll.u32 s5, $0x1;
	s5 =	sadd.s32 s21, s3  }
0x9d: {  	[timem:s7], [sflag:s22] =	dma.local [hbm:s5], s20  }
0x9e: {  	_ =	swait.ge [sflag:s22], s20  }
0x9f: {  	s4 =	ssub.s32 $0x0, s20;
	[sflag:s22] =	ssyncset.done $0x0  }
0xa0: {  	[sflag:s22] =	ssyncadd.s32 s4;
	_ =	sdelay $0x1  }
0xa1: {  	s23 =	simm.s32 $0x1B8B  }
0xa2: {  	_ =	swait.ge [sflag:s23], $0x1  }
0xa3: {  	[sflag:s23] =	ssyncset.done $0x0  }
0xa4: {  	s25 =	simm.s32 $0x1B8E;
	s24 =	sld [smem:$0x3FFE];
	[sflag:s23] =	ssyncadd.s32 $0xFFFFFFFF  }
0xa5: {  	s26 =	simm.s32 $execute0_lowered;
	[smem:$0x3FD2] =	sst s25  }
0xa6: {  	s5 =	sshll.u32 s26, $0x1;
	_ =	strace $0x80000046;
	[dreg:$0x1] =	wrdreg $0xFFFFFFFF  }
0xa7: {  	s28 =	simm.s32 $_size_execute0_lowered;
	s3 =	sadd.s32 s3, s5;
	[dreg:$0x0] =	wrdreg $0x0  }
0xa8: {  	s5 =	sshll.u32 s28, $0x1;
	[dreg:$0x2] =	wrdreg s3  }
0xa9: {  	[dreg:$0x3] =	wrdreg s5  }
0xaa: {  	[dreg:$0x4] =	wrdreg $0xC0  }
0xab: {  	_ =	task [dreg:s7], $0x5FFFF  }
0xac: {  	[dreg:$0x1] =	wrdreg $0xFFFFFFFF  }
0xad: {  	[dreg:$0x0] =	wrdreg $0x60  }
0xae: {  	[dreg:$0x2] =	wrdreg s2  }
0xaf: {  	[dreg:$0x3] =	wrdreg s24  }
0xb0: {  	[dreg:$0x4] =	wrdreg $0x9  }
0xb1: {  	_ =	task.clear_ibuf [dreg:s7], $0x5FFFF;
	_ =	strace $0x90000046  }
0xb2: {  	s29 =	simm.s32 $0x9;
	_ =	strace $0x80000048  }
0xb3: {  	_ =	swait.ge [sflag:s29], $0x1  }
0xb4: {  	[sflag:s29] =	ssyncadd.s32 $0xFFFFFFFF  }
0xb5: {  	_ =	strace $0x90000048  }
0xb6: {  	_ =	sfence  }
0xb7: {  	s30 =	sld [smem:$0x0];
	_ =	sdelay $0x2  }
0xb8: {  	s31 =	sshll.u32 s1, $0xD;
	s1 =	sshrl.u32 s1, $0x2  }
0xb9: {  	s3 =	sand.u32 $0x4000, s31;
	s1 =	sadd.s32 s1, s30  }
0xba: {  	s0 =	sor.u32 s3, s0;
	s1 =	sshll.u32 s1, $0x11  }
0xbb: {  	s0 =	sor.u32 s1, s0  }
0xbc: {  	s0 =	sadd.s32 $0x8F2B, s0  }
0xbd: {  	[sflag:s0] =	ssyncadd.remote.s32 $0x1  }
0xbe: {  	_ =	sfence.sel $0xFFFF  }
0xbf: {  	[dreg:$0x0] =	wrdreg $0xFFFFFFFF;
	(pc) =	sbr.abs _section_cstart, $3  }
0xc0: {  	[dreg:$0x1] =	wrdreg $0xFFFFFFFF  }
0xc1: {  	_ =	task.clear_ibuf [dreg:s7], $0x2FFFF;
	_ =	strace $0x9FFFFFFF  }
0xc2: {  	(tm) =	ssettm $0x7FFFFFFF  }
0xc3: {  	_ =	shalt  }
tec
execute0_lowered:
.L_overlay_start_1:
0x0: {  	(tag) =	ssettag $0x1  }
0x1: {  	s1 =	rddreg [dreg:$0x0]  }
0x2: {  	s0 =	rddreg [dreg:$0x1];
	s2 =	simm.s32 $0x0  }
0x3: {  	s3 =	srdreg.scid;
	s9 =	stileid.u32;
	s11 =	simm.s32 $0x4  }
0x4: {  	s12 =	simm.s32 $0x100;
	s29 =	simm.s32 $0x80;
	s30 =	simm.s32 $0x8100  }
0x5: {  	s31 =	simm.s32 $0x8900;
	s13 =	simm.s32 $0xC100;
	s14 =	simm.s32 $0xC900  }
0x6: {  	s15 =	simm.s32 $0xD100;
	s16 =	simm.s32 $0xD900;
	s17 =	simm.s32 $0xE100  }
0x7: {  	s18 =	simm.s32 $0xE900;
	s19 =	simm.s32 $0xF100;
	s20 =	simm.s32 $0xF900  }
0x8: {  	s21 =	simm.s32 $0x1;
	s22 =	simm.s32 $0x3;
	s23 =	simm.s32 $0x2  }
0x9: {  	s24 =	simm.s32 $0x0;
	[smem:$0x7FF] =	sst s2;
	s3 =	sand.u32 $0x1, s3  }
0xa: {  	s7 =	sshll.u32 s9, $0xB;
	s4 =	sadd.s32 $0xA00, s0;
	s0 =	sadd.s32 $0x8A00, s0  }
0xb: {  	s26 =	sshll.u32 s9, $0x13;
	_ =	strace $0x80000047;
	s5 =	ssub.s32 $0x2, s3  }
0xc: {  	s8 =	sshll.u32 s3, $0xA;
	s3 =	sshll.u32 s3, $0x12;
	s6 =	sshrl.u32 s5, $0x1  }
0xd: {  	s9 =	sadd.s32 s26, s0;
	s6 =	ssub.s32 s5, s6;
	s5 =	sor.u32 s8, s7  }
0xe: {  	s7 =	sadd.s32 s7, s4;
	s10 =	sadd.s32 s4, s5;
	s6 =	smax.u32 s6, $0x1  }
0xf: {  	s7 =	sadd.s32 s8, s7;
	s8 =	simm.s32 $0xB100;
	[dreg:$0x3] =	wrdreg s10  }
.Ltmp0:
0x10: {  	[dreg:$0x4] =	wrdreg s6;
	s6 =	sor.u32 s3, s26;
	(pc) =	sbr.rel .LBB2_1-.Ltmp0, $4  }
0x11: {  	s3 =	sadd.s32 s3, s9;
	s28 =	sadd.s32 $0x20, s7;
	s7 =	simm.s32 $0xA900  }
0x12: {  	v2 =	vlaneseq.u32;
	s10 =	simm.s32 $0xB900;
	[dreg:$0x5] =	wrdreg s3;
	s0 =	sadd.s32 s6, s0  }
0x13: {  	vm0 =	vmmov $0xffff;
	v1 =	vshrl.u32 v2, $0x3;
	[dreg:$0x6] =	wrdreg s28;
	s3 =	simm.s32 $0x9900;
	s0 =	sadd.s32 $0x1000, s0  }
0x14: {  	v0 =	vand.u32 $0x7, v2;
	v2 =	vor.u32 $0x8, v2;
	v1 =	vmul.u32 $0x8, v1;
	s6 =	simm.s32 $0xA100;
	[dreg:$0x7] =	wrdreg s0;
	s0 =	simm.s32 $0x9100  }
.LBB2_5:
0x15: {  	s24 =	rddreg [dreg:$0x8]  }
0x16: {  	s9 =	rddreg [dreg:$0x4];
	s24 =	sadd.s32 $0x1, s24  }
0x17: {  	p0 =	sne.s32 s24, s9  }
.Ltmp1:
0x18: {  	_ = 	snop;
	(pc) =	sbr.rel @!p0 .LBB2_6-.Ltmp1, $1  }
0x19: {  	_ =	sdelay $0x3  }
.LBB2_1:
0x1a: {  	[dreg:$0x8] =	wrdreg s24  }
0x1b: {  	s9 =	rddreg [dreg:$0x3]  }
0x1c: {  	[tilespmem:s2], [sflag:$0x4] =	stream.linear.gather [hbm4b:s9+s2], $0x80, $0x38;
	[tilespmem:$0x10100] =	vst v63  }
0x1d: {  	_ =	swait.ge [sflag:s11], $0x80  }
0x1e: {  	[sflag:s11] =	ssyncset.done $0x0  }
0x1f: {  	[sflag:s11] =	ssyncadd.s32 $0xFFFFFF80  }
0x20: {  	v3 =	vld [tilespmem:$0x0];
	_ =	sdelay $0x4  }
0x21: {  	v4 =	vshll.u32 v3, $0x1  }
0x22: {  	v3 =	vand.u32 $0x7, v3;
	v4 =	vand.u32 $0xFFFFFFF0, v4  }
0x23: {  	v3 =	vor.u32 v3, v4  }
0x24: {  	v4 =	vperm.xlane v3, v0;
	_ =	sdelay $0x1  }
0x25: {  	v3 =	vperm.xlane v3, v2;
	v4 =	vadd.s32 v1, v4;
	_ =	sdelay $0x1  }
0x26: {  	v3 =	vadd.s32 v1, v3;
	_ =	sdelay $0x2  }
0x27: {  	[tilespmem:s12], [sflag:$0x1] =	stream.indirect_vreg.gather [hbm4b:s1+s2], $0x80, v4, vm0, $0xb8;
	[tilespmem:$0x10100] =	vst v63  }
0x28: {  	s25 =	simm.s32 $0x900  }
0x29: {  	[tilespmem:s25], [sflag:$0x1] =	stream.indirect_vreg.gather [hbm4b:s1+s2], $0x80, v3, vm0, $0xb8;
	[tilespmem:$0x10100] =	vst v63  }
0x2a: {  	v3 =	vld [tilespmem:$0x10];
	_ =	sdelay $0x4  }
0x2b: {  	v57 =	vshll.u32 v3, $0x1  }
0x2c: {  	v3 =	vand.u32 $0x7, v3;
	v4 =	vand.u32 $0xFFFFFFF0, v57  }
0x2d: {  	v3 =	vor.u32 v3, v4  }
0x2e: {  	v4 =	vperm.xlane v3, v0;
	_ =	sdelay $0x1  }
0x2f: {  	v3 =	vperm.xlane v3, v2;
	v4 =	vadd.s32 v1, v4;
	_ =	sdelay $0x1  }
0x30: {  	v3 =	vadd.s32 v1, v3;
	_ =	sdelay $0x1  }
0x31: {  	s26 =	simm.s32 $0x1100  }
0x32: {  	[tilespmem:s26], [sflag:$0x1] =	stream.indirect_vreg.gather [hbm4b:s1+s2], $0x80, v4, vm0, $0xb8;
	[tilespmem:$0x10100] =	vst v63  }
0x33: {  	s28 =	simm.s32 $0x1900  }
0x34: {  	[tilespmem:s28], [sflag:$0x1] =	stream.indirect_vreg.gather [hbm4b:s1+s2], $0x80, v3, vm0, $0xb8;
	[tilespmem:$0x10100] =	vst v63  }
0x35: {  	v3 =	vld [tilespmem:$0x20];
	_ =	sdelay $0x4  }
0x36: {  	v58 =	vshll.u32 v3, $0x1  }
0x37: {  	v3 =	vand.u32 $0x7, v3;
	v4 =	vand.u32 $0xFFFFFFF0, v58  }
0x38: {  	v3 =	vor.u32 v3, v4  }
0x39: {  	v4 =	vperm.xlane v3, v0;
	_ =	sdelay $0x1  }
0x3a: {  	v3 =	vperm.xlane v3, v2;
	v4 =	vadd.s32 v1, v4;
	_ =	sdelay $0x1  }
0x3b: {  	v3 =	vadd.s32 v1, v3;
	_ =	sdelay $0x1  }
0x3c: {  	s24 =	simm.s32 $0x2100  }
0x3d: {  	[tilespmem:s24], [sflag:$0x1] =	stream.indirect_vreg.gather [hbm4b:s1+s2], $0x80, v4, vm0, $0xb8;
	[tilespmem:$0x10100] =	vst v63  }
0x3e: {  	s25 =	simm.s32 $0x2900  }
0x3f: {  	[tilespmem:s25], [sflag:$0x1] =	stream.indirect_vreg.gather [hbm4b:s1+s2], $0x80, v3, vm0, $0xb8;
	[tilespmem:$0x10100] =	vst v63  }
0x40: {  	v3 =	vld [tilespmem:$0x30];
	_ =	sdelay $0x4  }
0x41: {  	v59 =	vshll.u32 v3, $0x1  }
0x42: {  	v3 =	vand.u32 $0x7, v3;
	v4 =	vand.u32 $0xFFFFFFF0, v59  }
0x43: {  	v3 =	vor.u32 v3, v4  }
0x44: {  	v4 =	vperm.xlane v3, v0;
	_ =	sdelay $0x1  }
0x45: {  	v3 =	vperm.xlane v3, v2;
	v4 =	vadd.s32 v1, v4;
	_ =	sdelay $0x1  }
0x46: {  	v3 =	vadd.s32 v1, v3;
	_ =	sdelay $0x1  }
0x47: {  	s26 =	simm.s32 $0x3100  }
0x48: {  	[tilespmem:s26], [sflag:$0x1] =	stream.indirect_vreg.gather [hbm4b:s1+s2], $0x80, v4, vm0, $0xb8;
	[tilespmem:$0x10100] =	vst v63  }
0x49: {  	s28 =	simm.s32 $0x3900  }
0x4a: {  	[tilespmem:s28], [sflag:$0x1] =	stream.indirect_vreg.gather [hbm4b:s1+s2], $0x80, v3, vm0, $0xb8;
	[tilespmem:$0x10100] =	vst v63  }
0x4b: {  	v3 =	vld [tilespmem:$0x40];
	_ =	sdelay $0x4  }
0x4c: {  	v60 =	vshll.u32 v3, $0x1  }
0x4d: {  	v3 =	vand.u32 $0x7, v3;
	v4 =	vand.u32 $0xFFFFFFF0, v60  }
0x4e: {  	v3 =	vor.u32 v3, v4  }
0x4f: {  	v4 =	vperm.xlane v3, v0;
	_ =	sdelay $0x1  }
0x50: {  	v3 =	vperm.xlane v3, v2;
	v4 =	vadd.s32 v1, v4;
	_ =	sdelay $0x1  }
0x51: {  	v3 =	vadd.s32 v1, v3;
	_ =	sdelay $0x1  }
0x52: {  	s24 =	simm.s32 $0x4100  }
0x53: {  	[tilespmem:s24], [sflag:$0x1] =	stream.indirect_vreg.gather [hbm4b:s1+s2], $0x80, v4, vm0, $0xb8;
	[tilespmem:$0x10100] =	vst v63  }
0x54: {  	s25 =	simm.s32 $0x4900  }
0x55: {  	[tilespmem:s25], [sflag:$0x1] =	stream.indirect_vreg.gather [hbm4b:s1+s2], $0x80, v3, vm0, $0xb8;
	[tilespmem:$0x10100] =	vst v63  }
0x56: {  	v3 =	vld [tilespmem:$0x50];
	_ =	sdelay $0x4  }
0x57: {  	v61 =	vshll.u32 v3, $0x1  }
0x58: {  	v3 =	vand.u32 $0x7, v3;
	v4 =	vand.u32 $0xFFFFFFF0, v61  }
0x59: {  	v3 =	vor.u32 v3, v4  }
0x5a: {  	v4 =	vperm.xlane v3, v0;
	_ =	sdelay $0x1  }
0x5b: {  	v3 =	vperm.xlane v3, v2;
	v4 =	vadd.s32 v1, v4;
	_ =	sdelay $0x1  }
0x5c: {  	v3 =	vadd.s32 v1, v3;
	_ =	sdelay $0x1  }
0x5d: {  	s26 =	simm.s32 $0x5100  }
0x5e: {  	[tilespmem:s26], [sflag:$0x1] =	stream.indirect_vreg.gather [hbm4b:s1+s2], $0x80, v4, vm0, $0xb8;
	[tilespmem:$0x10100] =	vst v63  }
0x5f: {  	s28 =	simm.s32 $0x5900  }
0x60: {  	[tilespmem:s28], [sflag:$0x1] =	stream.indirect_vreg.gather [hbm4b:s1+s2], $0x80, v3, vm0, $0xb8;
	[tilespmem:$0x10100] =	vst v63  }
0x61: {  	v3 =	vld [tilespmem:$0x60];
	_ =	sdelay $0x4  }
0x62: {  	v62 =	vshll.u32 v3, $0x1  }
0x63: {  	v3 =	vand.u32 $0x7, v3;
	v4 =	vand.u32 $0xFFFFFFF0, v62  }
0x64: {  	v3 =	vor.u32 v3, v4  }
0x65: {  	v4 =	vperm.xlane v3, v0;
	_ =	sdelay $0x1  }
0x66: {  	v3 =	vperm.xlane v3, v2;
	v4 =	vadd.s32 v1, v4;
	_ =	sdelay $0x1  }
0x67: {  	v3 =	vadd.s32 v1, v3;
	_ =	sdelay $0x1  }
0x68: {  	s24 =	simm.s32 $0x6100  }
0x69: {  	[tilespmem:s24], [sflag:$0x1] =	stream.indirect_vreg.gather [hbm4b:s1+s2], $0x80, v4, vm0, $0xb8;
	[tilespmem:$0x10100] =	vst v63  }
0x6a: {  	s25 =	simm.s32 $0x6900  }
0x6b: {  	[tilespmem:s25], [sflag:$0x1] =	stream.indirect_vreg.gather [hbm4b:s1+s2], $0x80, v3, vm0, $0xb8;
	[tilespmem:$0x10100] =	vst v63  }
0x6c: {  	v3 =	vld [tilespmem:$0x70];
	_ =	sdelay $0x4  }
0x6d: {  	v63 =	vshll.u32 v3, $0x1  }
0x6e: {  	v3 =	vand.u32 $0x7, v3;
	v4 =	vand.u32 $0xFFFFFFF0, v63  }
0x6f: {  	v3 =	vor.u32 v3, v4  }
0x70: {  	v4 =	vperm.xlane v3, v0;
	_ =	sdelay $0x1  }
0x71: {  	v3 =	vperm.xlane v3, v2;
	v4 =	vadd.s32 v1, v4;
	_ =	sdelay $0x1  }
0x72: {  	v3 =	vadd.s32 v1, v3  }
.Ltmp2:
0x73: {  	_ = 	snop;
	(pc) =	sbr.rel .LBB2_2-.Ltmp2, $4  }
0x74: {  	s26 =	simm.s32 $0x7100;
	s24 =	rddreg [dreg:$0x7]  }
0x75: {  	[tilespmem:s26], [sflag:$0x1] =	stream.indirect_vreg.gather [hbm4b:s1+s2], $0x80, v4, vm0, $0xb8;
	[tilespmem:$0x10100] =	vst v63  }
0x76: {  	s28 =	simm.s32 $0x7900;
	s25 =	rddreg [dreg:$0x5];
	s26 =	simm.s32 $0x0  }
0x77: {  	[tilespmem:s28], [sflag:$0x1] =	stream.indirect_vreg.gather [hbm4b:s1+s2], $0x80, v3, vm0, $0xb8;
	[tilespmem:$0x10100] =	vst v63  }
.LBB2_4:
0x78: {  	_ =	swait.ge [sflag:s23], $0x8000;
	s26 =	sadd.s32 $0x20, s26  }
0x79: {  	[sflag:s23] =	ssyncset.done $0x0;
	p0 =	sne.s32 s26, $0x400  }
.Ltmp3:
0x7a: {  	[sflag:s23] =	ssyncadd.s32 $0xFFFF8000;
	(pc) =	sbr.rel @!p0 .LBB2_5-.Ltmp3, $4  }
0x7b: {  	[hbm4b:s24+s2] =	stream.linear.scatter [tilespmem:s30], [sflag:$0x3], $0x8000, $0x38;
	[tilespmem:$0x10100] =	vst v63  }
0x7c: {  	_ =	swait.ge [sflag:s22], $0x8000  }
0x7d: {  	[sflag:s22] =	ssyncset.done $0x0  }
0x7e: {  	s25 =	sadd.s32 $0x2000, s25;
	s24 =	sadd.s32 $0x2000, s24;
	[sflag:s22] =	ssyncadd.s32 $0xFFFF8000  }
.LBB2_2:
0x7f: {  	s28 =	sadd.s32 s26, s5  }
0x80: {  	s9 =	sand.u32 $0x7F80, s28;
	s28 =	sadd.s32 $0x10, s28  }
0x81: {  	s28 =	sand.u32 $0x70, s28;
	s9 =	sadd.s32 s4, s9  }
0x82: {  	s9 =	sadd.s32 s28, s9  }
0x83: {  	[tilespmem:s29], [sflag:$0x4] =	stream.linear.gather [hbm4b:s9+s2], $0x80, $0x38;
	[tilespmem:$0x10100] =	vst v63  }
0x84: {  	_ =	swait.ge [sflag:s11], $0x80  }
0x85: {  	[sflag:s11] =	ssyncset.done $0x0  }
0x86: {  	[sflag:s11] =	ssyncadd.s32 $0xFFFFFF80  }
0x87: {  	v3 =	vld [tilespmem:$0x80];
	_ =	sdelay $0x4  }
0x88: {  	v4 =	vshll.u32 v3, $0x1  }
0x89: {  	v3 =	vand.u32 $0x7, v3;
	v4 =	vand.u32 $0xFFFFFFF0, v4  }
0x8a: {  	v3 =	vor.u32 v3, v4  }
0x8b: {  	v4 =	vperm.xlane v3, v0;
	_ =	sdelay $0x1  }
0x8c: {  	v3 =	vperm.xlane v3, v2;
	v4 =	vadd.s32 v1, v4;
	_ =	sdelay $0x1  }
0x8d: {  	v3 =	vadd.s32 v1, v3;
	_ =	sdelay $0x2  }
0x8e: {  	[tilespmem:s30], [sflag:$0x2] =	stream.indirect_vreg.gather [hbm4b:s1+s2], $0x80, v4, vm0, $0xb8;
	[tilespmem:$0x10100] =	vst v63  }
0x8f: {  	_ = 	snop  }
0x90: {  	[tilespmem:s31], [sflag:$0x2] =	stream.indirect_vreg.gather [hbm4b:s1+s2], $0x80, v3, vm0, $0xb8;
	[tilespmem:$0x10100] =	vst v63  }
0x91: {  	v3 =	vld [tilespmem:$0x90];
	_ =	sdelay $0x4  }
0x92: {  	v57 =	vshll.u32 v3, $0x1  }
0x93: {  	v3 =	vand.u32 $0x7, v3;
	v4 =	vand.u32 $0xFFFFFFF0, v57  }
0x94: {  	v3 =	vor.u32 v3, v4  }
0x95: {  	v4 =	vperm.xlane v3, v0;
	_ =	sdelay $0x1  }
0x96: {  	v3 =	vperm.xlane v3, v2;
	v4 =	vadd.s32 v1, v4;
	_ =	sdelay $0x1  }
0x97: {  	v3 =	vadd.s32 v1, v3;
	_ =	sdelay $0x2  }
0x98: {  	[tilespmem:s0], [sflag:$0x2] =	stream.indirect_vreg.gather [hbm4b:s1+s2], $0x80, v4, vm0, $0xb8;
	[tilespmem:$0x10100] =	vst v63  }
0x99: {  	_ = 	snop  }
0x9a: {  	[tilespmem:s3], [sflag:$0x2] =	stream.indirect_vreg.gather [hbm4b:s1+s2], $0x80, v3, vm0, $0xb8;
	[tilespmem:$0x10100] =	vst v63  }
0x9b: {  	v3 =	vld [tilespmem:$0xA0];
	_ =	sdelay $0x4  }
0x9c: {  	v58 =	vshll.u32 v3, $0x1  }
0x9d: {  	v3 =	vand.u32 $0x7, v3;
	v4 =	vand.u32 $0xFFFFFFF0, v58  }
0x9e: {  	v3 =	vor.u32 v3, v4  }
0x9f: {  	v4 =	vperm.xlane v3, v0;
	_ =	sdelay $0x1  }
0xa0: {  	v3 =	vperm.xlane v3, v2;
	v4 =	vadd.s32 v1, v4;
	_ =	sdelay $0x1  }
0xa1: {  	v3 =	vadd.s32 v1, v3;
	_ =	sdelay $0x2  }
0xa2: {  	[tilespmem:s6], [sflag:$0x2] =	stream.indirect_vreg.gather [hbm4b:s1+s2], $0x80, v4, vm0, $0xb8;
	[tilespmem:$0x10100] =	vst v63  }
0xa3: {  	_ = 	snop  }
0xa4: {  	[tilespmem:s7], [sflag:$0x2] =	stream.indirect_vreg.gather [hbm4b:s1+s2], $0x80, v3, vm0, $0xb8;
	[tilespmem:$0x10100] =	vst v63  }
0xa5: {  	v3 =	vld [tilespmem:$0xB0];
	_ =	sdelay $0x4  }
0xa6: {  	v59 =	vshll.u32 v3, $0x1  }
0xa7: {  	v3 =	vand.u32 $0x7, v3;
	v4 =	vand.u32 $0xFFFFFFF0, v59  }
0xa8: {  	v3 =	vor.u32 v3, v4  }
0xa9: {  	v4 =	vperm.xlane v3, v0;
	_ =	sdelay $0x1  }
0xaa: {  	v3 =	vperm.xlane v3, v2;
	v4 =	vadd.s32 v1, v4;
	_ =	sdelay $0x1  }
0xab: {  	v3 =	vadd.s32 v1, v3;
	_ =	sdelay $0x2  }
0xac: {  	[tilespmem:s8], [sflag:$0x2] =	stream.indirect_vreg.gather [hbm4b:s1+s2], $0x80, v4, vm0, $0xb8;
	[tilespmem:$0x10100] =	vst v63  }
0xad: {  	_ = 	snop  }
0xae: {  	[tilespmem:s10], [sflag:$0x2] =	stream.indirect_vreg.gather [hbm4b:s1+s2], $0x80, v3, vm0, $0xb8;
	[tilespmem:$0x10100] =	vst v63  }
0xaf: {  	v3 =	vld [tilespmem:$0xC0];
	_ =	sdelay $0x4  }
0xb0: {  	v60 =	vshll.u32 v3, $0x1  }
0xb1: {  	v3 =	vand.u32 $0x7, v3;
	v4 =	vand.u32 $0xFFFFFFF0, v60  }
0xb2: {  	v3 =	vor.u32 v3, v4  }
0xb3: {  	v4 =	vperm.xlane v3, v0;
	_ =	sdelay $0x1  }
0xb4: {  	v3 =	vperm.xlane v3, v2;
	v4 =	vadd.s32 v1, v4;
	_ =	sdelay $0x1  }
0xb5: {  	v3 =	vadd.s32 v1, v3;
	_ =	sdelay $0x2  }
0xb6: {  	[tilespmem:s13], [sflag:$0x2] =	stream.indirect_vreg.gather [hbm4b:s1+s2], $0x80, v4, vm0, $0xb8;
	[tilespmem:$0x10100] =	vst v63  }
0xb7: {  	_ = 	snop  }
0xb8: {  	[tilespmem:s14], [sflag:$0x2] =	stream.indirect_vreg.gather [hbm4b:s1+s2], $0x80, v3, vm0, $0xb8;
	[tilespmem:$0x10100] =	vst v63  }
0xb9: {  	v3 =	vld [tilespmem:$0xD0];
	_ =	sdelay $0x4  }
0xba: {  	v61 =	vshll.u32 v3, $0x1  }
0xbb: {  	v3 =	vand.u32 $0x7, v3;
	v4 =	vand.u32 $0xFFFFFFF0, v61  }
0xbc: {  	v3 =	vor.u32 v3, v4  }
0xbd: {  	v4 =	vperm.xlane v3, v0;
	_ =	sdelay $0x1  }
0xbe: {  	v3 =	vperm.xlane v3, v2;
	v4 =	vadd.s32 v1, v4;
	_ =	sdelay $0x1  }
0xbf: {  	v3 =	vadd.s32 v1, v3;
	_ =	sdelay $0x2  }
0xc0: {  	[tilespmem:s15], [sflag:$0x2] =	stream.indirect_vreg.gather [hbm4b:s1+s2], $0x80, v4, vm0, $0xb8;
	[tilespmem:$0x10100] =	vst v63  }
0xc1: {  	_ = 	snop  }
0xc2: {  	[tilespmem:s16], [sflag:$0x2] =	stream.indirect_vreg.gather [hbm4b:s1+s2], $0x80, v3, vm0, $0xb8;
	[tilespmem:$0x10100] =	vst v63  }
0xc3: {  	v3 =	vld [tilespmem:$0xE0];
	_ =	sdelay $0x4  }
0xc4: {  	v62 =	vshll.u32 v3, $0x1  }
0xc5: {  	v3 =	vand.u32 $0x7, v3;
	v4 =	vand.u32 $0xFFFFFFF0, v62  }
0xc6: {  	v3 =	vor.u32 v3, v4  }
0xc7: {  	v4 =	vperm.xlane v3, v0;
	_ =	sdelay $0x1  }
0xc8: {  	v3 =	vperm.xlane v3, v2;
	v4 =	vadd.s32 v1, v4;
	_ =	sdelay $0x1  }
0xc9: {  	v3 =	vadd.s32 v1, v3;
	_ =	sdelay $0x2  }
0xca: {  	[tilespmem:s17], [sflag:$0x2] =	stream.indirect_vreg.gather [hbm4b:s1+s2], $0x80, v4, vm0, $0xb8;
	[tilespmem:$0x10100] =	vst v63  }
0xcb: {  	_ = 	snop  }
0xcc: {  	[tilespmem:s18], [sflag:$0x2] =	stream.indirect_vreg.gather [hbm4b:s1+s2], $0x80, v3, vm0, $0xb8;
	[tilespmem:$0x10100] =	vst v63  }
0xcd: {  	v3 =	vld [tilespmem:$0xF0];
	_ =	sdelay $0x4  }
0xce: {  	v63 =	vshll.u32 v3, $0x1  }
0xcf: {  	v3 =	vand.u32 $0x7, v3;
	v4 =	vand.u32 $0xFFFFFFF0, v63  }
0xd0: {  	v3 =	vor.u32 v3, v4  }
0xd1: {  	v4 =	vperm.xlane v3, v0;
	_ =	sdelay $0x1  }
0xd2: {  	v3 =	vperm.xlane v3, v2;
	v4 =	vadd.s32 v1, v4;
	_ =	sdelay $0x1  }
0xd3: {  	v3 =	vadd.s32 v1, v3;
	_ =	sdelay $0x2  }
0xd4: {  	[tilespmem:s19], [sflag:$0x2] =	stream.indirect_vreg.gather [hbm4b:s1+s2], $0x80, v4, vm0, $0xb8;
	[tilespmem:$0x10100] =	vst v63  }
0xd5: {  	_ = 	snop  }
0xd6: {  	[tilespmem:s20], [sflag:$0x2] =	stream.indirect_vreg.gather [hbm4b:s1+s2], $0x80, v3, vm0, $0xb8;
	[tilespmem:$0x10100] =	vst v63  }
0xd7: {  	_ =	swait.ge [sflag:s21], $0x8000  }
0xd8: {  	p0 =	seq.s32 s26, $0x3E0;
	[sflag:s21] =	ssyncset.done $0x0  }
.Ltmp4:
0xd9: {  	[sflag:s21] =	ssyncadd.s32 $0xFFFF8000;
	(pc) =	sbr.rel @p0 .LBB2_4-.Ltmp4, $4  }
0xda: {  	[hbm4b:s25+s2] =	stream.linear.scatter [tilespmem:s12], [sflag:$0x3], $0x8000, $0x38;
	[tilespmem:$0x10100] =	vst v63  }
0xdb: {  	_ =	swait.ge [sflag:s22], $0x8000  }
0xdc: {  	[sflag:s22] =	ssyncset.done $0x0  }
0xdd: {  	[sflag:s22] =	ssyncadd.s32 $0xFFFF8000  }
0xde: {  	s9 =	rddreg [dreg:$0x6]  }
0xdf: {  	s9 =	sadd.s32 s26, s9  }
0xe0: {  	[tilespmem:s2], [sflag:$0x4] =	stream.linear.gather [hbm4b:s9+s2], $0x80, $0x38;
	[tilespmem:$0x10100] =	vst v63  }
0xe1: {  	_ =	swait.ge [sflag:s11], $0x80  }
0xe2: {  	[sflag:s11] =	ssyncset.done $0x0  }
0xe3: {  	[sflag:s11] =	ssyncadd.s32 $0xFFFFFF80  }
0xe4: {  	v3 =	vld [tilespmem:$0x0];
	_ =	sdelay $0x4  }
0xe5: {  	v4 =	vshll.u32 v3, $0x1  }
0xe6: {  	v3 =	vand.u32 $0x7, v3;
	v4 =	vand.u32 $0xFFFFFFF0, v4  }
0xe7: {  	v3 =	vor.u32 v3, v4  }
0xe8: {  	v4 =	vperm.xlane v3, v0;
	_ =	sdelay $0x1  }
0xe9: {  	v3 =	vperm.xlane v3, v2;
	v4 =	vadd.s32 v1, v4;
	_ =	sdelay $0x1  }
0xea: {  	v3 =	vadd.s32 v1, v3;
	_ =	sdelay $0x2  }
0xeb: {  	[tilespmem:s12], [sflag:$0x1] =	stream.indirect_vreg.gather [hbm4b:s1+s2], $0x80, v4, vm0, $0xb8;
	[tilespmem:$0x10100] =	vst v63  }
0xec: {  	s28 =	simm.s32 $0x900  }
0xed: {  	[tilespmem:s28], [sflag:$0x1] =	stream.indirect_vreg.gather [hbm4b:s1+s2], $0x80, v3, vm0, $0xb8;
	[tilespmem:$0x10100] =	vst v63  }
0xee: {  	v3 =	vld [tilespmem:$0x10];
	_ =	sdelay $0x4  }
0xef: {  	v57 =	vshll.u32 v3, $0x1  }
0xf0: {  	v3 =	vand.u32 $0x7, v3;
	v4 =	vand.u32 $0xFFFFFFF0, v57  }
0xf1: {  	v3 =	vor.u32 v3, v4  }
0xf2: {  	v4 =	vperm.xlane v3, v0;
	_ =	sdelay $0x1  }
0xf3: {  	v3 =	vperm.xlane v3, v2;
	v4 =	vadd.s32 v1, v4;
	_ =	sdelay $0x1  }
0xf4: {  	v3 =	vadd.s32 v1, v3;
	_ =	sdelay $0x1  }
0xf5: {  	s28 =	simm.s32 $0x1100  }
0xf6: {  	[tilespmem:s28], [sflag:$0x1] =	stream.indirect_vreg.gather [hbm4b:s1+s2], $0x80, v4, vm0, $0xb8;
	[tilespmem:$0x10100] =	vst v63  }
0xf7: {  	s28 =	simm.s32 $0x1900  }
0xf8: {  	[tilespmem:s28], [sflag:$0x1] =	stream.indirect_vreg.gather [hbm4b:s1+s2], $0x80, v3, vm0, $0xb8;
	[tilespmem:$0x10100] =	vst v63  }
0xf9: {  	v3 =	vld [tilespmem:$0x20];
	_ =	sdelay $0x4  }
0xfa: {  	v58 =	vshll.u32 v3, $0x1  }
0xfb: {  	v3 =	vand.u32 $0x7, v3;
	v4 =	vand.u32 $0xFFFFFFF0, v58  }
0xfc: {  	v3 =	vor.u32 v3, v4  }
0xfd: {  	v4 =	vperm.xlane v3, v0;
	_ =	sdelay $0x1  }
0xfe: {  	v3 =	vperm.xlane v3, v2;
	v4 =	vadd.s32 v1, v4;
	_ =	sdelay $0x1  }
0xff: {  	v3 =	vadd.s32 v1, v3;
	_ =	sdelay $0x1  }
0x100: {  	s28 =	simm.s32 $0x2100  }
0x101: {  	[tilespmem:s28], [sflag:$0x1] =	stream.indirect_vreg.gather [hbm4b:s1+s2], $0x80, v4, vm0, $0xb8;
	[tilespmem:$0x10100] =	vst v63  }
0x102: {  	s28 =	simm.s32 $0x2900  }
0x103: {  	[tilespmem:s28], [sflag:$0x1] =	stream.indirect_vreg.gather [hbm4b:s1+s2], $0x80, v3, vm0, $0xb8;
	[tilespmem:$0x10100] =	vst v63  }
0x104: {  	v3 =	vld [tilespmem:$0x30];
	_ =	sdelay $0x4  }
0x105: {  	v59 =	vshll.u32 v3, $0x1  }
0x106: {  	v3 =	vand.u32 $0x7, v3;
	v4 =	vand.u32 $0xFFFFFFF0, v59  }
0x107: {  	v3 =	vor.u32 v3, v4  }
0x108: {  	v4 =	vperm.xlane v3, v0;
	_ =	sdelay $0x1  }
0x109: {  	v3 =	vperm.xlane v3, v2;
	v4 =	vadd.s32 v1, v4;
	_ =	sdelay $0x1  }
0x10a: {  	v3 =	vadd.s32 v1, v3;
	_ =	sdelay $0x1  }
0x10b: {  	s28 =	simm.s32 $0x3100  }
0x10c: {  	[tilespmem:s28], [sflag:$0x1] =	stream.indirect_vreg.gather [hbm4b:s1+s2], $0x80, v4, vm0, $0xb8;
	[tilespmem:$0x10100] =	vst v63  }
0x10d: {  	s28 =	simm.s32 $0x3900  }
0x10e: {  	[tilespmem:s28], [sflag:$0x1] =	stream.indirect_vreg.gather [hbm4b:s1+s2], $0x80, v3, vm0, $0xb8;
	[tilespmem:$0x10100] =	vst v63  }
0x10f: {  	v3 =	vld [tilespmem:$0x40];
	_ =	sdelay $0x4  }
0x110: {  	v60 =	vshll.u32 v3, $0x1  }
0x111: {  	v3 =	vand.u32 $0x7, v3;
	v4 =	vand.u32 $0xFFFFFFF0, v60  }
0x112: {  	v3 =	vor.u32 v3, v4  }
0x113: {  	v4 =	vperm.xlane v3, v0;
	_ =	sdelay $0x1  }
0x114: {  	v3 =	vperm.xlane v3, v2;
	v4 =	vadd.s32 v1, v4;
	_ =	sdelay $0x1  }
0x115: {  	v3 =	vadd.s32 v1, v3;
	_ =	sdelay $0x1  }
0x116: {  	s28 =	simm.s32 $0x4100  }
0x117: {  	[tilespmem:s28], [sflag:$0x1] =	stream.indirect_vreg.gather [hbm4b:s1+s2], $0x80, v4, vm0, $0xb8;
	[tilespmem:$0x10100] =	vst v63  }
0x118: {  	s28 =	simm.s32 $0x4900  }
0x119: {  	[tilespmem:s28], [sflag:$0x1] =	stream.indirect_vreg.gather [hbm4b:s1+s2], $0x80, v3, vm0, $0xb8;
	[tilespmem:$0x10100] =	vst v63  }
0x11a: {  	v3 =	vld [tilespmem:$0x50];
	_ =	sdelay $0x4  }
0x11b: {  	v61 =	vshll.u32 v3, $0x1  }
0x11c: {  	v3 =	vand.u32 $0x7, v3;
	v4 =	vand.u32 $0xFFFFFFF0, v61  }
0x11d: {  	v3 =	vor.u32 v3, v4  }
0x11e: {  	v4 =	vperm.xlane v3, v0;
	_ =	sdelay $0x1  }
0x11f: {  	v3 =	vperm.xlane v3, v2;
	v4 =	vadd.s32 v1, v4;
	_ =	sdelay $0x1  }
0x120: {  	v3 =	vadd.s32 v1, v3;
	_ =	sdelay $0x1  }
0x121: {  	s28 =	simm.s32 $0x5100  }
0x122: {  	[tilespmem:s28], [sflag:$0x1] =	stream.indirect_vreg.gather [hbm4b:s1+s2], $0x80, v4, vm0, $0xb8;
	[tilespmem:$0x10100] =	vst v63  }
0x123: {  	s28 =	simm.s32 $0x5900  }
0x124: {  	[tilespmem:s28], [sflag:$0x1] =	stream.indirect_vreg.gather [hbm4b:s1+s2], $0x80, v3, vm0, $0xb8;
	[tilespmem:$0x10100] =	vst v63  }
0x125: {  	v3 =	vld [tilespmem:$0x60];
	_ =	sdelay $0x4  }
0x126: {  	v62 =	vshll.u32 v3, $0x1  }
0x127: {  	v3 =	vand.u32 $0x7, v3;
	v4 =	vand.u32 $0xFFFFFFF0, v62  }
0x128: {  	v3 =	vor.u32 v3, v4  }
0x129: {  	v4 =	vperm.xlane v3, v0;
	_ =	sdelay $0x1  }
0x12a: {  	v3 =	vperm.xlane v3, v2;
	v4 =	vadd.s32 v1, v4;
	_ =	sdelay $0x1  }
0x12b: {  	v3 =	vadd.s32 v1, v3;
	_ =	sdelay $0x1  }
0x12c: {  	s28 =	simm.s32 $0x6100  }
0x12d: {  	[tilespmem:s28], [sflag:$0x1] =	stream.indirect_vreg.gather [hbm4b:s1+s2], $0x80, v4, vm0, $0xb8;
	[tilespmem:$0x10100] =	vst v63  }
0x12e: {  	s28 =	simm.s32 $0x6900  }
0x12f: {  	[tilespmem:s28], [sflag:$0x1] =	stream.indirect_vreg.gather [hbm4b:s1+s2], $0x80, v3, vm0, $0xb8;
	[tilespmem:$0x10100] =	vst v63  }
0x130: {  	v3 =	vld [tilespmem:$0x70];
	_ =	sdelay $0x4  }
0x131: {  	v63 =	vshll.u32 v3, $0x1  }
0x132: {  	v3 =	vand.u32 $0x7, v3;
	v4 =	vand.u32 $0xFFFFFFF0, v63  }
0x133: {  	v3 =	vor.u32 v3, v4  }
0x134: {  	v4 =	vperm.xlane v3, v0;
	_ =	sdelay $0x1  }
0x135: {  	v3 =	vperm.xlane v3, v2;
	v4 =	vadd.s32 v1, v4;
	_ =	sdelay $0x1  }
0x136: {  	v3 =	vadd.s32 v1, v3  }
.Ltmp5:
0x137: {  	_ = 	snop;
	(pc) =	sbr.rel .LBB2_4-.Ltmp5, $4  }
0x138: {  	s28 =	simm.s32 $0x7100  }
0x139: {  	[tilespmem:s28], [sflag:$0x1] =	stream.indirect_vreg.gather [hbm4b:s1+s2], $0x80, v4, vm0, $0xb8;
	[tilespmem:$0x10100] =	vst v63  }
0x13a: {  	s28 =	simm.s32 $0x7900  }
0x13b: {  	[tilespmem:s28], [sflag:$0x1] =	stream.indirect_vreg.gather [hbm4b:s1+s2], $0x80, v3, vm0, $0xb8;
	[tilespmem:$0x10100] =	vst v63  }
.LBB2_6:
0x13c: {  	_ =	sfence.sel $0x180000  }
0x13d: {  	[bflag:$0x0] =	sbarrier.arrive $0xFFFF  }
0x13e: {  	_ =	strace $0x90000047  }
0x13f: {  	s0 =	stileid.u32;
	[bflag:$0x2] =	sbarrier.arrive $0xFFFF  }
0x140: {  	p0 =	sne.s32 s0, $0x0;
	s0 =	rddreg [dreg:$0x2]  }
0x141: {  	s0 =	sadd.s32 @!p0 $0x100000, s0  }
0x142: {  	[sflag:s0] =	ssyncadd.tile.s32 @!p0 $0x1;
	_ =	shalt  }
.Lfunc_end2:
_tile_overlayer_lowered:
.L_overlay_start_2:
0x143: {  	(tag) =	ssettag $0x2  }
0x144: {  	s0 =	rddreg [dreg:$0x0];
	s2 =	stileid.u32  }
0x145: {  	s1 =	rddreg [dreg:$0x1];
	p0 =	sne.s32 s2, $0x0  }
0x146: {  	s3 =	rddreg [dreg:$0x2];
	[bflag:$0x3] =	sbarrier.arrive $0xFFFF;
	s2 =	simm.s32 @!p0 $0x1C04  }
0x147: {  	[timem:s3], [sflag:s2] =	dma.local @!p0 [hbm:s0], s1  }
0x148: {  	s0 =	simm.s32 @!p0 $0x4  }
0x149: {  	_ =	swait.ge @!p0 [sflag:s0], s1  }
0x14a: {  	s1 =	ssub.s32 @!p0 $0x0, s1;
	[sflag:s0] =	ssyncset.done @!p0 $0x0  }
0x14b: {  	[sflag:s0] =	ssyncadd.s32 @!p0 s1  }
0x14c: {  	[bflag:$0x3] =	sbarrier.arrive $0xFFFF  }
0x14d: {  	_ =	shalt  }

</sc_bundles>
